<compile_context>
chip_gen: v7x
topology: tpu7x:2x2x1
jax: 0.10.2.dev20260603
libtpu: 0.0.44.dev20260713+nightly
codegen_flags: <defaults>
</compile_context>

<pallas_src>
import functools

import jax
import jax.numpy as jnp
from jax import lax
from jax.experimental import pallas as pl
from jax.experimental.pallas import tpu as pltpu
from jax.experimental.pallas import tpu_sc as plsc

NUM_EMBEDDINGS = 1024
EMBEDDING_DIM = 64
COMMITMENT_COST = 0.25
KL_WEIGHT = 1.0

ROWS_PER_BLOCK = 1024
N_TOKENS = 16 * 1024
N_TOKEN_CHUNKS = 2
CHUNK_TOKENS = N_TOKENS // N_TOKEN_CHUNKS

SC_CORES = 2
SC_SUBCORES = 16
SC_WORKERS = SC_CORES * SC_SUBCORES
B_PER_W = CHUNK_TOKENS // SC_WORKERS
GATHER_CHUNK = 128
N_CHUNKS = B_PER_W // GATHER_CHUNK


def _argmin_body(x_ref, emb_ref, idx_ref, lsum_ref, col_ref, acc_ref):
    i = pl.program_id(0)
    nblocks = pl.num_programs(0)

    x = x_ref[:, :]
    emb = emb_ref[:, :]

    @pl.when(i == 0)
    def _():
        col_ref[:, :] = lax.broadcasted_iota(
            jnp.int32, (ROWS_PER_BLOCK, NUM_EMBEDDINGS), 1)
        acc_ref[0] = 0.0

    xsq = jnp.sum(x * x, axis=1, keepdims=True)
    esq = jnp.sum(emb * emb, axis=1, keepdims=True)
    mm2 = lax.dot_general(
        x * (-2.0), emb, (((1,), (1,)), ((), ())),
        preferred_element_type=jnp.float32)
    d = (xsq + esq.reshape(1, NUM_EMBEDDINGS)) + mm2

    min_d = jnp.min(d, axis=1, keepdims=True)
    idx = jnp.min(jnp.where(d == min_d, col_ref[:, :], NUM_EMBEDDINGS),
                  axis=1, keepdims=True)
    idx_ref[:, :] = idx

    acc_ref[0] += jnp.sum(min_d)

    @pl.when(i == nblocks - 1)
    def _():
        lsum_ref[0, 0] = acc_ref[0]


def _gather_count_body(table_hbm, idx_hbm, out_hbm, cnt_hbm,
                       idx_v, idx_flat_v, rows_v, ones_v, zcnt_v,
                       shared_cnt, sem):
    cid = lax.axis_index("c")
    sid = lax.axis_index("s")
    wid = sid * SC_CORES + cid
    base = wid * B_PER_W
    for c in range(N_CHUNKS):
        pltpu.sync_copy(idx_hbm.at[pl.ds(base + c * GATHER_CHUNK,
                                         GATHER_CHUNK)], idx_v.at[c])
    pltpu.sync_copy(idx_hbm.at[pl.ds(base, B_PER_W)], idx_flat_v)
    cps = [pltpu.async_copy(table_hbm.at[idx_v.at[c]], rows_v.at[c], sem)
           for c in range(N_CHUNKS)]
    L = 16
    for j in range(NUM_EMBEDDINGS // L):
        zcnt_v[pl.ds(j * L, L)] = jnp.zeros((L,), jnp.float32)
    for j in range(B_PER_W // L):
        ones_v[pl.ds(j * L, L)] = jnp.ones((L,), jnp.float32)

    @pl.when(sid == 0)
    def _():
        pltpu.sync_copy(zcnt_v, shared_cnt)
    plsc.subcore_barrier()
    pltpu.sync_copy(ones_v, shared_cnt.at[idx_flat_v], add=True)
    plsc.subcore_barrier()

    @pl.when(sid == 0)
    def _():
        pltpu.sync_copy(shared_cnt, cnt_hbm.at[cid])
    for c in range(N_CHUNKS):
        cps[c].wait()
        pltpu.sync_copy(rows_v.at[c],
                        out_hbm.at[pl.ds(base + c * GATHER_CHUNK,
                                         GATHER_CHUNK)])


def _kl_body(cnt_ref, prior_ref, lsum_ref, loss_ref):
    counts = jnp.sum(cnt_ref[:, :], axis=0, keepdims=True)
    probs = counts / float(N_TOKENS)
    prior = prior_ref[:, :]
    kl = jnp.sum(probs * (jnp.log(probs + 1e-10) - jnp.log(prior + 1e-10)))
    e_latent = lsum_ref[0, 0] / float(N_TOKENS * EMBEDDING_DIM)
    loss_ref[0, 0] = (1.0 + COMMITMENT_COST) * e_latent + KL_WEIGHT * kl


def _tc_argmin(flat_x, embeddings, ci):
    nblocks = CHUNK_TOKENS // ROWS_PER_BLOCK
    base = ci * nblocks
    return pl.pallas_call(
        _argmin_body,
        grid=(nblocks,),
        in_specs=[
            pl.BlockSpec((ROWS_PER_BLOCK, EMBEDDING_DIM),
                         lambda i: (base + i, 0)),
            pl.BlockSpec((NUM_EMBEDDINGS, EMBEDDING_DIM), lambda i: (0, 0)),
        ],
        out_specs=[
            pl.BlockSpec((ROWS_PER_BLOCK, 1), lambda i: (i, 0)),
            pl.BlockSpec(memory_space=pltpu.SMEM),
        ],
        out_shape=[
            jax.ShapeDtypeStruct((CHUNK_TOKENS, 1), jnp.int32),
            jax.ShapeDtypeStruct((1, 1), jnp.float32),
        ],
        scratch_shapes=[
            pltpu.VMEM((ROWS_PER_BLOCK, NUM_EMBEDDINGS), jnp.int32),
            pltpu.SMEM((1,), jnp.float32),
        ],
    )(flat_x, embeddings)


_sc_gather = functools.partial(
    pl.kernel,
    mesh=plsc.VectorSubcoreMesh(core_axis_name="c", subcore_axis_name="s"),
    compiler_params=pltpu.CompilerParams(use_tc_tiling_on_sc=False),
    out_type=[
        jax.ShapeDtypeStruct((CHUNK_TOKENS, EMBEDDING_DIM), jnp.float32),
        jax.ShapeDtypeStruct((SC_CORES, NUM_EMBEDDINGS), jnp.float32),
    ],
    scratch_types=[
        pltpu.VMEM((N_CHUNKS, GATHER_CHUNK), jnp.int32),
        pltpu.VMEM((B_PER_W,), jnp.int32),
        pltpu.VMEM((N_CHUNKS, GATHER_CHUNK, EMBEDDING_DIM), jnp.float32),
        pltpu.VMEM((B_PER_W,), jnp.float32),
        pltpu.VMEM((NUM_EMBEDDINGS,), jnp.float32),
        pltpu.VMEM_SHARED((NUM_EMBEDDINGS,), jnp.float32),
        pltpu.SemaphoreType.DMA,
    ],
)(_gather_count_body)


def kernel(x, embeddings, running_prior):
    flat_x = x.reshape(-1, EMBEDDING_DIM)
    prior2d = running_prior.reshape(1, NUM_EMBEDDINGS)

    qs, cnts, lsums = [], [], []
    for ci in range(N_TOKEN_CHUNKS):
        idx, lsum = _tc_argmin(flat_x, embeddings, ci)
        q, cnt = _sc_gather(embeddings, idx.reshape(CHUNK_TOKENS))
        qs.append(q)
        cnts.append(cnt)
        lsums.append(lsum)

    cnt_all = jnp.concatenate(cnts, axis=0)
    lsum_all = lsums[0] + lsums[1]

    loss = pl.pallas_call(
        _kl_body,
        in_specs=[
            pl.BlockSpec((N_TOKEN_CHUNKS * SC_CORES, NUM_EMBEDDINGS),
                         lambda: (0, 0)),
            pl.BlockSpec((1, NUM_EMBEDDINGS), lambda: (0, 0)),
            pl.BlockSpec(memory_space=pltpu.SMEM),
        ],
        out_specs=pl.BlockSpec(memory_space=pltpu.SMEM),
        out_shape=jax.ShapeDtypeStruct((1, 1), jnp.float32),
    )(cnt_all, prior2d, lsum_all)

    quantized = jnp.concatenate(qs, axis=0)
    return quantized.reshape(x.shape), loss.reshape(())

# --- scband reference (transcript-rebuilt; emitter-appended) ---
"""Pipeline reference for scband-vector-quantizer-ema-83537113907801 (READ-ONLY COPY).

The authoritative reference and input builder live on the scoring server;
editing this copy changes nothing except your own understanding.
"""

import jax, jax.numpy as jnp
import numpy as np

NUM_EMBEDDINGS = 1024
EMBEDDING_DIM = 64
COMMITMENT_COST = 0.25
KL_WEIGHT = 1.0


def setup_inputs(seed: int = 0) -> dict:
    key = jax.random.key(seed)
    k1, k2 = jax.random.split(key)
    x = jax.random.normal(k1, (16, 1024, EMBEDDING_DIM), dtype=jnp.float32)
    embeddings = jax.random.uniform(
        k2, (NUM_EMBEDDINGS, EMBEDDING_DIM), dtype=jnp.float32,
        minval=-1.0 / NUM_EMBEDDINGS, maxval=1.0 / NUM_EMBEDDINGS)
    running_prior = jnp.ones((NUM_EMBEDDINGS,), dtype=jnp.float32) / NUM_EMBEDDINGS
    return {"x": x, "embeddings": embeddings, "running_prior": running_prior}


def reference(x, embeddings, running_prior):
    flat_x = x.reshape(-1, EMBEDDING_DIM)
    distances = (jnp.sum(flat_x ** 2, axis=1, keepdims=True)
                 + jnp.sum(embeddings ** 2, axis=1)
                 - 2.0 * jnp.matmul(flat_x, embeddings.T))
    encoding_indices = jnp.argmin(distances, axis=1)
    quantized = jnp.take(embeddings, encoding_indices, axis=0).reshape(x.shape)
    e_latent_loss = jnp.mean((jax.lax.stop_gradient(quantized) - x) ** 2)
    q_latent_loss = jnp.mean((quantized - jax.lax.stop_gradient(x)) ** 2)
    loss = q_latent_loss + COMMITMENT_COST * e_latent_loss
    probabilities = jnp.bincount(encoding_indices, length=NUM_EMBEDDINGS).astype(jnp.float32) / flat_x.shape[0]
    kl_div_reg = jnp.sum(probabilities * (jnp.log(probabilities + 1e-10) - jnp.log(running_prior + 1e-10)))
    total_loss = loss + KL_WEIGHT * kl_div_reg
    quantized_st = x + jax.lax.stop_gradient(quantized - x)
    return quantized_st, total_loss

if __name__ == "__main__":
    import jax
    _d = setup_inputs()
    print(jax.jit(kernel)(*tuple(_d.values())))

</pallas_src>

<mosaic_0001>
#map = affine_map<(d0, d1) -> (0, 0)>
#map1 = affine_map<(d0, d1) -> (0)>
module attributes {stable_mosaic.version = 14 : i64} {
  func.func @_gather_count_body(%arg0: i32, %arg1: i32, %arg2: memref<1024x64xf32, #tpu.memory_space<hbm>>, %arg3: memref<8192xi32, #tpu.memory_space<hbm>>, %arg4: memref<8192x64xf32, #tpu.memory_space<hbm>>, %arg5: memref<2x1024xf32, #tpu.memory_space<hbm>>, %arg6: memref<2x128xi32, #tpu.memory_space<vmem>>, %arg7: memref<256xi32, #tpu.memory_space<vmem>>, %arg8: memref<2x128x64xf32, #tpu.memory_space<vmem>>, %arg9: memref<256xf32, #tpu.memory_space<vmem>>, %arg10: memref<1024xf32, #tpu.memory_space<vmem>>, %arg11: memref<1024xf32, #tpu.memory_space<vmem_shared>>, %arg12: memref<!tpu.dma_semaphore, #tpu.memory_space<semaphore_mem>>) attributes {dimension_semantics = [#tpu.dimension_semantics<core_parallel>, #tpu.dimension_semantics<subcore_parallel>], iteration_bounds = array<i64: 2, 16>, scalar_prefetch = 0 : i64, scratch_operands = 7 : i64, tpu.core_type = #tpu.core_type<sc_vector_subcore>, window_params = [{transform_indices = #map}, {transform_indices = #map1}, {transform_indices = #map}, {transform_indices = #map}]} {
    %mul3A = arith.constant 2 : i32
    %mul3A_0 = arith.muli %arg1, %mul3A : i32
    %add3A = arith.addi %mul3A_0, %arg0 : i32
    %mul3A_1 = arith.constant 256 : i32
    %mul3A_2 = arith.muli %add3A, %mul3A_1 : i32
    %add3A_3 = arith.constant 0 : i32
    %add3A_4 = arith.addi %mul3A_2, %add3A_3 : i32
    %run_scoped3A = arith.constant 0 : i32
    "tpu.region"() ({
      %run_scoped3A_546 = tpu.sem_alloc : memref<!tpu.dma_semaphore, #tpu.memory_space<semaphore_mem>>
      %dma_start3A_547 = arith.constant 0 : i32
      %dma_start3A_548 = tpu.memref_slice %arg6[%run_scoped3A, %dma_start3A_547] : memref<2x128xi32, #tpu.memory_space<vmem>> -> memref<1x128xi32, #tpu.memory_space<vmem>>
      %dma_start3A_549 = tpu.memref_squeeze %dma_start3A_548 : memref<1x128xi32, #tpu.memory_space<vmem>> -> memref<128xi32, #tpu.memory_space<vmem>>
      %dma_start3A_550 = tpu.memref_slice %arg3[%add3A_4] : memref<8192xi32, #tpu.memory_space<hbm>> -> memref<128xi32, #tpu.memory_space<hbm>>
      %dma_start3A_551 = arith.constant 0 : i32
      %dma_start3A_552 = tpu.memref_slice %arg6[%run_scoped3A, %dma_start3A_551] : memref<2x128xi32, #tpu.memory_space<vmem>> -> memref<1x128xi32, #tpu.memory_space<vmem>>
      %dma_start3A_553 = tpu.memref_squeeze %dma_start3A_552 : memref<1x128xi32, #tpu.memory_space<vmem>> -> memref<128xi32, #tpu.memory_space<vmem>>
      %dma_start3A_554 = tpu.memref_slice %arg3[%add3A_4] : memref<8192xi32, #tpu.memory_space<hbm>> -> memref<128xi32, #tpu.memory_space<hbm>>
      tpu.enqueue_dma source(%dma_start3A_554 : memref<128xi32, #tpu.memory_space<hbm>>) target(%dma_start3A_553 : memref<128xi32, #tpu.memory_space<vmem>>) target_semaphore(%run_scoped3A_546 : memref<!tpu.dma_semaphore, #tpu.memory_space<semaphore_mem>>)
      %dma_wait3A_555 = arith.constant 0 : i32
      %dma_wait3A_556 = tpu.memref_slice %arg6[%run_scoped3A, %dma_wait3A_555] : memref<2x128xi32, #tpu.memory_space<vmem>> -> memref<1x128xi32, #tpu.memory_space<vmem>>
      %dma_wait3A_557 = tpu.memref_squeeze %dma_wait3A_556 : memref<1x128xi32, #tpu.memory_space<vmem>> -> memref<128xi32, #tpu.memory_space<vmem>>
      %dma_wait3A_558 = tpu.memref_slice %arg3[%add3A_4] : memref<8192xi32, #tpu.memory_space<hbm>> -> memref<128xi32, #tpu.memory_space<hbm>>
      %dma_wait3A_559 = arith.constant 0 : i32
      %dma_wait3A_560 = tpu.memref_slice %arg6[%run_scoped3A, %dma_wait3A_559] : memref<2x128xi32, #tpu.memory_space<vmem>> -> memref<1x128xi32, #tpu.memory_space<vmem>>
      %dma_wait3A_561 = tpu.memref_squeeze %dma_wait3A_560 : memref<1x128xi32, #tpu.memory_space<vmem>> -> memref<128xi32, #tpu.memory_space<vmem>>
      %dma_wait3A_562 = tpu.memref_slice %arg3[%add3A_4] : memref<8192xi32, #tpu.memory_space<hbm>> -> memref<128xi32, #tpu.memory_space<hbm>>
      tpu.wait_dma2 semaphore(%run_scoped3A_546 : memref<!tpu.dma_semaphore, #tpu.memory_space<semaphore_mem>>) src(%dma_wait3A_562 : memref<128xi32, #tpu.memory_space<hbm>>) dst(%dma_wait3A_561 : memref<128xi32, #tpu.memory_space<vmem>>)
      tpu.yield
    }) : () -> ()
    %add3A_5 = arith.constant 128 : i32
    %add3A_6 = arith.addi %mul3A_2, %add3A_5 : i32
    %run_scoped3A_7 = arith.constant 1 : i32
    "tpu.region"() ({
      %run_scoped3A_546 = tpu.sem_alloc : memref<!tpu.dma_semaphore, #tpu.memory_space<semaphore_mem>>
      %dma_start3A_547 = arith.constant 0 : i32
      %dma_start3A_548 = tpu.memref_slice %arg6[%run_scoped3A_7, %dma_start3A_547] : memref<2x128xi32, #tpu.memory_space<vmem>> -> memref<1x128xi32, #tpu.memory_space<vmem>>
      %dma_start3A_549 = tpu.memref_squeeze %dma_start3A_548 : memref<1x128xi32, #tpu.memory_space<vmem>> -> memref<128xi32, #tpu.memory_space<vmem>>
      %dma_start3A_550 = tpu.memref_slice %arg3[%add3A_6] : memref<8192xi32, #tpu.memory_space<hbm>> -> memref<128xi32, #tpu.memory_space<hbm>>
      %dma_start3A_551 = arith.constant 0 : i32
      %dma_start3A_552 = tpu.memref_slice %arg6[%run_scoped3A_7, %dma_start3A_551] : memref<2x128xi32, #tpu.memory_space<vmem>> -> memref<1x128xi32, #tpu.memory_space<vmem>>
      %dma_start3A_553 = tpu.memref_squeeze %dma_start3A_552 : memref<1x128xi32, #tpu.memory_space<vmem>> -> memref<128xi32, #tpu.memory_space<vmem>>
      %dma_start3A_554 = tpu.memref_slice %arg3[%add3A_6] : memref<8192xi32, #tpu.memory_space<hbm>> -> memref<128xi32, #tpu.memory_space<hbm>>
      tpu.enqueue_dma source(%dma_start3A_554 : memref<128xi32, #tpu.memory_space<hbm>>) target(%dma_start3A_553 : memref<128xi32, #tpu.memory_space<vmem>>) target_semaphore(%run_scoped3A_546 : memref<!tpu.dma_semaphore, #tpu.memory_space<semaphore_mem>>)
      %dma_wait3A_555 = arith.constant 0 : i32
      %dma_wait3A_556 = tpu.memref_slice %arg6[%run_scoped3A_7, %dma_wait3A_555] : memref<2x128xi32, #tpu.memory_space<vmem>> -> memref<1x128xi32, #tpu.memory_space<vmem>>
      %dma_wait3A_557 = tpu.memref_squeeze %dma_wait3A_556 : memref<1x128xi32, #tpu.memory_space<vmem>> -> memref<128xi32, #tpu.memory_space<vmem>>
      %dma_wait3A_558 = tpu.memref_slice %arg3[%add3A_6] : memref<8192xi32, #tpu.memory_space<hbm>> -> memref<128xi32, #tpu.memory_space<hbm>>
      %dma_wait3A_559 = arith.constant 0 : i32
      %dma_wait3A_560 = tpu.memref_slice %arg6[%run_scoped3A_7, %dma_wait3A_559] : memref<2x128xi32, #tpu.memory_space<vmem>> -> memref<1x128xi32, #tpu.memory_space<vmem>>
      %dma_wait3A_561 = tpu.memref_squeeze %dma_wait3A_560 : memref<1x128xi32, #tpu.memory_space<vmem>> -> memref<128xi32, #tpu.memory_space<vmem>>
      %dma_wait3A_562 = tpu.memref_slice %arg3[%add3A_6] : memref<8192xi32, #tpu.memory_space<hbm>> -> memref<128xi32, #tpu.memory_space<hbm>>
      tpu.wait_dma2 semaphore(%run_scoped3A_546 : memref<!tpu.dma_semaphore, #tpu.memory_space<semaphore_mem>>) src(%dma_wait3A_562 : memref<128xi32, #tpu.memory_space<hbm>>) dst(%dma_wait3A_561 : memref<128xi32, #tpu.memory_space<vmem>>)
      tpu.yield
    }) : () -> ()
    "tpu.region"() ({
      %run_scoped3A_546 = tpu.sem_alloc : memref<!tpu.dma_semaphore, #tpu.memory_space<semaphore_mem>>
      %dma_start3A_547 = tpu.memref_slice %arg3[%mul3A_2] : memref<8192xi32, #tpu.memory_space<hbm>> -> memref<256xi32, #tpu.memory_space<hbm>>
      %dma_start3A_548 = tpu.memref_slice %arg3[%mul3A_2] : memref<8192xi32, #tpu.memory_space<hbm>> -> memref<256xi32, #tpu.memory_space<hbm>>
      tpu.enqueue_dma source(%dma_start3A_548 : memref<256xi32, #tpu.memory_space<hbm>>) target(%arg7 : memref<256xi32, #tpu.memory_space<vmem>>) target_semaphore(%run_scoped3A_546 : memref<!tpu.dma_semaphore, #tpu.memory_space<semaphore_mem>>)
      %dma_wait3A_549 = tpu.memref_slice %arg3[%mul3A_2] : memref<8192xi32, #tpu.memory_space<hbm>> -> memref<256xi32, #tpu.memory_space<hbm>>
      %dma_wait3A_550 = tpu.memref_slice %arg3[%mul3A_2] : memref<8192xi32, #tpu.memory_space<hbm>> -> memref<256xi32, #tpu.memory_space<hbm>>
      tpu.wait_dma2 semaphore(%run_scoped3A_546 : memref<!tpu.dma_semaphore, #tpu.memory_space<semaphore_mem>>) src(%dma_wait3A_550 : memref<256xi32, #tpu.memory_space<hbm>>) dst(%arg7 : memref<256xi32, #tpu.memory_space<vmem>>)
      tpu.yield
    }) : () -> ()
    %dma_start3A = arith.constant 0 : i32
    %dma_start3A_8 = arith.constant 0 : i32
    %dma_start3A_9 = arith.constant 0 : i32
    %dma_start3A_10 = arith.constant 0 : i32
    %dma_start3A_11 = tpu.memref_slice %arg8[%dma_start3A_8, %dma_start3A_9, %dma_start3A_10] : memref<2x128x64xf32, #tpu.memory_space<vmem>> -> memref<1x128x64xf32, #tpu.memory_space<vmem>>
    %dma_start3A_12 = tpu.memref_squeeze %dma_start3A_11 : memref<1x128x64xf32, #tpu.memory_space<vmem>> -> memref<128x64xf32, #tpu.memory_space<vmem>>
    %dma_start3A_13 = arith.constant 0 : i32
    %dma_start3A_14 = tpu.memref_slice %arg6[%dma_start3A, %dma_start3A_13] : memref<2x128xi32, #tpu.memory_space<vmem>> -> memref<1x128xi32, #tpu.memory_space<vmem>>
    %dma_start3A_15 = tpu.memref_squeeze %dma_start3A_14 : memref<1x128xi32, #tpu.memory_space<vmem>> -> memref<128xi32, #tpu.memory_space<vmem>>
    %dma_start3A_16 = arith.constant 0 : i32
    %dma_start3A_17 = arith.constant 0 : i32
    %dma_start3A_18 = tpu.memref_slice %arg2[%dma_start3A_16, %dma_start3A_17] : memref<1024x64xf32, #tpu.memory_space<hbm>> -> memref<1024x64xf32, #tpu.memory_space<hbm>>
    tpu.enqueue_indirect_dma source(%dma_start3A_18 : memref<1024x64xf32, #tpu.memory_space<hbm>>) target(%dma_start3A_12 : memref<128x64xf32, #tpu.memory_space<vmem>>) offsets(%dma_start3A_15 : memref<128xi32, #tpu.memory_space<vmem>>) semaphore(%arg12 : memref<!tpu.dma_semaphore, #tpu.memory_space<semaphore_mem>>)
    %dma_start3A_19 = arith.constant 1 : i32
    %dma_start3A_20 = arith.constant 1 : i32
    %dma_start3A_21 = arith.constant 0 : i32
    %dma_start3A_22 = arith.constant 0 : i32
    %dma_start3A_23 = tpu.memref_slice %arg8[%dma_start3A_20, %dma_start3A_21, %dma_start3A_22] : memref<2x128x64xf32, #tpu.memory_space<vmem>> -> memref<1x128x64xf32, #tpu.memory_space<vmem>>
    %dma_start3A_24 = tpu.memref_squeeze %dma_start3A_23 : memref<1x128x64xf32, #tpu.memory_space<vmem>> -> memref<128x64xf32, #tpu.memory_space<vmem>>
    %dma_start3A_25 = arith.constant 0 : i32
    %dma_start3A_26 = tpu.memref_slice %arg6[%dma_start3A_19, %dma_start3A_25] : memref<2x128xi32, #tpu.memory_space<vmem>> -> memref<1x128xi32, #tpu.memory_space<vmem>>
    %dma_start3A_27 = tpu.memref_squeeze %dma_start3A_26 : memref<1x128xi32, #tpu.memory_space<vmem>> -> memref<128xi32, #tpu.memory_space<vmem>>
    %dma_start3A_28 = arith.constant 0 : i32
    %dma_start3A_29 = arith.constant 0 : i32
    %dma_start3A_30 = tpu.memref_slice %arg2[%dma_start3A_28, %dma_start3A_29] : memref<1024x64xf32, #tpu.memory_space<hbm>> -> memref<1024x64xf32, #tpu.memory_space<hbm>>
    tpu.enqueue_indirect_dma source(%dma_start3A_30 : memref<1024x64xf32, #tpu.memory_space<hbm>>) target(%dma_start3A_24 : memref<128x64xf32, #tpu.memory_space<vmem>>) offsets(%dma_start3A_27 : memref<128xi32, #tpu.memory_space<vmem>>) semaphore(%arg12 : memref<!tpu.dma_semaphore, #tpu.memory_space<semaphore_mem>>)
    %broadcast_in_dim3A = arith.constant 0.000000e+00 : f32
    %broadcast_in_dim3A_31 = vector.broadcast %broadcast_in_dim3A : f32 to vector<16xf32>
    %swap3A = arith.constant 0 : index
    %swap3A_32 = tpu.vector_load %arg10[%swap3A] {strides = array<i32>} : memref<1024xf32, #tpu.memory_space<vmem>>, vector<16xf32>,
    %swap3A_33 = vector.shape_cast %swap3A_32 : vector<16xf32> to vector<16xf32>
    %swap3A_34 = vector.shape_cast %broadcast_in_dim3A_31 : vector<16xf32> to vector<16xf32>
    tpu.vector_store %arg10[%swap3A], %swap3A_34 {strides = array<i32>} : memref<1024xf32, #tpu.memory_space<vmem>>, vector<16xf32>,
    %broadcast_in_dim3A_35 = arith.constant 0.000000e+00 : f32
    %broadcast_in_dim3A_36 = vector.broadcast %broadcast_in_dim3A_35 : f32 to vector<16xf32>
    %swap3A_37 = arith.constant 16 : index
    %swap3A_38 = tpu.vector_load %arg10[%swap3A_37] {strides = array<i32>} : memref<1024xf32, #tpu.memory_space<vmem>>, vector<16xf32>,
    %swap3A_39 = vector.shape_cast %swap3A_38 : vector<16xf32> to vector<16xf32>
    %swap3A_40 = vector.shape_cast %broadcast_in_dim3A_36 : vector<16xf32> to vector<16xf32>
    tpu.vector_store %arg10[%swap3A_37], %swap3A_40 {strides = array<i32>} : memref<1024xf32, #tpu.memory_space<vmem>>, vector<16xf32>,
    %broadcast_in_dim3A_41 = arith.constant 0.000000e+00 : f32
    %broadcast_in_dim3A_42 = vector.broadcast %broadcast_in_dim3A_41 : f32 to vector<16xf32>
    %swap3A_43 = arith.constant 32 : index
    %swap3A_44 = tpu.vector_load %arg10[%swap3A_43] {strides = array<i32>} : memref<1024xf32, #tpu.memory_space<vmem>>, vector<16xf32>,
    %swap3A_45 = vector.shape_cast %swap3A_44 : vector<16xf32> to vector<16xf32>
    %swap3A_46 = vector.shape_cast %broadcast_in_dim3A_42 : vector<16xf32> to vector<16xf32>
    tpu.vector_store %arg10[%swap3A_43], %swap3A_46 {strides = array<i32>} : memref<1024xf32, #tpu.memory_space<vmem>>, vector<16xf32>,
    %broadcast_in_dim3A_47 = arith.constant 0.000000e+00 : f32
    %broadcast_in_dim3A_48 = vector.broadcast %broadcast_in_dim3A_47 : f32 to vector<16xf32>
    %swap3A_49 = arith.constant 48 : index
    %swap3A_50 = tpu.vector_load %arg10[%swap3A_49] {strides = array<i32>} : memref<1024xf32, #tpu.memory_space<vmem>>, vector<16xf32>,
    %swap3A_51 = vector.shape_cast %swap3A_50 : vector<16xf32> to vector<16xf32>
    %swap3A_52 = vector.shape_cast %broadcast_in_dim3A_48 : vector<16xf32> to vector<16xf32>
    tpu.vector_store %arg10[%swap3A_49], %swap3A_52 {strides = array<i32>} : memref<1024xf32, #tpu.memory_space<vmem>>, vector<16xf32>,
    %broadcast_in_dim3A_53 = arith.constant 0.000000e+00 : f32
    %broadcast_in_dim3A_54 = vector.broadcast %broadcast_in_dim3A_53 : f32 to vector<16xf32>
    %swap3A_55 = arith.constant 64 : index
    %swap3A_56 = tpu.vector_load %arg10[%swap3A_55] {strides = array<i32>} : memref<1024xf32, #tpu.memory_space<vmem>>, vector<16xf32>,
    %swap3A_57 = vector.shape_cast %swap3A_56 : vector<16xf32> to vector<16xf32>
    %swap3A_58 = vector.shape_cast %broadcast_in_dim3A_54 : vector<16xf32> to vector<16xf32>
    tpu.vector_store %arg10[%swap3A_55], %swap3A_58 {strides = array<i32>} : memref<1024xf32, #tpu.memory_space<vmem>>, vector<16xf32>,
    %broadcast_in_dim3A_59 = arith.constant 0.000000e+00 : f32
    %broadcast_in_dim3A_60 = vector.broadcast %broadcast_in_dim3A_59 : f32 to vector<16xf32>
    %swap3A_61 = arith.constant 80 : index
    %swap3A_62 = tpu.vector_load %arg10[%swap3A_61] {strides = array<i32>} : memref<1024xf32, #tpu.memory_space<vmem>>, vector<16xf32>,
    %swap3A_63 = vector.shape_cast %swap3A_62 : vector<16xf32> to vector<16xf32>
    %swap3A_64 = vector.shape_cast %broadcast_in_dim3A_60 : vector<16xf32> to vector<16xf32>
    tpu.vector_store %arg10[%swap3A_61], %swap3A_64 {strides = array<i32>} : memref<1024xf32, #tpu.memory_space<vmem>>, vector<16xf32>,
    %broadcast_in_dim3A_65 = arith.constant 0.000000e+00 : f32
    %broadcast_in_dim3A_66 = vector.broadcast %broadcast_in_dim3A_65 : f32 to vector<16xf32>
    %swap3A_67 = arith.constant 96 : index
    %swap3A_68 = tpu.vector_load %arg10[%swap3A_67] {strides = array<i32>} : memref<1024xf32, #tpu.memory_space<vmem>>, vector<16xf32>,
    %swap3A_69 = vector.shape_cast %swap3A_68 : vector<16xf32> to vector<16xf32>
    %swap3A_70 = vector.shape_cast %broadcast_in_dim3A_66 : vector<16xf32> to vector<16xf32>
    tpu.vector_store %arg10[%swap3A_67], %swap3A_70 {strides = array<i32>} : memref<1024xf32, #tpu.memory_space<vmem>>, vector<16xf32>,
    %broadcast_in_dim3A_71 = arith.constant 0.000000e+00 : f32
    %broadcast_in_dim3A_72 = vector.broadcast %broadcast_in_dim3A_71 : f32 to vector<16xf32>
    %swap3A_73 = arith.constant 112 : index
    %swap3A_74 = tpu.vector_load %arg10[%swap3A_73] {strides = array<i32>} : memref<1024xf32, #tpu.memory_space<vmem>>, vector<16xf32>,
    %swap3A_75 = vector.shape_cast %swap3A_74 : vector<16xf32> to vector<16xf32>
    %swap3A_76 = vector.shape_cast %broadcast_in_dim3A_72 : vector<16xf32> to vector<16xf32>
    tpu.vector_store %arg10[%swap3A_73], %swap3A_76 {strides = array<i32>} : memref<1024xf32, #tpu.memory_space<vmem>>, vector<16xf32>,
    %broadcast_in_dim3A_77 = arith.constant 0.000000e+00 : f32
    %broadcast_in_dim3A_78 = vector.broadcast %broadcast_in_dim3A_77 : f32 to vector<16xf32>
    %swap3A_79 = arith.constant 128 : index
    %swap3A_80 = tpu.vector_load %arg10[%swap3A_79] {strides = array<i32>} : memref<1024xf32, #tpu.memory_space<vmem>>, vector<16xf32>,
    %swap3A_81 = vector.shape_cast %swap3A_80 : vector<16xf32> to vector<16xf32>
    %swap3A_82 = vector.shape_cast %broadcast_in_dim3A_78 : vector<16xf32> to vector<16xf32>
    tpu.vector_store %arg10[%swap3A_79], %swap3A_82 {strides = array<i32>} : memref<1024xf32, #tpu.memory_space<vmem>>, vector<16xf32>,
    %broadcast_in_dim3A_83 = arith.constant 0.000000e+00 : f32
    %broadcast_in_dim3A_84 = vector.broadcast %broadcast_in_dim3A_83 : f32 to vector<16xf32>
    %swap3A_85 = arith.constant 144 : index
    %swap3A_86 = tpu.vector_load %arg10[%swap3A_85] {strides = array<i32>} : memref<1024xf32, #tpu.memory_space<vmem>>, vector<16xf32>,
    %swap3A_87 = vector.shape_cast %swap3A_86 : vector<16xf32> to vector<16xf32>
    %swap3A_88 = vector.shape_cast %broadcast_in_dim3A_84 : vector<16xf32> to vector<16xf32>
    tpu.vector_store %arg10[%swap3A_85], %swap3A_88 {strides = array<i32>} : memref<1024xf32, #tpu.memory_space<vmem>>, vector<16xf32>,
    %broadcast_in_dim3A_89 = arith.constant 0.000000e+00 : f32
    %broadcast_in_dim3A_90 = vector.broadcast %broadcast_in_dim3A_89 : f32 to vector<16xf32>
    %swap3A_91 = arith.constant 160 : index
    %swap3A_92 = tpu.vector_load %arg10[%swap3A_91] {strides = array<i32>} : memref<1024xf32, #tpu.memory_space<vmem>>, vector<16xf32>,
    %swap3A_93 = vector.shape_cast %swap3A_92 : vector<16xf32> to vector<16xf32>
    %swap3A_94 = vector.shape_cast %broadcast_in_dim3A_90 : vector<16xf32> to vector<16xf32>
    tpu.vector_store %arg10[%swap3A_91], %swap3A_94 {strides = array<i32>} : memref<1024xf32, #tpu.memory_space<vmem>>, vector<16xf32>,
    %broadcast_in_dim3A_95 = arith.constant 0.000000e+00 : f32
    %broadcast_in_dim3A_96 = vector.broadcast %broadcast_in_dim3A_95 : f32 to vector<16xf32>
    %swap3A_97 = arith.constant 176 : index
    %swap3A_98 = tpu.vector_load %arg10[%swap3A_97] {strides = array<i32>} : memref<1024xf32, #tpu.memory_space<vmem>>, vector<16xf32>,
    %swap3A_99 = vector.shape_cast %swap3A_98 : vector<16xf32> to vector<16xf32>
    %swap3A_100 = vector.shape_cast %broadcast_in_dim3A_96 : vector<16xf32> to vector<16xf32>
    tpu.vector_store %arg10[%swap3A_97], %swap3A_100 {strides = array<i32>} : memref<1024xf32, #tpu.memory_space<vmem>>, vector<16xf32>,
    %broadcast_in_dim3A_101 = arith.constant 0.000000e+00 : f32
    %broadcast_in_dim3A_102 = vector.broadcast %broadcast_in_dim3A_101 : f32 to vector<16xf32>
    %swap3A_103 = arith.constant 192 : index
    %swap3A_104 = tpu.vector_load %arg10[%swap3A_103] {strides = array<i32>} : memref<1024xf32, #tpu.memory_space<vmem>>, vector<16xf32>,
    %swap3A_105 = vector.shape_cast %swap3A_104 : vector<16xf32> to vector<16xf32>
    %swap3A_106 = vector.shape_cast %broadcast_in_dim3A_102 : vector<16xf32> to vector<16xf32>
    tpu.vector_store %arg10[%swap3A_103], %swap3A_106 {strides = array<i32>} : memref<1024xf32, #tpu.memory_space<vmem>>, vector<16xf32>,
    %broadcast_in_dim3A_107 = arith.constant 0.000000e+00 : f32
    %broadcast_in_dim3A_108 = vector.broadcast %broadcast_in_dim3A_107 : f32 to vector<16xf32>
    %swap3A_109 = arith.constant 208 : index
    %swap3A_110 = tpu.vector_load %arg10[%swap3A_109] {strides = array<i32>} : memref<1024xf32, #tpu.memory_space<vmem>>, vector<16xf32>,
    %swap3A_111 = vector.shape_cast %swap3A_110 : vector<16xf32> to vector<16xf32>
    %swap3A_112 = vector.shape_cast %broadcast_in_dim3A_108 : vector<16xf32> to vector<16xf32>
    tpu.vector_store %arg10[%swap3A_109], %swap3A_112 {strides = array<i32>} : memref<1024xf32, #tpu.memory_space<vmem>>, vector<16xf32>,
    %broadcast_in_dim3A_113 = arith.constant 0.000000e+00 : f32
    %broadcast_in_dim3A_114 = vector.broadcast %broadcast_in_dim3A_113 : f32 to vector<16xf32>
    %swap3A_115 = arith.constant 224 : index
    %swap3A_116 = tpu.vector_load %arg10[%swap3A_115] {strides = array<i32>} : memref<1024xf32, #tpu.memory_space<vmem>>, vector<16xf32>,
    %swap3A_117 = vector.shape_cast %swap3A_116 : vector<16xf32> to vector<16xf32>
    %swap3A_118 = vector.shape_cast %broadcast_in_dim3A_114 : vector<16xf32> to vector<16xf32>
    tpu.vector_store %arg10[%swap3A_115], %swap3A_118 {strides = array<i32>} : memref<1024xf32, #tpu.memory_space<vmem>>, vector<16xf32>,
    %broadcast_in_dim3A_119 = arith.constant 0.000000e+00 : f32
    %broadcast_in_dim3A_120 = vector.broadcast %broadcast_in_dim3A_119 : f32 to vector<16xf32>
    %swap3A_121 = arith.constant 240 : index
    %swap3A_122 = tpu.vector_load %arg10[%swap3A_121] {strides = array<i32>} : memref<1024xf32, #tpu.memory_space<vmem>>, vector<16xf32>,
    %swap3A_123 = vector.shape_cast %swap3A_122 : vector<16xf32> to vector<16xf32>
    %swap3A_124 = vector.shape_cast %broadcast_in_dim3A_120 : vector<16xf32> to vector<16xf32>
    tpu.vector_store %arg10[%swap3A_121], %swap3A_124 {strides = array<i32>} : memref<1024xf32, #tpu.memory_space<vmem>>, vector<16xf32>,
    %broadcast_in_dim3A_125 = arith.constant 0.000000e+00 : f32
    %broadcast_in_dim3A_126 = vector.broadcast %broadcast_in_dim3A_125 : f32 to vector<16xf32>
    %swap3A_127 = arith.constant 256 : index
    %swap3A_128 = tpu.vector_load %arg10[%swap3A_127] {strides = array<i32>} : memref<1024xf32, #tpu.memory_space<vmem>>, vector<16xf32>,
    %swap3A_129 = vector.shape_cast %swap3A_128 : vector<16xf32> to vector<16xf32>
    %swap3A_130 = vector.shape_cast %broadcast_in_dim3A_126 : vector<16xf32> to vector<16xf32>
    tpu.vector_store %arg10[%swap3A_127], %swap3A_130 {strides = array<i32>} : memref<1024xf32, #tpu.memory_space<vmem>>, vector<16xf32>,
    %broadcast_in_dim3A_131 = arith.constant 0.000000e+00 : f32
    %broadcast_in_dim3A_132 = vector.broadcast %broadcast_in_dim3A_131 : f32 to vector<16xf32>
    %swap3A_133 = arith.constant 272 : index
    %swap3A_134 = tpu.vector_load %arg10[%swap3A_133] {strides = array<i32>} : memref<1024xf32, #tpu.memory_space<vmem>>, vector<16xf32>,
    %swap3A_135 = vector.shape_cast %swap3A_134 : vector<16xf32> to vector<16xf32>
    %swap3A_136 = vector.shape_cast %broadcast_in_dim3A_132 : vector<16xf32> to vector<16xf32>
    tpu.vector_store %arg10[%swap3A_133], %swap3A_136 {strides = array<i32>} : memref<1024xf32, #tpu.memory_space<vmem>>, vector<16xf32>,
    %broadcast_in_dim3A_137 = arith.constant 0.000000e+00 : f32
    %broadcast_in_dim3A_138 = vector.broadcast %broadcast_in_dim3A_137 : f32 to vector<16xf32>
    %swap3A_139 = arith.constant 288 : index
    %swap3A_140 = tpu.vector_load %arg10[%swap3A_139] {strides = array<i32>} : memref<1024xf32, #tpu.memory_space<vmem>>, vector<16xf32>,
    %swap3A_141 = vector.shape_cast %swap3A_140 : vector<16xf32> to vector<16xf32>
    %swap3A_142 = vector.shape_cast %broadcast_in_dim3A_138 : vector<16xf32> to vector<16xf32>
    tpu.vector_store %arg10[%swap3A_139], %swap3A_142 {strides = array<i32>} : memref<1024xf32, #tpu.memory_space<vmem>>, vector<16xf32>,
    %broadcast_in_dim3A_143 = arith.constant 0.000000e+00 : f32
    %broadcast_in_dim3A_144 = vector.broadcast %broadcast_in_dim3A_143 : f32 to vector<16xf32>
    %swap3A_145 = arith.constant 304 : index
    %swap3A_146 = tpu.vector_load %arg10[%swap3A_145] {strides = array<i32>} : memref<1024xf32, #tpu.memory_space<vmem>>, vector<16xf32>,
    %swap3A_147 = vector.shape_cast %swap3A_146 : vector<16xf32> to vector<16xf32>
    %swap3A_148 = vector.shape_cast %broadcast_in_dim3A_144 : vector<16xf32> to vector<16xf32>
    tpu.vector_store %arg10[%swap3A_145], %swap3A_148 {strides = array<i32>} : memref<1024xf32, #tpu.memory_space<vmem>>, vector<16xf32>,
    %broadcast_in_dim3A_149 = arith.constant 0.000000e+00 : f32
    %broadcast_in_dim3A_150 = vector.broadcast %broadcast_in_dim3A_149 : f32 to vector<16xf32>
    %swap3A_151 = arith.constant 320 : index
    %swap3A_152 = tpu.vector_load %arg10[%swap3A_151] {strides = array<i32>} : memref<1024xf32, #tpu.memory_space<vmem>>, vector<16xf32>,
    %swap3A_153 = vector.shape_cast %swap3A_152 : vector<16xf32> to vector<16xf32>
    %swap3A_154 = vector.shape_cast %broadcast_in_dim3A_150 : vector<16xf32> to vector<16xf32>
    tpu.vector_store %arg10[%swap3A_151], %swap3A_154 {strides = array<i32>} : memref<1024xf32, #tpu.memory_space<vmem>>, vector<16xf32>,
    %broadcast_in_dim3A_155 = arith.constant 0.000000e+00 : f32
    %broadcast_in_dim3A_156 = vector.broadcast %broadcast_in_dim3A_155 : f32 to vector<16xf32>
    %swap3A_157 = arith.constant 336 : index
    %swap3A_158 = tpu.vector_load %arg10[%swap3A_157] {strides = array<i32>} : memref<1024xf32, #tpu.memory_space<vmem>>, vector<16xf32>,
    %swap3A_159 = vector.shape_cast %swap3A_158 : vector<16xf32> to vector<16xf32>
    %swap3A_160 = vector.shape_cast %broadcast_in_dim3A_156 : vector<16xf32> to vector<16xf32>
    tpu.vector_store %arg10[%swap3A_157], %swap3A_160 {strides = array<i32>} : memref<1024xf32, #tpu.memory_space<vmem>>, vector<16xf32>,
    %broadcast_in_dim3A_161 = arith.constant 0.000000e+00 : f32
    %broadcast_in_dim3A_162 = vector.broadcast %broadcast_in_dim3A_161 : f32 to vector<16xf32>
    %swap3A_163 = arith.constant 352 : index
    %swap3A_164 = tpu.vector_load %arg10[%swap3A_163] {strides = array<i32>} : memref<1024xf32, #tpu.memory_space<vmem>>, vector<16xf32>,
    %swap3A_165 = vector.shape_cast %swap3A_164 : vector<16xf32> to vector<16xf32>
    %swap3A_166 = vector.shape_cast %broadcast_in_dim3A_162 : vector<16xf32> to vector<16xf32>
    tpu.vector_store %arg10[%swap3A_163], %swap3A_166 {strides = array<i32>} : memref<1024xf32, #tpu.memory_space<vmem>>, vector<16xf32>,
    %broadcast_in_dim3A_167 = arith.constant 0.000000e+00 : f32
    %broadcast_in_dim3A_168 = vector.broadcast %broadcast_in_dim3A_167 : f32 to vector<16xf32>
    %swap3A_169 = arith.constant 368 : index
    %swap3A_170 = tpu.vector_load %arg10[%swap3A_169] {strides = array<i32>} : memref<1024xf32, #tpu.memory_space<vmem>>, vector<16xf32>,
    %swap3A_171 = vector.shape_cast %swap3A_170 : vector<16xf32> to vector<16xf32>
    %swap3A_172 = vector.shape_cast %broadcast_in_dim3A_168 : vector<16xf32> to vector<16xf32>
    tpu.vector_store %arg10[%swap3A_169], %swap3A_172 {strides = array<i32>} : memref<1024xf32, #tpu.memory_space<vmem>>, vector<16xf32>,
    %broadcast_in_dim3A_173 = arith.constant 0.000000e+00 : f32
    %broadcast_in_dim3A_174 = vector.broadcast %broadcast_in_dim3A_173 : f32 to vector<16xf32>
    %swap3A_175 = arith.constant 384 : index
    %swap3A_176 = tpu.vector_load %arg10[%swap3A_175] {strides = array<i32>} : memref<1024xf32, #tpu.memory_space<vmem>>, vector<16xf32>,
    %swap3A_177 = vector.shape_cast %swap3A_176 : vector<16xf32> to vector<16xf32>
    %swap3A_178 = vector.shape_cast %broadcast_in_dim3A_174 : vector<16xf32> to vector<16xf32>
    tpu.vector_store %arg10[%swap3A_175], %swap3A_178 {strides = array<i32>} : memref<1024xf32, #tpu.memory_space<vmem>>, vector<16xf32>,
    %broadcast_in_dim3A_179 = arith.constant 0.000000e+00 : f32
    %broadcast_in_dim3A_180 = vector.broadcast %broadcast_in_dim3A_179 : f32 to vector<16xf32>
    %swap3A_181 = arith.constant 400 : index
    %swap3A_182 = tpu.vector_load %arg10[%swap3A_181] {strides = array<i32>} : memref<1024xf32, #tpu.memory_space<vmem>>, vector<16xf32>,
    %swap3A_183 = vector.shape_cast %swap3A_182 : vector<16xf32> to vector<16xf32>
    %swap3A_184 = vector.shape_cast %broadcast_in_dim3A_180 : vector<16xf32> to vector<16xf32>
    tpu.vector_store %arg10[%swap3A_181], %swap3A_184 {strides = array<i32>} : memref<1024xf32, #tpu.memory_space<vmem>>, vector<16xf32>,
    %broadcast_in_dim3A_185 = arith.constant 0.000000e+00 : f32
    %broadcast_in_dim3A_186 = vector.broadcast %broadcast_in_dim3A_185 : f32 to vector<16xf32>
    %swap3A_187 = arith.constant 416 : index
    %swap3A_188 = tpu.vector_load %arg10[%swap3A_187] {strides = array<i32>} : memref<1024xf32, #tpu.memory_space<vmem>>, vector<16xf32>,
    %swap3A_189 = vector.shape_cast %swap3A_188 : vector<16xf32> to vector<16xf32>
    %swap3A_190 = vector.shape_cast %broadcast_in_dim3A_186 : vector<16xf32> to vector<16xf32>
    tpu.vector_store %arg10[%swap3A_187], %swap3A_190 {strides = array<i32>} : memref<1024xf32, #tpu.memory_space<vmem>>, vector<16xf32>,
    %broadcast_in_dim3A_191 = arith.constant 0.000000e+00 : f32
    %broadcast_in_dim3A_192 = vector.broadcast %broadcast_in_dim3A_191 : f32 to vector<16xf32>
    %swap3A_193 = arith.constant 432 : index
    %swap3A_194 = tpu.vector_load %arg10[%swap3A_193] {strides = array<i32>} : memref<1024xf32, #tpu.memory_space<vmem>>, vector<16xf32>,
    %swap3A_195 = vector.shape_cast %swap3A_194 : vector<16xf32> to vector<16xf32>
    %swap3A_196 = vector.shape_cast %broadcast_in_dim3A_192 : vector<16xf32> to vector<16xf32>
    tpu.vector_store %arg10[%swap3A_193], %swap3A_196 {strides = array<i32>} : memref<1024xf32, #tpu.memory_space<vmem>>, vector<16xf32>,
    %broadcast_in_dim3A_197 = arith.constant 0.000000e+00 : f32
    %broadcast_in_dim3A_198 = vector.broadcast %broadcast_in_dim3A_197 : f32 to vector<16xf32>
    %swap3A_199 = arith.constant 448 : index
    %swap3A_200 = tpu.vector_load %arg10[%swap3A_199] {strides = array<i32>} : memref<1024xf32, #tpu.memory_space<vmem>>, vector<16xf32>,
    %swap3A_201 = vector.shape_cast %swap3A_200 : vector<16xf32> to vector<16xf32>
    %swap3A_202 = vector.shape_cast %broadcast_in_dim3A_198 : vector<16xf32> to vector<16xf32>
    tpu.vector_store %arg10[%swap3A_199], %swap3A_202 {strides = array<i32>} : memref<1024xf32, #tpu.memory_space<vmem>>, vector<16xf32>,
    %broadcast_in_dim3A_203 = arith.constant 0.000000e+00 : f32
    %broadcast_in_dim3A_204 = vector.broadcast %broadcast_in_dim3A_203 : f32 to vector<16xf32>
    %swap3A_205 = arith.constant 464 : index
    %swap3A_206 = tpu.vector_load %arg10[%swap3A_205] {strides = array<i32>} : memref<1024xf32, #tpu.memory_space<vmem>>, vector<16xf32>,
    %swap3A_207 = vector.shape_cast %swap3A_206 : vector<16xf32> to vector<16xf32>
    %swap3A_208 = vector.shape_cast %broadcast_in_dim3A_204 : vector<16xf32> to vector<16xf32>
    tpu.vector_store %arg10[%swap3A_205], %swap3A_208 {strides = array<i32>} : memref<1024xf32, #tpu.memory_space<vmem>>, vector<16xf32>,
    %broadcast_in_dim3A_209 = arith.constant 0.000000e+00 : f32
    %broadcast_in_dim3A_210 = vector.broadcast %broadcast_in_dim3A_209 : f32 to vector<16xf32>
    %swap3A_211 = arith.constant 480 : index
    %swap3A_212 = tpu.vector_load %arg10[%swap3A_211] {strides = array<i32>} : memref<1024xf32, #tpu.memory_space<vmem>>, vector<16xf32>,
    %swap3A_213 = vector.shape_cast %swap3A_212 : vector<16xf32> to vector<16xf32>
    %swap3A_214 = vector.shape_cast %broadcast_in_dim3A_210 : vector<16xf32> to vector<16xf32>
    tpu.vector_store %arg10[%swap3A_211], %swap3A_214 {strides = array<i32>} : memref<1024xf32, #tpu.memory_space<vmem>>, vector<16xf32>,
    %broadcast_in_dim3A_215 = arith.constant 0.000000e+00 : f32
    %broadcast_in_dim3A_216 = vector.broadcast %broadcast_in_dim3A_215 : f32 to vector<16xf32>
    %swap3A_217 = arith.constant 496 : index
    %swap3A_218 = tpu.vector_load %arg10[%swap3A_217] {strides = array<i32>} : memref<1024xf32, #tpu.memory_space<vmem>>, vector<16xf32>,
    %swap3A_219 = vector.shape_cast %swap3A_218 : vector<16xf32> to vector<16xf32>
    %swap3A_220 = vector.shape_cast %broadcast_in_dim3A_216 : vector<16xf32> to vector<16xf32>
    tpu.vector_store %arg10[%swap3A_217], %swap3A_220 {strides = array<i32>} : memref<1024xf32, #tpu.memory_space<vmem>>, vector<16xf32>,
    %broadcast_in_dim3A_221 = arith.constant 0.000000e+00 : f32
    %broadcast_in_dim3A_222 = vector.broadcast %broadcast_in_dim3A_221 : f32 to vector<16xf32>
    %swap3A_223 = arith.constant 512 : index
    %swap3A_224 = tpu.vector_load %arg10[%swap3A_223] {strides = array<i32>} : memref<1024xf32, #tpu.memory_space<vmem>>, vector<16xf32>,
    %swap3A_225 = vector.shape_cast %swap3A_224 : vector<16xf32> to vector<16xf32>
    %swap3A_226 = vector.shape_cast %broadcast_in_dim3A_222 : vector<16xf32> to vector<16xf32>
    tpu.vector_store %arg10[%swap3A_223], %swap3A_226 {strides = array<i32>} : memref<1024xf32, #tpu.memory_space<vmem>>, vector<16xf32>,
    %broadcast_in_dim3A_227 = arith.constant 0.000000e+00 : f32
    %broadcast_in_dim3A_228 = vector.broadcast %broadcast_in_dim3A_227 : f32 to vector<16xf32>
    %swap3A_229 = arith.constant 528 : index
    %swap3A_230 = tpu.vector_load %arg10[%swap3A_229] {strides = array<i32>} : memref<1024xf32, #tpu.memory_space<vmem>>, vector<16xf32>,
    %swap3A_231 = vector.shape_cast %swap3A_230 : vector<16xf32> to vector<16xf32>
    %swap3A_232 = vector.shape_cast %broadcast_in_dim3A_228 : vector<16xf32> to vector<16xf32>
    tpu.vector_store %arg10[%swap3A_229], %swap3A_232 {strides = array<i32>} : memref<1024xf32, #tpu.memory_space<vmem>>, vector<16xf32>,
    %broadcast_in_dim3A_233 = arith.constant 0.000000e+00 : f32
    %broadcast_in_dim3A_234 = vector.broadcast %broadcast_in_dim3A_233 : f32 to vector<16xf32>
    %swap3A_235 = arith.constant 544 : index
    %swap3A_236 = tpu.vector_load %arg10[%swap3A_235] {strides = array<i32>} : memref<1024xf32, #tpu.memory_space<vmem>>, vector<16xf32>,
    %swap3A_237 = vector.shape_cast %swap3A_236 : vector<16xf32> to vector<16xf32>
    %swap3A_238 = vector.shape_cast %broadcast_in_dim3A_234 : vector<16xf32> to vector<16xf32>
    tpu.vector_store %arg10[%swap3A_235], %swap3A_238 {strides = array<i32>} : memref<1024xf32, #tpu.memory_space<vmem>>, vector<16xf32>,
    %broadcast_in_dim3A_239 = arith.constant 0.000000e+00 : f32
    %broadcast_in_dim3A_240 = vector.broadcast %broadcast_in_dim3A_239 : f32 to vector<16xf32>
    %swap3A_241 = arith.constant 560 : index
    %swap3A_242 = tpu.vector_load %arg10[%swap3A_241] {strides = array<i32>} : memref<1024xf32, #tpu.memory_space<vmem>>, vector<16xf32>,
    %swap3A_243 = vector.shape_cast %swap3A_242 : vector<16xf32> to vector<16xf32>
    %swap3A_244 = vector.shape_cast %broadcast_in_dim3A_240 : vector<16xf32> to vector<16xf32>
    tpu.vector_store %arg10[%swap3A_241], %swap3A_244 {strides = array<i32>} : memref<1024xf32, #tpu.memory_space<vmem>>, vector<16xf32>,
    %broadcast_in_dim3A_245 = arith.constant 0.000000e+00 : f32
    %broadcast_in_dim3A_246 = vector.broadcast %broadcast_in_dim3A_245 : f32 to vector<16xf32>
    %swap3A_247 = arith.constant 576 : index
    %swap3A_248 = tpu.vector_load %arg10[%swap3A_247] {strides = array<i32>} : memref<1024xf32, #tpu.memory_space<vmem>>, vector<16xf32>,
    %swap3A_249 = vector.shape_cast %swap3A_248 : vector<16xf32> to vector<16xf32>
    %swap3A_250 = vector.shape_cast %broadcast_in_dim3A_246 : vector<16xf32> to vector<16xf32>
    tpu.vector_store %arg10[%swap3A_247], %swap3A_250 {strides = array<i32>} : memref<1024xf32, #tpu.memory_space<vmem>>, vector<16xf32>,
    %broadcast_in_dim3A_251 = arith.constant 0.000000e+00 : f32
    %broadcast_in_dim3A_252 = vector.broadcast %broadcast_in_dim3A_251 : f32 to vector<16xf32>
    %swap3A_253 = arith.constant 592 : index
    %swap3A_254 = tpu.vector_load %arg10[%swap3A_253] {strides = array<i32>} : memref<1024xf32, #tpu.memory_space<vmem>>, vector<16xf32>,
    %swap3A_255 = vector.shape_cast %swap3A_254 : vector<16xf32> to vector<16xf32>
    %swap3A_256 = vector.shape_cast %broadcast_in_dim3A_252 : vector<16xf32> to vector<16xf32>
    tpu.vector_store %arg10[%swap3A_253], %swap3A_256 {strides = array<i32>} : memref<1024xf32, #tpu.memory_space<vmem>>, vector<16xf32>,
    %broadcast_in_dim3A_257 = arith.constant 0.000000e+00 : f32
    %broadcast_in_dim3A_258 = vector.broadcast %broadcast_in_dim3A_257 : f32 to vector<16xf32>
    %swap3A_259 = arith.constant 608 : index
    %swap3A_260 = tpu.vector_load %arg10[%swap3A_259] {strides = array<i32>} : memref<1024xf32, #tpu.memory_space<vmem>>, vector<16xf32>,
    %swap3A_261 = vector.shape_cast %swap3A_260 : vector<16xf32> to vector<16xf32>
    %swap3A_262 = vector.shape_cast %broadcast_in_dim3A_258 : vector<16xf32> to vector<16xf32>
    tpu.vector_store %arg10[%swap3A_259], %swap3A_262 {strides = array<i32>} : memref<1024xf32, #tpu.memory_space<vmem>>, vector<16xf32>,
    %broadcast_in_dim3A_263 = arith.constant 0.000000e+00 : f32
    %broadcast_in_dim3A_264 = vector.broadcast %broadcast_in_dim3A_263 : f32 to vector<16xf32>
    %swap3A_265 = arith.constant 624 : index
    %swap3A_266 = tpu.vector_load %arg10[%swap3A_265] {strides = array<i32>} : memref<1024xf32, #tpu.memory_space<vmem>>, vector<16xf32>,
    %swap3A_267 = vector.shape_cast %swap3A_266 : vector<16xf32> to vector<16xf32>
    %swap3A_268 = vector.shape_cast %broadcast_in_dim3A_264 : vector<16xf32> to vector<16xf32>
    tpu.vector_store %arg10[%swap3A_265], %swap3A_268 {strides = array<i32>} : memref<1024xf32, #tpu.memory_space<vmem>>, vector<16xf32>,
    %broadcast_in_dim3A_269 = arith.constant 0.000000e+00 : f32
    %broadcast_in_dim3A_270 = vector.broadcast %broadcast_in_dim3A_269 : f32 to vector<16xf32>
    %swap3A_271 = arith.constant 640 : index
    %swap3A_272 = tpu.vector_load %arg10[%swap3A_271] {strides = array<i32>} : memref<1024xf32, #tpu.memory_space<vmem>>, vector<16xf32>,
    %swap3A_273 = vector.shape_cast %swap3A_272 : vector<16xf32> to vector<16xf32>
    %swap3A_274 = vector.shape_cast %broadcast_in_dim3A_270 : vector<16xf32> to vector<16xf32>
    tpu.vector_store %arg10[%swap3A_271], %swap3A_274 {strides = array<i32>} : memref<1024xf32, #tpu.memory_space<vmem>>, vector<16xf32>,
    %broadcast_in_dim3A_275 = arith.constant 0.000000e+00 : f32
    %broadcast_in_dim3A_276 = vector.broadcast %broadcast_in_dim3A_275 : f32 to vector<16xf32>
    %swap3A_277 = arith.constant 656 : index
    %swap3A_278 = tpu.vector_load %arg10[%swap3A_277] {strides = array<i32>} : memref<1024xf32, #tpu.memory_space<vmem>>, vector<16xf32>,
    %swap3A_279 = vector.shape_cast %swap3A_278 : vector<16xf32> to vector<16xf32>
    %swap3A_280 = vector.shape_cast %broadcast_in_dim3A_276 : vector<16xf32> to vector<16xf32>
    tpu.vector_store %arg10[%swap3A_277], %swap3A_280 {strides = array<i32>} : memref<1024xf32, #tpu.memory_space<vmem>>, vector<16xf32>,
    %broadcast_in_dim3A_281 = arith.constant 0.000000e+00 : f32
    %broadcast_in_dim3A_282 = vector.broadcast %broadcast_in_dim3A_281 : f32 to vector<16xf32>
    %swap3A_283 = arith.constant 672 : index
    %swap3A_284 = tpu.vector_load %arg10[%swap3A_283] {strides = array<i32>} : memref<1024xf32, #tpu.memory_space<vmem>>, vector<16xf32>,
    %swap3A_285 = vector.shape_cast %swap3A_284 : vector<16xf32> to vector<16xf32>
    %swap3A_286 = vector.shape_cast %broadcast_in_dim3A_282 : vector<16xf32> to vector<16xf32>
    tpu.vector_store %arg10[%swap3A_283], %swap3A_286 {strides = array<i32>} : memref<1024xf32, #tpu.memory_space<vmem>>, vector<16xf32>,
    %broadcast_in_dim3A_287 = arith.constant 0.000000e+00 : f32
    %broadcast_in_dim3A_288 = vector.broadcast %broadcast_in_dim3A_287 : f32 to vector<16xf32>
    %swap3A_289 = arith.constant 688 : index
    %swap3A_290 = tpu.vector_load %arg10[%swap3A_289] {strides = array<i32>} : memref<1024xf32, #tpu.memory_space<vmem>>, vector<16xf32>,
    %swap3A_291 = vector.shape_cast %swap3A_290 : vector<16xf32> to vector<16xf32>
    %swap3A_292 = vector.shape_cast %broadcast_in_dim3A_288 : vector<16xf32> to vector<16xf32>
    tpu.vector_store %arg10[%swap3A_289], %swap3A_292 {strides = array<i32>} : memref<1024xf32, #tpu.memory_space<vmem>>, vector<16xf32>,
    %broadcast_in_dim3A_293 = arith.constant 0.000000e+00 : f32
    %broadcast_in_dim3A_294 = vector.broadcast %broadcast_in_dim3A_293 : f32 to vector<16xf32>
    %swap3A_295 = arith.constant 704 : index
    %swap3A_296 = tpu.vector_load %arg10[%swap3A_295] {strides = array<i32>} : memref<1024xf32, #tpu.memory_space<vmem>>, vector<16xf32>,
    %swap3A_297 = vector.shape_cast %swap3A_296 : vector<16xf32> to vector<16xf32>
    %swap3A_298 = vector.shape_cast %broadcast_in_dim3A_294 : vector<16xf32> to vector<16xf32>
    tpu.vector_store %arg10[%swap3A_295], %swap3A_298 {strides = array<i32>} : memref<1024xf32, #tpu.memory_space<vmem>>, vector<16xf32>,
    %broadcast_in_dim3A_299 = arith.constant 0.000000e+00 : f32
    %broadcast_in_dim3A_300 = vector.broadcast %broadcast_in_dim3A_299 : f32 to vector<16xf32>
    %swap3A_301 = arith.constant 720 : index
    %swap3A_302 = tpu.vector_load %arg10[%swap3A_301] {strides = array<i32>} : memref<1024xf32, #tpu.memory_space<vmem>>, vector<16xf32>,
    %swap3A_303 = vector.shape_cast %swap3A_302 : vector<16xf32> to vector<16xf32>
    %swap3A_304 = vector.shape_cast %broadcast_in_dim3A_300 : vector<16xf32> to vector<16xf32>
    tpu.vector_store %arg10[%swap3A_301], %swap3A_304 {strides = array<i32>} : memref<1024xf32, #tpu.memory_space<vmem>>, vector<16xf32>,
    %broadcast_in_dim3A_305 = arith.constant 0.000000e+00 : f32
    %broadcast_in_dim3A_306 = vector.broadcast %broadcast_in_dim3A_305 : f32 to vector<16xf32>
    %swap3A_307 = arith.constant 736 : index
    %swap3A_308 = tpu.vector_load %arg10[%swap3A_307] {strides = array<i32>} : memref<1024xf32, #tpu.memory_space<vmem>>, vector<16xf32>,
    %swap3A_309 = vector.shape_cast %swap3A_308 : vector<16xf32> to vector<16xf32>
    %swap3A_310 = vector.shape_cast %broadcast_in_dim3A_306 : vector<16xf32> to vector<16xf32>
    tpu.vector_store %arg10[%swap3A_307], %swap3A_310 {strides = array<i32>} : memref<1024xf32, #tpu.memory_space<vmem>>, vector<16xf32>,
    %broadcast_in_dim3A_311 = arith.constant 0.000000e+00 : f32
    %broadcast_in_dim3A_312 = vector.broadcast %broadcast_in_dim3A_311 : f32 to vector<16xf32>
    %swap3A_313 = arith.constant 752 : index
    %swap3A_314 = tpu.vector_load %arg10[%swap3A_313] {strides = array<i32>} : memref<1024xf32, #tpu.memory_space<vmem>>, vector<16xf32>,
    %swap3A_315 = vector.shape_cast %swap3A_314 : vector<16xf32> to vector<16xf32>
    %swap3A_316 = vector.shape_cast %broadcast_in_dim3A_312 : vector<16xf32> to vector<16xf32>
    tpu.vector_store %arg10[%swap3A_313], %swap3A_316 {strides = array<i32>} : memref<1024xf32, #tpu.memory_space<vmem>>, vector<16xf32>,
    %broadcast_in_dim3A_317 = arith.constant 0.000000e+00 : f32
    %broadcast_in_dim3A_318 = vector.broadcast %broadcast_in_dim3A_317 : f32 to vector<16xf32>
    %swap3A_319 = arith.constant 768 : index
    %swap3A_320 = tpu.vector_load %arg10[%swap3A_319] {strides = array<i32>} : memref<1024xf32, #tpu.memory_space<vmem>>, vector<16xf32>,
    %swap3A_321 = vector.shape_cast %swap3A_320 : vector<16xf32> to vector<16xf32>
    %swap3A_322 = vector.shape_cast %broadcast_in_dim3A_318 : vector<16xf32> to vector<16xf32>
    tpu.vector_store %arg10[%swap3A_319], %swap3A_322 {strides = array<i32>} : memref<1024xf32, #tpu.memory_space<vmem>>, vector<16xf32>,
    %broadcast_in_dim3A_323 = arith.constant 0.000000e+00 : f32
    %broadcast_in_dim3A_324 = vector.broadcast %broadcast_in_dim3A_323 : f32 to vector<16xf32>
    %swap3A_325 = arith.constant 784 : index
    %swap3A_326 = tpu.vector_load %arg10[%swap3A_325] {strides = array<i32>} : memref<1024xf32, #tpu.memory_space<vmem>>, vector<16xf32>,
    %swap3A_327 = vector.shape_cast %swap3A_326 : vector<16xf32> to vector<16xf32>
    %swap3A_328 = vector.shape_cast %broadcast_in_dim3A_324 : vector<16xf32> to vector<16xf32>
    tpu.vector_store %arg10[%swap3A_325], %swap3A_328 {strides = array<i32>} : memref<1024xf32, #tpu.memory_space<vmem>>, vector<16xf32>,
    %broadcast_in_dim3A_329 = arith.constant 0.000000e+00 : f32
    %broadcast_in_dim3A_330 = vector.broadcast %broadcast_in_dim3A_329 : f32 to vector<16xf32>
    %swap3A_331 = arith.constant 800 : index
    %swap3A_332 = tpu.vector_load %arg10[%swap3A_331] {strides = array<i32>} : memref<1024xf32, #tpu.memory_space<vmem>>, vector<16xf32>,
    %swap3A_333 = vector.shape_cast %swap3A_332 : vector<16xf32> to vector<16xf32>
    %swap3A_334 = vector.shape_cast %broadcast_in_dim3A_330 : vector<16xf32> to vector<16xf32>
    tpu.vector_store %arg10[%swap3A_331], %swap3A_334 {strides = array<i32>} : memref<1024xf32, #tpu.memory_space<vmem>>, vector<16xf32>,
    %broadcast_in_dim3A_335 = arith.constant 0.000000e+00 : f32
    %broadcast_in_dim3A_336 = vector.broadcast %broadcast_in_dim3A_335 : f32 to vector<16xf32>
    %swap3A_337 = arith.constant 816 : index
    %swap3A_338 = tpu.vector_load %arg10[%swap3A_337] {strides = array<i32>} : memref<1024xf32, #tpu.memory_space<vmem>>, vector<16xf32>,
    %swap3A_339 = vector.shape_cast %swap3A_338 : vector<16xf32> to vector<16xf32>
    %swap3A_340 = vector.shape_cast %broadcast_in_dim3A_336 : vector<16xf32> to vector<16xf32>
    tpu.vector_store %arg10[%swap3A_337], %swap3A_340 {strides = array<i32>} : memref<1024xf32, #tpu.memory_space<vmem>>, vector<16xf32>,
    %broadcast_in_dim3A_341 = arith.constant 0.000000e+00 : f32
    %broadcast_in_dim3A_342 = vector.broadcast %broadcast_in_dim3A_341 : f32 to vector<16xf32>
    %swap3A_343 = arith.constant 832 : index
    %swap3A_344 = tpu.vector_load %arg10[%swap3A_343] {strides = array<i32>} : memref<1024xf32, #tpu.memory_space<vmem>>, vector<16xf32>,
    %swap3A_345 = vector.shape_cast %swap3A_344 : vector<16xf32> to vector<16xf32>
    %swap3A_346 = vector.shape_cast %broadcast_in_dim3A_342 : vector<16xf32> to vector<16xf32>
    tpu.vector_store %arg10[%swap3A_343], %swap3A_346 {strides = array<i32>} : memref<1024xf32, #tpu.memory_space<vmem>>, vector<16xf32>,
    %broadcast_in_dim3A_347 = arith.constant 0.000000e+00 : f32
    %broadcast_in_dim3A_348 = vector.broadcast %broadcast_in_dim3A_347 : f32 to vector<16xf32>
    %swap3A_349 = arith.constant 848 : index
    %swap3A_350 = tpu.vector_load %arg10[%swap3A_349] {strides = array<i32>} : memref<1024xf32, #tpu.memory_space<vmem>>, vector<16xf32>,
    %swap3A_351 = vector.shape_cast %swap3A_350 : vector<16xf32> to vector<16xf32>
    %swap3A_352 = vector.shape_cast %broadcast_in_dim3A_348 : vector<16xf32> to vector<16xf32>
    tpu.vector_store %arg10[%swap3A_349], %swap3A_352 {strides = array<i32>} : memref<1024xf32, #tpu.memory_space<vmem>>, vector<16xf32>,
    %broadcast_in_dim3A_353 = arith.constant 0.000000e+00 : f32
    %broadcast_in_dim3A_354 = vector.broadcast %broadcast_in_dim3A_353 : f32 to vector<16xf32>
    %swap3A_355 = arith.constant 864 : index
    %swap3A_356 = tpu.vector_load %arg10[%swap3A_355] {strides = array<i32>} : memref<1024xf32, #tpu.memory_space<vmem>>, vector<16xf32>,
    %swap3A_357 = vector.shape_cast %swap3A_356 : vector<16xf32> to vector<16xf32>
    %swap3A_358 = vector.shape_cast %broadcast_in_dim3A_354 : vector<16xf32> to vector<16xf32>
    tpu.vector_store %arg10[%swap3A_355], %swap3A_358 {strides = array<i32>} : memref<1024xf32, #tpu.memory_space<vmem>>, vector<16xf32>,
    %broadcast_in_dim3A_359 = arith.constant 0.000000e+00 : f32
    %broadcast_in_dim3A_360 = vector.broadcast %broadcast_in_dim3A_359 : f32 to vector<16xf32>
    %swap3A_361 = arith.constant 880 : index
    %swap3A_362 = tpu.vector_load %arg10[%swap3A_361] {strides = array<i32>} : memref<1024xf32, #tpu.memory_space<vmem>>, vector<16xf32>,
    %swap3A_363 = vector.shape_cast %swap3A_362 : vector<16xf32> to vector<16xf32>
    %swap3A_364 = vector.shape_cast %broadcast_in_dim3A_360 : vector<16xf32> to vector<16xf32>
    tpu.vector_store %arg10[%swap3A_361], %swap3A_364 {strides = array<i32>} : memref<1024xf32, #tpu.memory_space<vmem>>, vector<16xf32>,
    %broadcast_in_dim3A_365 = arith.constant 0.000000e+00 : f32
    %broadcast_in_dim3A_366 = vector.broadcast %broadcast_in_dim3A_365 : f32 to vector<16xf32>
    %swap3A_367 = arith.constant 896 : index
    %swap3A_368 = tpu.vector_load %arg10[%swap3A_367] {strides = array<i32>} : memref<1024xf32, #tpu.memory_space<vmem>>, vector<16xf32>,
    %swap3A_369 = vector.shape_cast %swap3A_368 : vector<16xf32> to vector<16xf32>
    %swap3A_370 = vector.shape_cast %broadcast_in_dim3A_366 : vector<16xf32> to vector<16xf32>
    tpu.vector_store %arg10[%swap3A_367], %swap3A_370 {strides = array<i32>} : memref<1024xf32, #tpu.memory_space<vmem>>, vector<16xf32>,
    %broadcast_in_dim3A_371 = arith.constant 0.000000e+00 : f32
    %broadcast_in_dim3A_372 = vector.broadcast %broadcast_in_dim3A_371 : f32 to vector<16xf32>
    %swap3A_373 = arith.constant 912 : index
    %swap3A_374 = tpu.vector_load %arg10[%swap3A_373] {strides = array<i32>} : memref<1024xf32, #tpu.memory_space<vmem>>, vector<16xf32>,
    %swap3A_375 = vector.shape_cast %swap3A_374 : vector<16xf32> to vector<16xf32>
    %swap3A_376 = vector.shape_cast %broadcast_in_dim3A_372 : vector<16xf32> to vector<16xf32>
    tpu.vector_store %arg10[%swap3A_373], %swap3A_376 {strides = array<i32>} : memref<1024xf32, #tpu.memory_space<vmem>>, vector<16xf32>,
    %broadcast_in_dim3A_377 = arith.constant 0.000000e+00 : f32
    %broadcast_in_dim3A_378 = vector.broadcast %broadcast_in_dim3A_377 : f32 to vector<16xf32>
    %swap3A_379 = arith.constant 928 : index
    %swap3A_380 = tpu.vector_load %arg10[%swap3A_379] {strides = array<i32>} : memref<1024xf32, #tpu.memory_space<vmem>>, vector<16xf32>,
    %swap3A_381 = vector.shape_cast %swap3A_380 : vector<16xf32> to vector<16xf32>
    %swap3A_382 = vector.shape_cast %broadcast_in_dim3A_378 : vector<16xf32> to vector<16xf32>
    tpu.vector_store %arg10[%swap3A_379], %swap3A_382 {strides = array<i32>} : memref<1024xf32, #tpu.memory_space<vmem>>, vector<16xf32>,
    %broadcast_in_dim3A_383 = arith.constant 0.000000e+00 : f32
    %broadcast_in_dim3A_384 = vector.broadcast %broadcast_in_dim3A_383 : f32 to vector<16xf32>
    %swap3A_385 = arith.constant 944 : index
    %swap3A_386 = tpu.vector_load %arg10[%swap3A_385] {strides = array<i32>} : memref<1024xf32, #tpu.memory_space<vmem>>, vector<16xf32>,
    %swap3A_387 = vector.shape_cast %swap3A_386 : vector<16xf32> to vector<16xf32>
    %swap3A_388 = vector.shape_cast %broadcast_in_dim3A_384 : vector<16xf32> to vector<16xf32>
    tpu.vector_store %arg10[%swap3A_385], %swap3A_388 {strides = array<i32>} : memref<1024xf32, #tpu.memory_space<vmem>>, vector<16xf32>,
    %broadcast_in_dim3A_389 = arith.constant 0.000000e+00 : f32
    %broadcast_in_dim3A_390 = vector.broadcast %broadcast_in_dim3A_389 : f32 to vector<16xf32>
    %swap3A_391 = arith.constant 960 : index
    %swap3A_392 = tpu.vector_load %arg10[%swap3A_391] {strides = array<i32>} : memref<1024xf32, #tpu.memory_space<vmem>>, vector<16xf32>,
    %swap3A_393 = vector.shape_cast %swap3A_392 : vector<16xf32> to vector<16xf32>
    %swap3A_394 = vector.shape_cast %broadcast_in_dim3A_390 : vector<16xf32> to vector<16xf32>
    tpu.vector_store %arg10[%swap3A_391], %swap3A_394 {strides = array<i32>} : memref<1024xf32, #tpu.memory_space<vmem>>, vector<16xf32>,
    %broadcast_in_dim3A_395 = arith.constant 0.000000e+00 : f32
    %broadcast_in_dim3A_396 = vector.broadcast %broadcast_in_dim3A_395 : f32 to vector<16xf32>
    %swap3A_397 = arith.constant 976 : index
    %swap3A_398 = tpu.vector_load %arg10[%swap3A_397] {strides = array<i32>} : memref<1024xf32, #tpu.memory_space<vmem>>, vector<16xf32>,
    %swap3A_399 = vector.shape_cast %swap3A_398 : vector<16xf32> to vector<16xf32>
    %swap3A_400 = vector.shape_cast %broadcast_in_dim3A_396 : vector<16xf32> to vector<16xf32>
    tpu.vector_store %arg10[%swap3A_397], %swap3A_400 {strides = array<i32>} : memref<1024xf32, #tpu.memory_space<vmem>>, vector<16xf32>,
    %broadcast_in_dim3A_401 = arith.constant 0.000000e+00 : f32
    %broadcast_in_dim3A_402 = vector.broadcast %broadcast_in_dim3A_401 : f32 to vector<16xf32>
    %swap3A_403 = arith.constant 992 : index
    %swap3A_404 = tpu.vector_load %arg10[%swap3A_403] {strides = array<i32>} : memref<1024xf32, #tpu.memory_space<vmem>>, vector<16xf32>,
    %swap3A_405 = vector.shape_cast %swap3A_404 : vector<16xf32> to vector<16xf32>
    %swap3A_406 = vector.shape_cast %broadcast_in_dim3A_402 : vector<16xf32> to vector<16xf32>
    tpu.vector_store %arg10[%swap3A_403], %swap3A_406 {strides = array<i32>} : memref<1024xf32, #tpu.memory_space<vmem>>, vector<16xf32>,
    %broadcast_in_dim3A_407 = arith.constant 0.000000e+00 : f32
    %broadcast_in_dim3A_408 = vector.broadcast %broadcast_in_dim3A_407 : f32 to vector<16xf32>
    %swap3A_409 = arith.constant 1008 : index
    %swap3A_410 = tpu.vector_load %arg10[%swap3A_409] {strides = array<i32>} : memref<1024xf32, #tpu.memory_space<vmem>>, vector<16xf32>,
    %swap3A_411 = vector.shape_cast %swap3A_410 : vector<16xf32> to vector<16xf32>
    %swap3A_412 = vector.shape_cast %broadcast_in_dim3A_408 : vector<16xf32> to vector<16xf32>
    tpu.vector_store %arg10[%swap3A_409], %swap3A_412 {strides = array<i32>} : memref<1024xf32, #tpu.memory_space<vmem>>, vector<16xf32>,
    %broadcast_in_dim3A_413 = arith.constant 1.000000e+00 : f32
    %broadcast_in_dim3A_414 = vector.broadcast %broadcast_in_dim3A_413 : f32 to vector<16xf32>
    %swap3A_415 = arith.constant 0 : index
    %swap3A_416 = tpu.vector_load %arg9[%swap3A_415] {strides = array<i32>} : memref<256xf32, #tpu.memory_space<vmem>>, vector<16xf32>,
    %swap3A_417 = vector.shape_cast %swap3A_416 : vector<16xf32> to vector<16xf32>
    %swap3A_418 = vector.shape_cast %broadcast_in_dim3A_414 : vector<16xf32> to vector<16xf32>
    tpu.vector_store %arg9[%swap3A_415], %swap3A_418 {strides = array<i32>} : memref<256xf32, #tpu.memory_space<vmem>>, vector<16xf32>,
    %broadcast_in_dim3A_419 = arith.constant 1.000000e+00 : f32
    %broadcast_in_dim3A_420 = vector.broadcast %broadcast_in_dim3A_419 : f32 to vector<16xf32>
    %swap3A_421 = arith.constant 16 : index
    %swap3A_422 = tpu.vector_load %arg9[%swap3A_421] {strides = array<i32>} : memref<256xf32, #tpu.memory_space<vmem>>, vector<16xf32>,
    %swap3A_423 = vector.shape_cast %swap3A_422 : vector<16xf32> to vector<16xf32>
    %swap3A_424 = vector.shape_cast %broadcast_in_dim3A_420 : vector<16xf32> to vector<16xf32>
    tpu.vector_store %arg9[%swap3A_421], %swap3A_424 {strides = array<i32>} : memref<256xf32, #tpu.memory_space<vmem>>, vector<16xf32>,
    %broadcast_in_dim3A_425 = arith.constant 1.000000e+00 : f32
    %broadcast_in_dim3A_426 = vector.broadcast %broadcast_in_dim3A_425 : f32 to vector<16xf32>
    %swap3A_427 = arith.constant 32 : index
    %swap3A_428 = tpu.vector_load %arg9[%swap3A_427] {strides = array<i32>} : memref<256xf32, #tpu.memory_space<vmem>>, vector<16xf32>,
    %swap3A_429 = vector.shape_cast %swap3A_428 : vector<16xf32> to vector<16xf32>
    %swap3A_430 = vector.shape_cast %broadcast_in_dim3A_426 : vector<16xf32> to vector<16xf32>
    tpu.vector_store %arg9[%swap3A_427], %swap3A_430 {strides = array<i32>} : memref<256xf32, #tpu.memory_space<vmem>>, vector<16xf32>,
    %broadcast_in_dim3A_431 = arith.constant 1.000000e+00 : f32
    %broadcast_in_dim3A_432 = vector.broadcast %broadcast_in_dim3A_431 : f32 to vector<16xf32>
    %swap3A_433 = arith.constant 48 : index
    %swap3A_434 = tpu.vector_load %arg9[%swap3A_433] {strides = array<i32>} : memref<256xf32, #tpu.memory_space<vmem>>, vector<16xf32>,
    %swap3A_435 = vector.shape_cast %swap3A_434 : vector<16xf32> to vector<16xf32>
    %swap3A_436 = vector.shape_cast %broadcast_in_dim3A_432 : vector<16xf32> to vector<16xf32>
    tpu.vector_store %arg9[%swap3A_433], %swap3A_436 {strides = array<i32>} : memref<256xf32, #tpu.memory_space<vmem>>, vector<16xf32>,
    %broadcast_in_dim3A_437 = arith.constant 1.000000e+00 : f32
    %broadcast_in_dim3A_438 = vector.broadcast %broadcast_in_dim3A_437 : f32 to vector<16xf32>
    %swap3A_439 = arith.constant 64 : index
    %swap3A_440 = tpu.vector_load %arg9[%swap3A_439] {strides = array<i32>} : memref<256xf32, #tpu.memory_space<vmem>>, vector<16xf32>,
    %swap3A_441 = vector.shape_cast %swap3A_440 : vector<16xf32> to vector<16xf32>
    %swap3A_442 = vector.shape_cast %broadcast_in_dim3A_438 : vector<16xf32> to vector<16xf32>
    tpu.vector_store %arg9[%swap3A_439], %swap3A_442 {strides = array<i32>} : memref<256xf32, #tpu.memory_space<vmem>>, vector<16xf32>,
    %broadcast_in_dim3A_443 = arith.constant 1.000000e+00 : f32
    %broadcast_in_dim3A_444 = vector.broadcast %broadcast_in_dim3A_443 : f32 to vector<16xf32>
    %swap3A_445 = arith.constant 80 : index
    %swap3A_446 = tpu.vector_load %arg9[%swap3A_445] {strides = array<i32>} : memref<256xf32, #tpu.memory_space<vmem>>, vector<16xf32>,
    %swap3A_447 = vector.shape_cast %swap3A_446 : vector<16xf32> to vector<16xf32>
    %swap3A_448 = vector.shape_cast %broadcast_in_dim3A_444 : vector<16xf32> to vector<16xf32>
    tpu.vector_store %arg9[%swap3A_445], %swap3A_448 {strides = array<i32>} : memref<256xf32, #tpu.memory_space<vmem>>, vector<16xf32>,
    %broadcast_in_dim3A_449 = arith.constant 1.000000e+00 : f32
    %broadcast_in_dim3A_450 = vector.broadcast %broadcast_in_dim3A_449 : f32 to vector<16xf32>
    %swap3A_451 = arith.constant 96 : index
    %swap3A_452 = tpu.vector_load %arg9[%swap3A_451] {strides = array<i32>} : memref<256xf32, #tpu.memory_space<vmem>>, vector<16xf32>,
    %swap3A_453 = vector.shape_cast %swap3A_452 : vector<16xf32> to vector<16xf32>
    %swap3A_454 = vector.shape_cast %broadcast_in_dim3A_450 : vector<16xf32> to vector<16xf32>
    tpu.vector_store %arg9[%swap3A_451], %swap3A_454 {strides = array<i32>} : memref<256xf32, #tpu.memory_space<vmem>>, vector<16xf32>,
    %broadcast_in_dim3A_455 = arith.constant 1.000000e+00 : f32
    %broadcast_in_dim3A_456 = vector.broadcast %broadcast_in_dim3A_455 : f32 to vector<16xf32>
    %swap3A_457 = arith.constant 112 : index
    %swap3A_458 = tpu.vector_load %arg9[%swap3A_457] {strides = array<i32>} : memref<256xf32, #tpu.memory_space<vmem>>, vector<16xf32>,
    %swap3A_459 = vector.shape_cast %swap3A_458 : vector<16xf32> to vector<16xf32>
    %swap3A_460 = vector.shape_cast %broadcast_in_dim3A_456 : vector<16xf32> to vector<16xf32>
    tpu.vector_store %arg9[%swap3A_457], %swap3A_460 {strides = array<i32>} : memref<256xf32, #tpu.memory_space<vmem>>, vector<16xf32>,
    %broadcast_in_dim3A_461 = arith.constant 1.000000e+00 : f32
    %broadcast_in_dim3A_462 = vector.broadcast %broadcast_in_dim3A_461 : f32 to vector<16xf32>
    %swap3A_463 = arith.constant 128 : index
    %swap3A_464 = tpu.vector_load %arg9[%swap3A_463] {strides = array<i32>} : memref<256xf32, #tpu.memory_space<vmem>>, vector<16xf32>,
    %swap3A_465 = vector.shape_cast %swap3A_464 : vector<16xf32> to vector<16xf32>
    %swap3A_466 = vector.shape_cast %broadcast_in_dim3A_462 : vector<16xf32> to vector<16xf32>
    tpu.vector_store %arg9[%swap3A_463], %swap3A_466 {strides = array<i32>} : memref<256xf32, #tpu.memory_space<vmem>>, vector<16xf32>,
    %broadcast_in_dim3A_467 = arith.constant 1.000000e+00 : f32
    %broadcast_in_dim3A_468 = vector.broadcast %broadcast_in_dim3A_467 : f32 to vector<16xf32>
    %swap3A_469 = arith.constant 144 : index
    %swap3A_470 = tpu.vector_load %arg9[%swap3A_469] {strides = array<i32>} : memref<256xf32, #tpu.memory_space<vmem>>, vector<16xf32>,
    %swap3A_471 = vector.shape_cast %swap3A_470 : vector<16xf32> to vector<16xf32>
    %swap3A_472 = vector.shape_cast %broadcast_in_dim3A_468 : vector<16xf32> to vector<16xf32>
    tpu.vector_store %arg9[%swap3A_469], %swap3A_472 {strides = array<i32>} : memref<256xf32, #tpu.memory_space<vmem>>, vector<16xf32>,
    %broadcast_in_dim3A_473 = arith.constant 1.000000e+00 : f32
    %broadcast_in_dim3A_474 = vector.broadcast %broadcast_in_dim3A_473 : f32 to vector<16xf32>
    %swap3A_475 = arith.constant 160 : index
    %swap3A_476 = tpu.vector_load %arg9[%swap3A_475] {strides = array<i32>} : memref<256xf32, #tpu.memory_space<vmem>>, vector<16xf32>,
    %swap3A_477 = vector.shape_cast %swap3A_476 : vector<16xf32> to vector<16xf32>
    %swap3A_478 = vector.shape_cast %broadcast_in_dim3A_474 : vector<16xf32> to vector<16xf32>
    tpu.vector_store %arg9[%swap3A_475], %swap3A_478 {strides = array<i32>} : memref<256xf32, #tpu.memory_space<vmem>>, vector<16xf32>,
    %broadcast_in_dim3A_479 = arith.constant 1.000000e+00 : f32
    %broadcast_in_dim3A_480 = vector.broadcast %broadcast_in_dim3A_479 : f32 to vector<16xf32>
    %swap3A_481 = arith.constant 176 : index
    %swap3A_482 = tpu.vector_load %arg9[%swap3A_481] {strides = array<i32>} : memref<256xf32, #tpu.memory_space<vmem>>, vector<16xf32>,
    %swap3A_483 = vector.shape_cast %swap3A_482 : vector<16xf32> to vector<16xf32>
    %swap3A_484 = vector.shape_cast %broadcast_in_dim3A_480 : vector<16xf32> to vector<16xf32>
    tpu.vector_store %arg9[%swap3A_481], %swap3A_484 {strides = array<i32>} : memref<256xf32, #tpu.memory_space<vmem>>, vector<16xf32>,
    %broadcast_in_dim3A_485 = arith.constant 1.000000e+00 : f32
    %broadcast_in_dim3A_486 = vector.broadcast %broadcast_in_dim3A_485 : f32 to vector<16xf32>
    %swap3A_487 = arith.constant 192 : index
    %swap3A_488 = tpu.vector_load %arg9[%swap3A_487] {strides = array<i32>} : memref<256xf32, #tpu.memory_space<vmem>>, vector<16xf32>,
    %swap3A_489 = vector.shape_cast %swap3A_488 : vector<16xf32> to vector<16xf32>
    %swap3A_490 = vector.shape_cast %broadcast_in_dim3A_486 : vector<16xf32> to vector<16xf32>
    tpu.vector_store %arg9[%swap3A_487], %swap3A_490 {strides = array<i32>} : memref<256xf32, #tpu.memory_space<vmem>>, vector<16xf32>,
    %broadcast_in_dim3A_491 = arith.constant 1.000000e+00 : f32
    %broadcast_in_dim3A_492 = vector.broadcast %broadcast_in_dim3A_491 : f32 to vector<16xf32>
    %swap3A_493 = arith.constant 208 : index
    %swap3A_494 = tpu.vector_load %arg9[%swap3A_493] {strides = array<i32>} : memref<256xf32, #tpu.memory_space<vmem>>, vector<16xf32>,
    %swap3A_495 = vector.shape_cast %swap3A_494 : vector<16xf32> to vector<16xf32>
    %swap3A_496 = vector.shape_cast %broadcast_in_dim3A_492 : vector<16xf32> to vector<16xf32>
    tpu.vector_store %arg9[%swap3A_493], %swap3A_496 {strides = array<i32>} : memref<256xf32, #tpu.memory_space<vmem>>, vector<16xf32>,
    %broadcast_in_dim3A_497 = arith.constant 1.000000e+00 : f32
    %broadcast_in_dim3A_498 = vector.broadcast %broadcast_in_dim3A_497 : f32 to vector<16xf32>
    %swap3A_499 = arith.constant 224 : index
    %swap3A_500 = tpu.vector_load %arg9[%swap3A_499] {strides = array<i32>} : memref<256xf32, #tpu.memory_space<vmem>>, vector<16xf32>,
    %swap3A_501 = vector.shape_cast %swap3A_500 : vector<16xf32> to vector<16xf32>
    %swap3A_502 = vector.shape_cast %broadcast_in_dim3A_498 : vector<16xf32> to vector<16xf32>
    tpu.vector_store %arg9[%swap3A_499], %swap3A_502 {strides = array<i32>} : memref<256xf32, #tpu.memory_space<vmem>>, vector<16xf32>,
    %broadcast_in_dim3A_503 = arith.constant 1.000000e+00 : f32
    %broadcast_in_dim3A_504 = vector.broadcast %broadcast_in_dim3A_503 : f32 to vector<16xf32>
    %swap3A_505 = arith.constant 240 : index
    %swap3A_506 = tpu.vector_load %arg9[%swap3A_505] {strides = array<i32>} : memref<256xf32, #tpu.memory_space<vmem>>, vector<16xf32>,
    %swap3A_507 = vector.shape_cast %swap3A_506 : vector<16xf32> to vector<16xf32>
    %swap3A_508 = vector.shape_cast %broadcast_in_dim3A_504 : vector<16xf32> to vector<16xf32>
    tpu.vector_store %arg9[%swap3A_505], %swap3A_508 {strides = array<i32>} : memref<256xf32, #tpu.memory_space<vmem>>, vector<16xf32>,
    %eq3A = arith.constant 0 : i32
    %eq3A_509 = arith.cmpi eq, %arg1, %eq3A : i32
    %convert_element_type3A = arith.extui %eq3A_509 : i1 to i32
    %cond3A = arith.constant 0 : i32
    %cond3A_510 = arith.cmpi ne, %convert_element_type3A, %cond3A : i32
    scf.if %cond3A_510 {
      "tpu.region"() ({
        %run_scoped3A_546 = tpu.sem_alloc : memref<!tpu.dma_semaphore, #tpu.memory_space<semaphore_mem>>
        tpu.enqueue_dma source(%arg10 : memref<1024xf32, #tpu.memory_space<vmem>>) target(%arg11 : memref<1024xf32, #tpu.memory_space<vmem_shared>>) target_semaphore(%run_scoped3A_546 : memref<!tpu.dma_semaphore, #tpu.memory_space<semaphore_mem>>)
        tpu.wait_dma2 semaphore(%run_scoped3A_546 : memref<!tpu.dma_semaphore, #tpu.memory_space<semaphore_mem>>) src(%arg10 : memref<1024xf32, #tpu.memory_space<vmem>>) dst(%arg11 : memref<1024xf32, #tpu.memory_space<vmem_shared>>)
        tpu.yield
      }) : () -> ()
    } else {
    }
    %barrier3A = arith.constant 0 : index
    tpu.barrier barrier_id(%barrier3A)
    "tpu.region"() ({
      %run_scoped3A_546 = tpu.sem_alloc : memref<!tpu.dma_semaphore, #tpu.memory_space<semaphore_mem>>
      %dma_start3A_547 = arith.constant 0 : i32
      %dma_start3A_548 = tpu.memref_slice %arg11[%dma_start3A_547] : memref<1024xf32, #tpu.memory_space<vmem_shared>> -> memref<1024xf32, #tpu.memory_space<vmem_shared>>
      tpu.enqueue_indirect_dma source(%arg9 : memref<256xf32, #tpu.memory_space<vmem>>) target(%dma_start3A_548 : memref<1024xf32, #tpu.memory_space<vmem_shared>>) offsets(%arg7 : memref<256xi32, #tpu.memory_space<vmem>>) semaphore(%run_scoped3A_546 : memref<!tpu.dma_semaphore, #tpu.memory_space<semaphore_mem>>) {add = true}
      %dma_wait3A_549 = arith.constant 0 : i32
      %dma_wait3A_550 = tpu.memref_slice %arg11[%dma_wait3A_549] : memref<1024xf32, #tpu.memory_space<vmem_shared>> -> memref<1024xf32, #tpu.memory_space<vmem_shared>>
      tpu.wait_indirect_dma semaphore(%run_scoped3A_546 : memref<!tpu.dma_semaphore, #tpu.memory_space<semaphore_mem>>) src(%arg9 : memref<256xf32, #tpu.memory_space<vmem>>) dst(%dma_wait3A_550 : memref<1024xf32, #tpu.memory_space<vmem_shared>>)
      tpu.yield
    }) : () -> ()
    %barrier3A_511 = arith.constant 0 : index
    tpu.barrier barrier_id(%barrier3A_511)
    %eq3A_512 = arith.constant 0 : i32
    %eq3A_513 = arith.cmpi eq, %arg1, %eq3A_512 : i32
    %convert_element_type3A_514 = arith.extui %eq3A_513 : i1 to i32
    %cond3A_515 = arith.constant 0 : i32
    %cond3A_516 = arith.cmpi ne, %convert_element_type3A_514, %cond3A_515 : i32
    scf.if %cond3A_516 {
      "tpu.region"() ({
        %run_scoped3A_546 = tpu.sem_alloc : memref<!tpu.dma_semaphore, #tpu.memory_space<semaphore_mem>>
        %dma_start3A_547 = arith.constant 0 : i32
        %dma_start3A_548 = tpu.memref_slice %arg5[%arg0, %dma_start3A_547] : memref<2x1024xf32, #tpu.memory_space<hbm>> -> memref<1x1024xf32, #tpu.memory_space<hbm>>
        %dma_start3A_549 = tpu.memref_squeeze %dma_start3A_548 : memref<1x1024xf32, #tpu.memory_space<hbm>> -> memref<1024xf32, #tpu.memory_space<hbm>>
        tpu.enqueue_dma source(%arg11 : memref<1024xf32, #tpu.memory_space<vmem_shared>>) target(%dma_start3A_549 : memref<1024xf32, #tpu.memory_space<hbm>>) target_semaphore(%run_scoped3A_546 : memref<!tpu.dma_semaphore, #tpu.memory_space<semaphore_mem>>)
        %dma_wait3A_550 = arith.constant 0 : i32
        %dma_wait3A_551 = tpu.memref_slice %arg5[%arg0, %dma_wait3A_550] : memref<2x1024xf32, #tpu.memory_space<hbm>> -> memref<1x1024xf32, #tpu.memory_space<hbm>>
        %dma_wait3A_552 = tpu.memref_squeeze %dma_wait3A_551 : memref<1x1024xf32, #tpu.memory_space<hbm>> -> memref<1024xf32, #tpu.memory_space<hbm>>
        tpu.wait_dma2 semaphore(%run_scoped3A_546 : memref<!tpu.dma_semaphore, #tpu.memory_space<semaphore_mem>>) src(%arg11 : memref<1024xf32, #tpu.memory_space<vmem_shared>>) dst(%dma_wait3A_552 : memref<1024xf32, #tpu.memory_space<hbm>>)
        tpu.yield
      }) : () -> ()
    } else {
    }
    %dma_wait3A = arith.constant 0 : i32
    %dma_wait3A_517 = arith.constant 0 : i32
    %dma_wait3A_518 = arith.constant 0 : i32
    %dma_wait3A_519 = arith.constant 0 : i32
    %dma_wait3A_520 = tpu.memref_slice %arg8[%dma_wait3A_517, %dma_wait3A_518, %dma_wait3A_519] : memref<2x128x64xf32, #tpu.memory_space<vmem>> -> memref<1x128x64xf32, #tpu.memory_space<vmem>>
    %dma_wait3A_521 = tpu.memref_squeeze %dma_wait3A_520 : memref<1x128x64xf32, #tpu.memory_space<vmem>> -> memref<128x64xf32, #tpu.memory_space<vmem>>
    %dma_wait3A_522 = arith.constant 0 : i32
    %dma_wait3A_523 = tpu.memref_slice %arg6[%dma_wait3A, %dma_wait3A_522] : memref<2x128xi32, #tpu.memory_space<vmem>> -> memref<1x128xi32, #tpu.memory_space<vmem>>
    %dma_wait3A_524 = tpu.memref_squeeze %dma_wait3A_523 : memref<1x128xi32, #tpu.memory_space<vmem>> -> memref<128xi32, #tpu.memory_space<vmem>>
    %dma_wait3A_525 = arith.constant 0 : i32
    %dma_wait3A_526 = arith.constant 0 : i32
    %dma_wait3A_527 = tpu.memref_slice %arg2[%dma_wait3A_525, %dma_wait3A_526] : memref<1024x64xf32, #tpu.memory_space<hbm>> -> memref<1024x64xf32, #tpu.memory_space<hbm>>
    tpu.wait_indirect_dma semaphore(%arg12 : memref<!tpu.dma_semaphore, #tpu.memory_space<semaphore_mem>>) src(%dma_wait3A_527 : memref<1024x64xf32, #tpu.memory_space<hbm>>) dst(%dma_wait3A_521 : memref<128x64xf32, #tpu.memory_space<vmem>>)
    %add3A_528 = arith.constant 0 : i32
    %add3A_529 = arith.addi %mul3A_2, %add3A_528 : i32
    %run_scoped3A_530 = arith.constant 0 : i32
    "tpu.region"() ({
      %run_scoped3A_546 = tpu.sem_alloc : memref<!tpu.dma_semaphore, #tpu.memory_space<semaphore_mem>>
      %dma_start3A_547 = arith.constant 0 : i32
      %dma_start3A_548 = arith.constant 0 : i32
      %dma_start3A_549 = tpu.memref_slice %arg8[%run_scoped3A_530, %dma_start3A_547, %dma_start3A_548] : memref<2x128x64xf32, #tpu.memory_space<vmem>> -> memref<1x128x64xf32, #tpu.memory_space<vmem>>
      %dma_start3A_550 = tpu.memref_squeeze %dma_start3A_549 : memref<1x128x64xf32, #tpu.memory_space<vmem>> -> memref<128x64xf32, #tpu.memory_space<vmem>>
      %dma_start3A_551 = arith.constant 0 : i32
      %dma_start3A_552 = tpu.memref_slice %arg4[%add3A_529, %dma_start3A_551] : memref<8192x64xf32, #tpu.memory_space<hbm>> -> memref<128x64xf32, #tpu.memory_space<hbm>>
      %dma_start3A_553 = arith.constant 0 : i32
      %dma_start3A_554 = tpu.memref_slice %arg4[%add3A_529, %dma_start3A_553] : memref<8192x64xf32, #tpu.memory_space<hbm>> -> memref<128x64xf32, #tpu.memory_space<hbm>>
      %dma_start3A_555 = arith.constant 0 : i32
      %dma_start3A_556 = arith.constant 0 : i32
      %dma_start3A_557 = tpu.memref_slice %arg8[%run_scoped3A_530, %dma_start3A_555, %dma_start3A_556] : memref<2x128x64xf32, #tpu.memory_space<vmem>> -> memref<1x128x64xf32, #tpu.memory_space<vmem>>
      %dma_start3A_558 = tpu.memref_squeeze %dma_start3A_557 : memref<1x128x64xf32, #tpu.memory_space<vmem>> -> memref<128x64xf32, #tpu.memory_space<vmem>>
      tpu.enqueue_dma source(%dma_start3A_558 : memref<128x64xf32, #tpu.memory_space<vmem>>) target(%dma_start3A_554 : memref<128x64xf32, #tpu.memory_space<hbm>>) target_semaphore(%run_scoped3A_546 : memref<!tpu.dma_semaphore, #tpu.memory_space<semaphore_mem>>)
      %dma_wait3A_559 = arith.constant 0 : i32
      %dma_wait3A_560 = arith.constant 0 : i32
      %dma_wait3A_561 = tpu.memref_slice %arg8[%run_scoped3A_530, %dma_wait3A_559, %dma_wait3A_560] : memref<2x128x64xf32, #tpu.memory_space<vmem>> -> memref<1x128x64xf32, #tpu.memory_space<vmem>>
      %dma_wait3A_562 = tpu.memref_squeeze %dma_wait3A_561 : memref<1x128x64xf32, #tpu.memory_space<vmem>> -> memref<128x64xf32, #tpu.memory_space<vmem>>
      %dma_wait3A_563 = arith.constant 0 : i32
      %dma_wait3A_564 = tpu.memref_slice %arg4[%add3A_529, %dma_wait3A_563] : memref<8192x64xf32, #tpu.memory_space<hbm>> -> memref<128x64xf32, #tpu.memory_space<hbm>>
      %dma_wait3A_565 = arith.constant 0 : i32
      %dma_wait3A_566 = tpu.memref_slice %arg4[%add3A_529, %dma_wait3A_565] : memref<8192x64xf32, #tpu.memory_space<hbm>> -> memref<128x64xf32, #tpu.memory_space<hbm>>
      %dma_wait3A_567 = arith.constant 0 : i32
      %dma_wait3A_568 = arith.constant 0 : i32
      %dma_wait3A_569 = tpu.memref_slice %arg8[%run_scoped3A_530, %dma_wait3A_567, %dma_wait3A_568] : memref<2x128x64xf32, #tpu.memory_space<vmem>> -> memref<1x128x64xf32, #tpu.memory_space<vmem>>
      %dma_wait3A_570 = tpu.memref_squeeze %dma_wait3A_569 : memref<1x128x64xf32, #tpu.memory_space<vmem>> -> memref<128x64xf32, #tpu.memory_space<vmem>>
      tpu.wait_dma2 semaphore(%run_scoped3A_546 : memref<!tpu.dma_semaphore, #tpu.memory_space<semaphore_mem>>) src(%dma_wait3A_570 : memref<128x64xf32, #tpu.memory_space<vmem>>) dst(%dma_wait3A_566 : memref<128x64xf32, #tpu.memory_space<hbm>>)
      tpu.yield
    }) : () -> ()
    %dma_wait3A_531 = arith.constant 1 : i32
    %dma_wait3A_532 = arith.constant 1 : i32
    %dma_wait3A_533 = arith.constant 0 : i32
    %dma_wait3A_534 = arith.constant 0 : i32
    %dma_wait3A_535 = tpu.memref_slice %arg8[%dma_wait3A_532, %dma_wait3A_533, %dma_wait3A_534] : memref<2x128x64xf32, #tpu.memory_space<vmem>> -> memref<1x128x64xf32, #tpu.memory_space<vmem>>
    %dma_wait3A_536 = tpu.memref_squeeze %dma_wait3A_535 : memref<1x128x64xf32, #tpu.memory_space<vmem>> -> memref<128x64xf32, #tpu.memory_space<vmem>>
    %dma_wait3A_537 = arith.constant 0 : i32
    %dma_wait3A_538 = tpu.memref_slice %arg6[%dma_wait3A_531, %dma_wait3A_537] : memref<2x128xi32, #tpu.memory_space<vmem>> -> memref<1x128xi32, #tpu.memory_space<vmem>>
    %dma_wait3A_539 = tpu.memref_squeeze %dma_wait3A_538 : memref<1x128xi32, #tpu.memory_space<vmem>> -> memref<128xi32, #tpu.memory_space<vmem>>
    %dma_wait3A_540 = arith.constant 0 : i32
    %dma_wait3A_541 = arith.constant 0 : i32
    %dma_wait3A_542 = tpu.memref_slice %arg2[%dma_wait3A_540, %dma_wait3A_541] : memref<1024x64xf32, #tpu.memory_space<hbm>> -> memref<1024x64xf32, #tpu.memory_space<hbm>>
    tpu.wait_indirect_dma semaphore(%arg12 : memref<!tpu.dma_semaphore, #tpu.memory_space<semaphore_mem>>) src(%dma_wait3A_542 : memref<1024x64xf32, #tpu.memory_space<hbm>>) dst(%dma_wait3A_536 : memref<128x64xf32, #tpu.memory_space<vmem>>)
    %add3A_543 = arith.constant 128 : i32
    %add3A_544 = arith.addi %mul3A_2, %add3A_543 : i32
    %run_scoped3A_545 = arith.constant 1 : i32
    "tpu.region"() ({
      %run_scoped3A_546 = tpu.sem_alloc : memref<!tpu.dma_semaphore, #tpu.memory_space<semaphore_mem>>
      %dma_start3A_547 = arith.constant 0 : i32
      %dma_start3A_548 = arith.constant 0 : i32
      %dma_start3A_549 = tpu.memref_slice %arg8[%run_scoped3A_545, %dma_start3A_547, %dma_start3A_548] : memref<2x128x64xf32, #tpu.memory_space<vmem>> -> memref<1x128x64xf32, #tpu.memory_space<vmem>>
      %dma_start3A_550 = tpu.memref_squeeze %dma_start3A_549 : memref<1x128x64xf32, #tpu.memory_space<vmem>> -> memref<128x64xf32, #tpu.memory_space<vmem>>
      %dma_start3A_551 = arith.constant 0 : i32
      %dma_start3A_552 = tpu.memref_slice %arg4[%add3A_544, %dma_start3A_551] : memref<8192x64xf32, #tpu.memory_space<hbm>> -> memref<128x64xf32, #tpu.memory_space<hbm>>
      %dma_start3A_553 = arith.constant 0 : i32
      %dma_start3A_554 = tpu.memref_slice %arg4[%add3A_544, %dma_start3A_553] : memref<8192x64xf32, #tpu.memory_space<hbm>> -> memref<128x64xf32, #tpu.memory_space<hbm>>
      %dma_start3A_555 = arith.constant 0 : i32
      %dma_start3A_556 = arith.constant 0 : i32
      %dma_start3A_557 = tpu.memref_slice %arg8[%run_scoped3A_545, %dma_start3A_555, %dma_start3A_556] : memref<2x128x64xf32, #tpu.memory_space<vmem>> -> memref<1x128x64xf32, #tpu.memory_space<vmem>>
      %dma_start3A_558 = tpu.memref_squeeze %dma_start3A_557 : memref<1x128x64xf32, #tpu.memory_space<vmem>> -> memref<128x64xf32, #tpu.memory_space<vmem>>
      tpu.enqueue_dma source(%dma_start3A_558 : memref<128x64xf32, #tpu.memory_space<vmem>>) target(%dma_start3A_554 : memref<128x64xf32, #tpu.memory_space<hbm>>) target_semaphore(%run_scoped3A_546 : memref<!tpu.dma_semaphore, #tpu.memory_space<semaphore_mem>>)
      %dma_wait3A_559 = arith.constant 0 : i32
      %dma_wait3A_560 = arith.constant 0 : i32
      %dma_wait3A_561 = tpu.memref_slice %arg8[%run_scoped3A_545, %dma_wait3A_559, %dma_wait3A_560] : memref<2x128x64xf32, #tpu.memory_space<vmem>> -> memref<1x128x64xf32, #tpu.memory_space<vmem>>
      %dma_wait3A_562 = tpu.memref_squeeze %dma_wait3A_561 : memref<1x128x64xf32, #tpu.memory_space<vmem>> -> memref<128x64xf32, #tpu.memory_space<vmem>>
      %dma_wait3A_563 = arith.constant 0 : i32
      %dma_wait3A_564 = tpu.memref_slice %arg4[%add3A_544, %dma_wait3A_563] : memref<8192x64xf32, #tpu.memory_space<hbm>> -> memref<128x64xf32, #tpu.memory_space<hbm>>
      %dma_wait3A_565 = arith.constant 0 : i32
      %dma_wait3A_566 = tpu.memref_slice %arg4[%add3A_544, %dma_wait3A_565] : memref<8192x64xf32, #tpu.memory_space<hbm>> -> memref<128x64xf32, #tpu.memory_space<hbm>>
      %dma_wait3A_567 = arith.constant 0 : i32
      %dma_wait3A_568 = arith.constant 0 : i32
      %dma_wait3A_569 = tpu.memref_slice %arg8[%run_scoped3A_545, %dma_wait3A_567, %dma_wait3A_568] : memref<2x128x64xf32, #tpu.memory_space<vmem>> -> memref<1x128x64xf32, #tpu.memory_space<vmem>>
      %dma_wait3A_570 = tpu.memref_squeeze %dma_wait3A_569 : memref<1x128x64xf32, #tpu.memory_space<vmem>> -> memref<128x64xf32, #tpu.memory_space<vmem>>
      tpu.wait_dma2 semaphore(%run_scoped3A_546 : memref<!tpu.dma_semaphore, #tpu.memory_space<semaphore_mem>>) src(%dma_wait3A_570 : memref<128x64xf32, #tpu.memory_space<vmem>>) dst(%dma_wait3A_566 : memref<128x64xf32, #tpu.memory_space<hbm>>)
      tpu.yield
    }) : () -> ()
    return
  }
}

#map = affine_map<(d0, d1) -> (0, 0)>
#map1 = affine_map<(d0, d1) -> (0)>
module attributes {stable_mosaic.version = 14 : i64} {
  func.func @_gather_count_body(%arg0: i32, %arg1: i32, %arg2: memref<1024x64xf32, #tpu.memory_space<hbm>>, %arg3: memref<8192xi32, #tpu.memory_space<hbm>>, %arg4: memref<8192x64xf32, #tpu.memory_space<hbm>>, %arg5: memref<2x1024xf32, #tpu.memory_space<hbm>>, %arg6: memref<2x128xi32, #tpu.memory_space<vmem>>, %arg7: memref<256xi32, #tpu.memory_space<vmem>>, %arg8: memref<2x128x64xf32, #tpu.memory_space<vmem>>, %arg9: memref<256xf32, #tpu.memory_space<vmem>>, %arg10: memref<1024xf32, #tpu.memory_space<vmem>>, %arg11: memref<1024xf32, #tpu.memory_space<vmem_shared>>, %arg12: memref<!tpu.dma_semaphore, #tpu.memory_space<semaphore_mem>>) attributes {dimension_semantics = [#tpu.dimension_semantics<core_parallel>, #tpu.dimension_semantics<subcore_parallel>], iteration_bounds = array<i64: 2, 16>, scalar_prefetch = 0 : i64, scratch_operands = 7 : i64, tpu.core_type = #tpu.core_type<sc_vector_subcore>, window_params = [{transform_indices = #map}, {transform_indices = #map1}, {transform_indices = #map}, {transform_indices = #map}]} {
    %mul3A = arith.constant 2 : i32
    %mul3A_0 = arith.muli %arg1, %mul3A : i32
    %add3A = arith.addi %mul3A_0, %arg0 : i32
    %mul3A_1 = arith.constant 256 : i32
    %mul3A_2 = arith.muli %add3A, %mul3A_1 : i32
    %add3A_3 = arith.constant 0 : i32
    %add3A_4 = arith.addi %mul3A_2, %add3A_3 : i32
    %run_scoped3A = arith.constant 0 : i32
    "tpu.region"() ({
      %run_scoped3A_546 = tpu.sem_alloc : memref<!tpu.dma_semaphore, #tpu.memory_space<semaphore_mem>>
      %dma_start3A_547 = arith.constant 0 : i32
      %dma_start3A_548 = tpu.memref_slice %arg6[%run_scoped3A, %dma_start3A_547] : memref<2x128xi32, #tpu.memory_space<vmem>> -> memref<1x128xi32, #tpu.memory_space<vmem>>
      %dma_start3A_549 = tpu.memref_squeeze %dma_start3A_548 : memref<1x128xi32, #tpu.memory_space<vmem>> -> memref<128xi32, #tpu.memory_space<vmem>>
      %dma_start3A_550 = tpu.memref_slice %arg3[%add3A_4] : memref<8192xi32, #tpu.memory_space<hbm>> -> memref<128xi32, #tpu.memory_space<hbm>>
      %dma_start3A_551 = arith.constant 0 : i32
      %dma_start3A_552 = tpu.memref_slice %arg6[%run_scoped3A, %dma_start3A_551] : memref<2x128xi32, #tpu.memory_space<vmem>> -> memref<1x128xi32, #tpu.memory_space<vmem>>
      %dma_start3A_553 = tpu.memref_squeeze %dma_start3A_552 : memref<1x128xi32, #tpu.memory_space<vmem>> -> memref<128xi32, #tpu.memory_space<vmem>>
      %dma_start3A_554 = tpu.memref_slice %arg3[%add3A_4] : memref<8192xi32, #tpu.memory_space<hbm>> -> memref<128xi32, #tpu.memory_space<hbm>>
      tpu.enqueue_dma source(%dma_start3A_554 : memref<128xi32, #tpu.memory_space<hbm>>) target(%dma_start3A_553 : memref<128xi32, #tpu.memory_space<vmem>>) target_semaphore(%run_scoped3A_546 : memref<!tpu.dma_semaphore, #tpu.memory_space<semaphore_mem>>)
      %dma_wait3A_555 = arith.constant 0 : i32
      %dma_wait3A_556 = tpu.memref_slice %arg6[%run_scoped3A, %dma_wait3A_555] : memref<2x128xi32, #tpu.memory_space<vmem>> -> memref<1x128xi32, #tpu.memory_space<vmem>>
      %dma_wait3A_557 = tpu.memref_squeeze %dma_wait3A_556 : memref<1x128xi32, #tpu.memory_space<vmem>> -> memref<128xi32, #tpu.memory_space<vmem>>
      %dma_wait3A_558 = tpu.memref_slice %arg3[%add3A_4] : memref<8192xi32, #tpu.memory_space<hbm>> -> memref<128xi32, #tpu.memory_space<hbm>>
      %dma_wait3A_559 = arith.constant 0 : i32
      %dma_wait3A_560 = tpu.memref_slice %arg6[%run_scoped3A, %dma_wait3A_559] : memref<2x128xi32, #tpu.memory_space<vmem>> -> memref<1x128xi32, #tpu.memory_space<vmem>>
      %dma_wait3A_561 = tpu.memref_squeeze %dma_wait3A_560 : memref<1x128xi32, #tpu.memory_space<vmem>> -> memref<128xi32, #tpu.memory_space<vmem>>
      %dma_wait3A_562 = tpu.memref_slice %arg3[%add3A_4] : memref<8192xi32, #tpu.memory_space<hbm>> -> memref<128xi32, #tpu.memory_space<hbm>>
      tpu.wait_dma2 semaphore(%run_scoped3A_546 : memref<!tpu.dma_semaphore, #tpu.memory_space<semaphore_mem>>) src(%dma_wait3A_562 : memref<128xi32, #tpu.memory_space<hbm>>) dst(%dma_wait3A_561 : memref<128xi32, #tpu.memory_space<vmem>>)
      tpu.yield
    }) : () -> ()
    %add3A_5 = arith.constant 128 : i32
    %add3A_6 = arith.addi %mul3A_2, %add3A_5 : i32
    %run_scoped3A_7 = arith.constant 1 : i32
    "tpu.region"() ({
      %run_scoped3A_546 = tpu.sem_alloc : memref<!tpu.dma_semaphore, #tpu.memory_space<semaphore_mem>>
      %dma_start3A_547 = arith.constant 0 : i32
      %dma_start3A_548 = tpu.memref_slice %arg6[%run_scoped3A_7, %dma_start3A_547] : memref<2x128xi32, #tpu.memory_space<vmem>> -> memref<1x128xi32, #tpu.memory_space<vmem>>
      %dma_start3A_549 = tpu.memref_squeeze %dma_start3A_548 : memref<1x128xi32, #tpu.memory_space<vmem>> -> memref<128xi32, #tpu.memory_space<vmem>>
      %dma_start3A_550 = tpu.memref_slice %arg3[%add3A_6] : memref<8192xi32, #tpu.memory_space<hbm>> -> memref<128xi32, #tpu.memory_space<hbm>>
      %dma_start3A_551 = arith.constant 0 : i32
      %dma_start3A_552 = tpu.memref_slice %arg6[%run_scoped3A_7, %dma_start3A_551] : memref<2x128xi32, #tpu.memory_space<vmem>> -> memref<1x128xi32, #tpu.memory_space<vmem>>
      %dma_start3A_553 = tpu.memref_squeeze %dma_start3A_552 : memref<1x128xi32, #tpu.memory_space<vmem>> -> memref<128xi32, #tpu.memory_space<vmem>>
      %dma_start3A_554 = tpu.memref_slice %arg3[%add3A_6] : memref<8192xi32, #tpu.memory_space<hbm>> -> memref<128xi32, #tpu.memory_space<hbm>>
      tpu.enqueue_dma source(%dma_start3A_554 : memref<128xi32, #tpu.memory_space<hbm>>) target(%dma_start3A_553 : memref<128xi32, #tpu.memory_space<vmem>>) target_semaphore(%run_scoped3A_546 : memref<!tpu.dma_semaphore, #tpu.memory_space<semaphore_mem>>)
      %dma_wait3A_555 = arith.constant 0 : i32
      %dma_wait3A_556 = tpu.memref_slice %arg6[%run_scoped3A_7, %dma_wait3A_555] : memref<2x128xi32, #tpu.memory_space<vmem>> -> memref<1x128xi32, #tpu.memory_space<vmem>>
      %dma_wait3A_557 = tpu.memref_squeeze %dma_wait3A_556 : memref<1x128xi32, #tpu.memory_space<vmem>> -> memref<128xi32, #tpu.memory_space<vmem>>
      %dma_wait3A_558 = tpu.memref_slice %arg3[%add3A_6] : memref<8192xi32, #tpu.memory_space<hbm>> -> memref<128xi32, #tpu.memory_space<hbm>>
      %dma_wait3A_559 = arith.constant 0 : i32
      %dma_wait3A_560 = tpu.memref_slice %arg6[%run_scoped3A_7, %dma_wait3A_559] : memref<2x128xi32, #tpu.memory_space<vmem>> -> memref<1x128xi32, #tpu.memory_space<vmem>>
      %dma_wait3A_561 = tpu.memref_squeeze %dma_wait3A_560 : memref<1x128xi32, #tpu.memory_space<vmem>> -> memref<128xi32, #tpu.memory_space<vmem>>
      %dma_wait3A_562 = tpu.memref_slice %arg3[%add3A_6] : memref<8192xi32, #tpu.memory_space<hbm>> -> memref<128xi32, #tpu.memory_space<hbm>>
      tpu.wait_dma2 semaphore(%run_scoped3A_546 : memref<!tpu.dma_semaphore, #tpu.memory_space<semaphore_mem>>) src(%dma_wait3A_562 : memref<128xi32, #tpu.memory_space<hbm>>) dst(%dma_wait3A_561 : memref<128xi32, #tpu.memory_space<vmem>>)
      tpu.yield
    }) : () -> ()
    "tpu.region"() ({
      %run_scoped3A_546 = tpu.sem_alloc : memref<!tpu.dma_semaphore, #tpu.memory_space<semaphore_mem>>
      %dma_start3A_547 = tpu.memref_slice %arg3[%mul3A_2] : memref<8192xi32, #tpu.memory_space<hbm>> -> memref<256xi32, #tpu.memory_space<hbm>>
      %dma_start3A_548 = tpu.memref_slice %arg3[%mul3A_2] : memref<8192xi32, #tpu.memory_space<hbm>> -> memref<256xi32, #tpu.memory_space<hbm>>
      tpu.enqueue_dma source(%dma_start3A_548 : memref<256xi32, #tpu.memory_space<hbm>>) target(%arg7 : memref<256xi32, #tpu.memory_space<vmem>>) target_semaphore(%run_scoped3A_546 : memref<!tpu.dma_semaphore, #tpu.memory_space<semaphore_mem>>)
      %dma_wait3A_549 = tpu.memref_slice %arg3[%mul3A_2] : memref<8192xi32, #tpu.memory_space<hbm>> -> memref<256xi32, #tpu.memory_space<hbm>>
      %dma_wait3A_550 = tpu.memref_slice %arg3[%mul3A_2] : memref<8192xi32, #tpu.memory_space<hbm>> -> memref<256xi32, #tpu.memory_space<hbm>>
      tpu.wait_dma2 semaphore(%run_scoped3A_546 : memref<!tpu.dma_semaphore, #tpu.memory_space<semaphore_mem>>) src(%dma_wait3A_550 : memref<256xi32, #tpu.memory_space<hbm>>) dst(%arg7 : memref<256xi32, #tpu.memory_space<vmem>>)
      tpu.yield
    }) : () -> ()
    %dma_start3A = arith.constant 0 : i32
    %dma_start3A_8 = arith.constant 0 : i32
    %dma_start3A_9 = arith.constant 0 : i32
    %dma_start3A_10 = arith.constant 0 : i32
    %dma_start3A_11 = tpu.memref_slice %arg8[%dma_start3A_8, %dma_start3A_9, %dma_start3A_10] : memref<2x128x64xf32, #tpu.memory_space<vmem>> -> memref<1x128x64xf32, #tpu.memory_space<vmem>>
    %dma_start3A_12 = tpu.memref_squeeze %dma_start3A_11 : memref<1x128x64xf32, #tpu.memory_space<vmem>> -> memref<128x64xf32, #tpu.memory_space<vmem>>
    %dma_start3A_13 = arith.constant 0 : i32
    %dma_start3A_14 = tpu.memref_slice %arg6[%dma_start3A, %dma_start3A_13] : memref<2x128xi32, #tpu.memory_space<vmem>> -> memref<1x128xi32, #tpu.memory_space<vmem>>
    %dma_start3A_15 = tpu.memref_squeeze %dma_start3A_14 : memref<1x128xi32, #tpu.memory_space<vmem>> -> memref<128xi32, #tpu.memory_space<vmem>>
    %dma_start3A_16 = arith.constant 0 : i32
    %dma_start3A_17 = arith.constant 0 : i32
    %dma_start3A_18 = tpu.memref_slice %arg2[%dma_start3A_16, %dma_start3A_17] : memref<1024x64xf32, #tpu.memory_space<hbm>> -> memref<1024x64xf32, #tpu.memory_space<hbm>>
    tpu.enqueue_indirect_dma source(%dma_start3A_18 : memref<1024x64xf32, #tpu.memory_space<hbm>>) target(%dma_start3A_12 : memref<128x64xf32, #tpu.memory_space<vmem>>) offsets(%dma_start3A_15 : memref<128xi32, #tpu.memory_space<vmem>>) semaphore(%arg12 : memref<!tpu.dma_semaphore, #tpu.memory_space<semaphore_mem>>)
    %dma_start3A_19 = arith.constant 1 : i32
    %dma_start3A_20 = arith.constant 1 : i32
    %dma_start3A_21 = arith.constant 0 : i32
    %dma_start3A_22 = arith.constant 0 : i32
    %dma_start3A_23 = tpu.memref_slice %arg8[%dma_start3A_20, %dma_start3A_21, %dma_start3A_22] : memref<2x128x64xf32, #tpu.memory_space<vmem>> -> memref<1x128x64xf32, #tpu.memory_space<vmem>>
    %dma_start3A_24 = tpu.memref_squeeze %dma_start3A_23 : memref<1x128x64xf32, #tpu.memory_space<vmem>> -> memref<128x64xf32, #tpu.memory_space<vmem>>
    %dma_start3A_25 = arith.constant 0 : i32
    %dma_start3A_26 = tpu.memref_slice %arg6[%dma_start3A_19, %dma_start3A_25] : memref<2x128xi32, #tpu.memory_space<vmem>> -> memref<1x128xi32, #tpu.memory_space<vmem>>
    %dma_start3A_27 = tpu.memref_squeeze %dma_start3A_26 : memref<1x128xi32, #tpu.memory_space<vmem>> -> memref<128xi32, #tpu.memory_space<vmem>>
    %dma_start3A_28 = arith.constant 0 : i32
    %dma_start3A_29 = arith.constant 0 : i32
    %dma_start3A_30 = tpu.memref_slice %arg2[%dma_start3A_28, %dma_start3A_29] : memref<1024x64xf32, #tpu.memory_space<hbm>> -> memref<1024x64xf32, #tpu.memory_space<hbm>>
    tpu.enqueue_indirect_dma source(%dma_start3A_30 : memref<1024x64xf32, #tpu.memory_space<hbm>>) target(%dma_start3A_24 : memref<128x64xf32, #tpu.memory_space<vmem>>) offsets(%dma_start3A_27 : memref<128xi32, #tpu.memory_space<vmem>>) semaphore(%arg12 : memref<!tpu.dma_semaphore, #tpu.memory_space<semaphore_mem>>)
    %broadcast_in_dim3A = arith.constant 0.000000e+00 : f32
    %broadcast_in_dim3A_31 = vector.broadcast %broadcast_in_dim3A : f32 to vector<16xf32>
    %swap3A = arith.constant 0 : index
    %swap3A_32 = tpu.vector_load %arg10[%swap3A] {strides = array<i32>} : memref<1024xf32, #tpu.memory_space<vmem>>, vector<16xf32>,
    %swap3A_33 = vector.shape_cast %swap3A_32 : vector<16xf32> to vector<16xf32>
    %swap3A_34 = vector.shape_cast %broadcast_in_dim3A_31 : vector<16xf32> to vector<16xf32>
    tpu.vector_store %arg10[%swap3A], %swap3A_34 {strides = array<i32>} : memref<1024xf32, #tpu.memory_space<vmem>>, vector<16xf32>,
    %broadcast_in_dim3A_35 = arith.constant 0.000000e+00 : f32
    %broadcast_in_dim3A_36 = vector.broadcast %broadcast_in_dim3A_35 : f32 to vector<16xf32>
    %swap3A_37 = arith.constant 16 : index
    %swap3A_38 = tpu.vector_load %arg10[%swap3A_37] {strides = array<i32>} : memref<1024xf32, #tpu.memory_space<vmem>>, vector<16xf32>,
    %swap3A_39 = vector.shape_cast %swap3A_38 : vector<16xf32> to vector<16xf32>
    %swap3A_40 = vector.shape_cast %broadcast_in_dim3A_36 : vector<16xf32> to vector<16xf32>
    tpu.vector_store %arg10[%swap3A_37], %swap3A_40 {strides = array<i32>} : memref<1024xf32, #tpu.memory_space<vmem>>, vector<16xf32>,
    %broadcast_in_dim3A_41 = arith.constant 0.000000e+00 : f32
    %broadcast_in_dim3A_42 = vector.broadcast %broadcast_in_dim3A_41 : f32 to vector<16xf32>
    %swap3A_43 = arith.constant 32 : index
    %swap3A_44 = tpu.vector_load %arg10[%swap3A_43] {strides = array<i32>} : memref<1024xf32, #tpu.memory_space<vmem>>, vector<16xf32>,
    %swap3A_45 = vector.shape_cast %swap3A_44 : vector<16xf32> to vector<16xf32>
    %swap3A_46 = vector.shape_cast %broadcast_in_dim3A_42 : vector<16xf32> to vector<16xf32>
    tpu.vector_store %arg10[%swap3A_43], %swap3A_46 {strides = array<i32>} : memref<1024xf32, #tpu.memory_space<vmem>>, vector<16xf32>,
    %broadcast_in_dim3A_47 = arith.constant 0.000000e+00 : f32
    %broadcast_in_dim3A_48 = vector.broadcast %broadcast_in_dim3A_47 : f32 to vector<16xf32>
    %swap3A_49 = arith.constant 48 : index
    %swap3A_50 = tpu.vector_load %arg10[%swap3A_49] {strides = array<i32>} : memref<1024xf32, #tpu.memory_space<vmem>>, vector<16xf32>,
    %swap3A_51 = vector.shape_cast %swap3A_50 : vector<16xf32> to vector<16xf32>
    %swap3A_52 = vector.shape_cast %broadcast_in_dim3A_48 : vector<16xf32> to vector<16xf32>
    tpu.vector_store %arg10[%swap3A_49], %swap3A_52 {strides = array<i32>} : memref<1024xf32, #tpu.memory_space<vmem>>, vector<16xf32>,
    %broadcast_in_dim3A_53 = arith.constant 0.000000e+00 : f32
    %broadcast_in_dim3A_54 = vector.broadcast %broadcast_in_dim3A_53 : f32 to vector<16xf32>
    %swap3A_55 = arith.constant 64 : index
    %swap3A_56 = tpu.vector_load %arg10[%swap3A_55] {strides = array<i32>} : memref<1024xf32, #tpu.memory_space<vmem>>, vector<16xf32>,
    %swap3A_57 = vector.shape_cast %swap3A_56 : vector<16xf32> to vector<16xf32>
    %swap3A_58 = vector.shape_cast %broadcast_in_dim3A_54 : vector<16xf32> to vector<16xf32>
    tpu.vector_store %arg10[%swap3A_55], %swap3A_58 {strides = array<i32>} : memref<1024xf32, #tpu.memory_space<vmem>>, vector<16xf32>,
    %broadcast_in_dim3A_59 = arith.constant 0.000000e+00 : f32
    %broadcast_in_dim3A_60 = vector.broadcast %broadcast_in_dim3A_59 : f32 to vector<16xf32>
    %swap3A_61 = arith.constant 80 : index
    %swap3A_62 = tpu.vector_load %arg10[%swap3A_61] {strides = array<i32>} : memref<1024xf32, #tpu.memory_space<vmem>>, vector<16xf32>,
    %swap3A_63 = vector.shape_cast %swap3A_62 : vector<16xf32> to vector<16xf32>
    %swap3A_64 = vector.shape_cast %broadcast_in_dim3A_60 : vector<16xf32> to vector<16xf32>
    tpu.vector_store %arg10[%swap3A_61], %swap3A_64 {strides = array<i32>} : memref<1024xf32, #tpu.memory_space<vmem>>, vector<16xf32>,
    %broadcast_in_dim3A_65 = arith.constant 0.000000e+00 : f32
    %broadcast_in_dim3A_66 = vector.broadcast %broadcast_in_dim3A_65 : f32 to vector<16xf32>
    %swap3A_67 = arith.constant 96 : index
    %swap3A_68 = tpu.vector_load %arg10[%swap3A_67] {strides = array<i32>} : memref<1024xf32, #tpu.memory_space<vmem>>, vector<16xf32>,
    %swap3A_69 = vector.shape_cast %swap3A_68 : vector<16xf32> to vector<16xf32>
    %swap3A_70 = vector.shape_cast %broadcast_in_dim3A_66 : vector<16xf32> to vector<16xf32>
    tpu.vector_store %arg10[%swap3A_67], %swap3A_70 {strides = array<i32>} : memref<1024xf32, #tpu.memory_space<vmem>>, vector<16xf32>,
    %broadcast_in_dim3A_71 = arith.constant 0.000000e+00 : f32
    %broadcast_in_dim3A_72 = vector.broadcast %broadcast_in_dim3A_71 : f32 to vector<16xf32>
    %swap3A_73 = arith.constant 112 : index
    %swap3A_74 = tpu.vector_load %arg10[%swap3A_73] {strides = array<i32>} : memref<1024xf32, #tpu.memory_space<vmem>>, vector<16xf32>,
    %swap3A_75 = vector.shape_cast %swap3A_74 : vector<16xf32> to vector<16xf32>
    %swap3A_76 = vector.shape_cast %broadcast_in_dim3A_72 : vector<16xf32> to vector<16xf32>
    tpu.vector_store %arg10[%swap3A_73], %swap3A_76 {strides = array<i32>} : memref<1024xf32, #tpu.memory_space<vmem>>, vector<16xf32>,
    %broadcast_in_dim3A_77 = arith.constant 0.000000e+00 : f32
    %broadcast_in_dim3A_78 = vector.broadcast %broadcast_in_dim3A_77 : f32 to vector<16xf32>
    %swap3A_79 = arith.constant 128 : index
    %swap3A_80 = tpu.vector_load %arg10[%swap3A_79] {strides = array<i32>} : memref<1024xf32, #tpu.memory_space<vmem>>, vector<16xf32>,
    %swap3A_81 = vector.shape_cast %swap3A_80 : vector<16xf32> to vector<16xf32>
    %swap3A_82 = vector.shape_cast %broadcast_in_dim3A_78 : vector<16xf32> to vector<16xf32>
    tpu.vector_store %arg10[%swap3A_79], %swap3A_82 {strides = array<i32>} : memref<1024xf32, #tpu.memory_space<vmem>>, vector<16xf32>,
    %broadcast_in_dim3A_83 = arith.constant 0.000000e+00 : f32
    %broadcast_in_dim3A_84 = vector.broadcast %broadcast_in_dim3A_83 : f32 to vector<16xf32>
    %swap3A_85 = arith.constant 144 : index
    %swap3A_86 = tpu.vector_load %arg10[%swap3A_85] {strides = array<i32>} : memref<1024xf32, #tpu.memory_space<vmem>>, vector<16xf32>,
    %swap3A_87 = vector.shape_cast %swap3A_86 : vector<16xf32> to vector<16xf32>
    %swap3A_88 = vector.shape_cast %broadcast_in_dim3A_84 : vector<16xf32> to vector<16xf32>
    tpu.vector_store %arg10[%swap3A_85], %swap3A_88 {strides = array<i32>} : memref<1024xf32, #tpu.memory_space<vmem>>, vector<16xf32>,
    %broadcast_in_dim3A_89 = arith.constant 0.000000e+00 : f32
    %broadcast_in_dim3A_90 = vector.broadcast %broadcast_in_dim3A_89 : f32 to vector<16xf32>
    %swap3A_91 = arith.constant 160 : index
    %swap3A_92 = tpu.vector_load %arg10[%swap3A_91] {strides = array<i32>} : memref<1024xf32, #tpu.memory_space<vmem>>, vector<16xf32>,
    %swap3A_93 = vector.shape_cast %swap3A_92 : vector<16xf32> to vector<16xf32>
    %swap3A_94 = vector.shape_cast %broadcast_in_dim3A_90 : vector<16xf32> to vector<16xf32>
    tpu.vector_store %arg10[%swap3A_91], %swap3A_94 {strides = array<i32>} : memref<1024xf32, #tpu.memory_space<vmem>>, vector<16xf32>,
    %broadcast_in_dim3A_95 = arith.constant 0.000000e+00 : f32
    %broadcast_in_dim3A_96 = vector.broadcast %broadcast_in_dim3A_95 : f32 to vector<16xf32>
    %swap3A_97 = arith.constant 176 : index
    %swap3A_98 = tpu.vector_load %arg10[%swap3A_97] {strides = array<i32>} : memref<1024xf32, #tpu.memory_space<vmem>>, vector<16xf32>,
    %swap3A_99 = vector.shape_cast %swap3A_98 : vector<16xf32> to vector<16xf32>
    %swap3A_100 = vector.shape_cast %broadcast_in_dim3A_96 : vector<16xf32> to vector<16xf32>
    tpu.vector_store %arg10[%swap3A_97], %swap3A_100 {strides = array<i32>} : memref<1024xf32, #tpu.memory_space<vmem>>, vector<16xf32>,
    %broadcast_in_dim3A_101 = arith.constant 0.000000e+00 : f32
    %broadcast_in_dim3A_102 = vector.broadcast %broadcast_in_dim3A_101 : f32 to vector<16xf32>
    %swap3A_103 = arith.constant 192 : index
    %swap3A_104 = tpu.vector_load %arg10[%swap3A_103] {strides = array<i32>} : memref<1024xf32, #tpu.memory_space<vmem>>, vector<16xf32>,
    %swap3A_105 = vector.shape_cast %swap3A_104 : vector<16xf32> to vector<16xf32>
    %swap3A_106 = vector.shape_cast %broadcast_in_dim3A_102 : vector<16xf32> to vector<16xf32>
    tpu.vector_store %arg10[%swap3A_103], %swap3A_106 {strides = array<i32>} : memref<1024xf32, #tpu.memory_space<vmem>>, vector<16xf32>,
    %broadcast_in_dim3A_107 = arith.constant 0.000000e+00 : f32
    %broadcast_in_dim3A_108 = vector.broadcast %broadcast_in_dim3A_107 : f32 to vector<16xf32>
    %swap3A_109 = arith.constant 208 : index
    %swap3A_110 = tpu.vector_load %arg10[%swap3A_109] {strides = array<i32>} : memref<1024xf32, #tpu.memory_space<vmem>>, vector<16xf32>,
    %swap3A_111 = vector.shape_cast %swap3A_110 : vector<16xf32> to vector<16xf32>
    %swap3A_112 = vector.shape_cast %broadcast_in_dim3A_108 : vector<16xf32> to vector<16xf32>
    tpu.vector_store %arg10[%swap3A_109], %swap3A_112 {strides = array<i32>} : memref<1024xf32, #tpu.memory_space<vmem>>, vector<16xf32>,
    %broadcast_in_dim3A_113 = arith.constant 0.000000e+00 : f32
    %broadcast_in_dim3A_114 = vector.broadcast %broadcast_in_dim3A_113 : f32 to vector<16xf32>
    %swap3A_115 = arith.constant 224 : index
    %swap3A_116 = tpu.vector_load %arg10[%swap3A_115] {strides = array<i32>} : memref<1024xf32, #tpu.memory_space<vmem>>, vector<16xf32>,
    %swap3A_117 = vector.shape_cast %swap3A_116 : vector<16xf32> to vector<16xf32>
    %swap3A_118 = vector.shape_cast %broadcast_in_dim3A_114 : vector<16xf32> to vector<16xf32>
    tpu.vector_store %arg10[%swap3A_115], %swap3A_118 {strides = array<i32>} : memref<1024xf32, #tpu.memory_space<vmem>>, vector<16xf32>,
    %broadcast_in_dim3A_119 = arith.constant 0.000000e+00 : f32
    %broadcast_in_dim3A_120 = vector.broadcast %broadcast_in_dim3A_119 : f32 to vector<16xf32>
    %swap3A_121 = arith.constant 240 : index
    %swap3A_122 = tpu.vector_load %arg10[%swap3A_121] {strides = array<i32>} : memref<1024xf32, #tpu.memory_space<vmem>>, vector<16xf32>,
    %swap3A_123 = vector.shape_cast %swap3A_122 : vector<16xf32> to vector<16xf32>
    %swap3A_124 = vector.shape_cast %broadcast_in_dim3A_120 : vector<16xf32> to vector<16xf32>
    tpu.vector_store %arg10[%swap3A_121], %swap3A_124 {strides = array<i32>} : memref<1024xf32, #tpu.memory_space<vmem>>, vector<16xf32>,
    %broadcast_in_dim3A_125 = arith.constant 0.000000e+00 : f32
    %broadcast_in_dim3A_126 = vector.broadcast %broadcast_in_dim3A_125 : f32 to vector<16xf32>
    %swap3A_127 = arith.constant 256 : index
    %swap3A_128 = tpu.vector_load %arg10[%swap3A_127] {strides = array<i32>} : memref<1024xf32, #tpu.memory_space<vmem>>, vector<16xf32>,
    %swap3A_129 = vector.shape_cast %swap3A_128 : vector<16xf32> to vector<16xf32>
    %swap3A_130 = vector.shape_cast %broadcast_in_dim3A_126 : vector<16xf32> to vector<16xf32>
    tpu.vector_store %arg10[%swap3A_127], %swap3A_130 {strides = array<i32>} : memref<1024xf32, #tpu.memory_space<vmem>>, vector<16xf32>,
    %broadcast_in_dim3A_131 = arith.constant 0.000000e+00 : f32
    %broadcast_in_dim3A_132 = vector.broadcast %broadcast_in_dim3A_131 : f32 to vector<16xf32>
    %swap3A_133 = arith.constant 272 : index
    %swap3A_134 = tpu.vector_load %arg10[%swap3A_133] {strides = array<i32>} : memref<1024xf32, #tpu.memory_space<vmem>>, vector<16xf32>,
    %swap3A_135 = vector.shape_cast %swap3A_134 : vector<16xf32> to vector<16xf32>
    %swap3A_136 = vector.shape_cast %broadcast_in_dim3A_132 : vector<16xf32> to vector<16xf32>
    tpu.vector_store %arg10[%swap3A_133], %swap3A_136 {strides = array<i32>} : memref<1024xf32, #tpu.memory_space<vmem>>, vector<16xf32>,
    %broadcast_in_dim3A_137 = arith.constant 0.000000e+00 : f32
    %broadcast_in_dim3A_138 = vector.broadcast %broadcast_in_dim3A_137 : f32 to vector<16xf32>
    %swap3A_139 = arith.constant 288 : index
    %swap3A_140 = tpu.vector_load %arg10[%swap3A_139] {strides = array<i32>} : memref<1024xf32, #tpu.memory_space<vmem>>, vector<16xf32>,
    %swap3A_141 = vector.shape_cast %swap3A_140 : vector<16xf32> to vector<16xf32>
    %swap3A_142 = vector.shape_cast %broadcast_in_dim3A_138 : vector<16xf32> to vector<16xf32>
    tpu.vector_store %arg10[%swap3A_139], %swap3A_142 {strides = array<i32>} : memref<1024xf32, #tpu.memory_space<vmem>>, vector<16xf32>,
    %broadcast_in_dim3A_143 = arith.constant 0.000000e+00 : f32
    %broadcast_in_dim3A_144 = vector.broadcast %broadcast_in_dim3A_143 : f32 to vector<16xf32>
    %swap3A_145 = arith.constant 304 : index
    %swap3A_146 = tpu.vector_load %arg10[%swap3A_145] {strides = array<i32>} : memref<1024xf32, #tpu.memory_space<vmem>>, vector<16xf32>,
    %swap3A_147 = vector.shape_cast %swap3A_146 : vector<16xf32> to vector<16xf32>
    %swap3A_148 = vector.shape_cast %broadcast_in_dim3A_144 : vector<16xf32> to vector<16xf32>
    tpu.vector_store %arg10[%swap3A_145], %swap3A_148 {strides = array<i32>} : memref<1024xf32, #tpu.memory_space<vmem>>, vector<16xf32>,
    %broadcast_in_dim3A_149 = arith.constant 0.000000e+00 : f32
    %broadcast_in_dim3A_150 = vector.broadcast %broadcast_in_dim3A_149 : f32 to vector<16xf32>
    %swap3A_151 = arith.constant 320 : index
    %swap3A_152 = tpu.vector_load %arg10[%swap3A_151] {strides = array<i32>} : memref<1024xf32, #tpu.memory_space<vmem>>, vector<16xf32>,
    %swap3A_153 = vector.shape_cast %swap3A_152 : vector<16xf32> to vector<16xf32>
    %swap3A_154 = vector.shape_cast %broadcast_in_dim3A_150 : vector<16xf32> to vector<16xf32>
    tpu.vector_store %arg10[%swap3A_151], %swap3A_154 {strides = array<i32>} : memref<1024xf32, #tpu.memory_space<vmem>>, vector<16xf32>,
    %broadcast_in_dim3A_155 = arith.constant 0.000000e+00 : f32
    %broadcast_in_dim3A_156 = vector.broadcast %broadcast_in_dim3A_155 : f32 to vector<16xf32>
    %swap3A_157 = arith.constant 336 : index
    %swap3A_158 = tpu.vector_load %arg10[%swap3A_157] {strides = array<i32>} : memref<1024xf32, #tpu.memory_space<vmem>>, vector<16xf32>,
    %swap3A_159 = vector.shape_cast %swap3A_158 : vector<16xf32> to vector<16xf32>
    %swap3A_160 = vector.shape_cast %broadcast_in_dim3A_156 : vector<16xf32> to vector<16xf32>
    tpu.vector_store %arg10[%swap3A_157], %swap3A_160 {strides = array<i32>} : memref<1024xf32, #tpu.memory_space<vmem>>, vector<16xf32>,
    %broadcast_in_dim3A_161 = arith.constant 0.000000e+00 : f32
    %broadcast_in_dim3A_162 = vector.broadcast %broadcast_in_dim3A_161 : f32 to vector<16xf32>
    %swap3A_163 = arith.constant 352 : index
    %swap3A_164 = tpu.vector_load %arg10[%swap3A_163] {strides = array<i32>} : memref<1024xf32, #tpu.memory_space<vmem>>, vector<16xf32>,
    %swap3A_165 = vector.shape_cast %swap3A_164 : vector<16xf32> to vector<16xf32>
    %swap3A_166 = vector.shape_cast %broadcast_in_dim3A_162 : vector<16xf32> to vector<16xf32>
    tpu.vector_store %arg10[%swap3A_163], %swap3A_166 {strides = array<i32>} : memref<1024xf32, #tpu.memory_space<vmem>>, vector<16xf32>,
    %broadcast_in_dim3A_167 = arith.constant 0.000000e+00 : f32
    %broadcast_in_dim3A_168 = vector.broadcast %broadcast_in_dim3A_167 : f32 to vector<16xf32>
    %swap3A_169 = arith.constant 368 : index
    %swap3A_170 = tpu.vector_load %arg10[%swap3A_169] {strides = array<i32>} : memref<1024xf32, #tpu.memory_space<vmem>>, vector<16xf32>,
    %swap3A_171 = vector.shape_cast %swap3A_170 : vector<16xf32> to vector<16xf32>
    %swap3A_172 = vector.shape_cast %broadcast_in_dim3A_168 : vector<16xf32> to vector<16xf32>
    tpu.vector_store %arg10[%swap3A_169], %swap3A_172 {strides = array<i32>} : memref<1024xf32, #tpu.memory_space<vmem>>, vector<16xf32>,
    %broadcast_in_dim3A_173 = arith.constant 0.000000e+00 : f32
    %broadcast_in_dim3A_174 = vector.broadcast %broadcast_in_dim3A_173 : f32 to vector<16xf32>
    %swap3A_175 = arith.constant 384 : index
    %swap3A_176 = tpu.vector_load %arg10[%swap3A_175] {strides = array<i32>} : memref<1024xf32, #tpu.memory_space<vmem>>, vector<16xf32>,
    %swap3A_177 = vector.shape_cast %swap3A_176 : vector<16xf32> to vector<16xf32>
    %swap3A_178 = vector.shape_cast %broadcast_in_dim3A_174 : vector<16xf32> to vector<16xf32>
    tpu.vector_store %arg10[%swap3A_175], %swap3A_178 {strides = array<i32>} : memref<1024xf32, #tpu.memory_space<vmem>>, vector<16xf32>,
    %broadcast_in_dim3A_179 = arith.constant 0.000000e+00 : f32
    %broadcast_in_dim3A_180 = vector.broadcast %broadcast_in_dim3A_179 : f32 to vector<16xf32>
    %swap3A_181 = arith.constant 400 : index
    %swap3A_182 = tpu.vector_load %arg10[%swap3A_181] {strides = array<i32>} : memref<1024xf32, #tpu.memory_space<vmem>>, vector<16xf32>,
    %swap3A_183 = vector.shape_cast %swap3A_182 : vector<16xf32> to vector<16xf32>
    %swap3A_184 = vector.shape_cast %broadcast_in_dim3A_180 : vector<16xf32> to vector<16xf32>
    tpu.vector_store %arg10[%swap3A_181], %swap3A_184 {strides = array<i32>} : memref<1024xf32, #tpu.memory_space<vmem>>, vector<16xf32>,
    %broadcast_in_dim3A_185 = arith.constant 0.000000e+00 : f32
    %broadcast_in_dim3A_186 = vector.broadcast %broadcast_in_dim3A_185 : f32 to vector<16xf32>
    %swap3A_187 = arith.constant 416 : index
    %swap3A_188 = tpu.vector_load %arg10[%swap3A_187] {strides = array<i32>} : memref<1024xf32, #tpu.memory_space<vmem>>, vector<16xf32>,
    %swap3A_189 = vector.shape_cast %swap3A_188 : vector<16xf32> to vector<16xf32>
    %swap3A_190 = vector.shape_cast %broadcast_in_dim3A_186 : vector<16xf32> to vector<16xf32>
    tpu.vector_store %arg10[%swap3A_187], %swap3A_190 {strides = array<i32>} : memref<1024xf32, #tpu.memory_space<vmem>>, vector<16xf32>,
    %broadcast_in_dim3A_191 = arith.constant 0.000000e+00 : f32
    %broadcast_in_dim3A_192 = vector.broadcast %broadcast_in_dim3A_191 : f32 to vector<16xf32>
    %swap3A_193 = arith.constant 432 : index
    %swap3A_194 = tpu.vector_load %arg10[%swap3A_193] {strides = array<i32>} : memref<1024xf32, #tpu.memory_space<vmem>>, vector<16xf32>,
    %swap3A_195 = vector.shape_cast %swap3A_194 : vector<16xf32> to vector<16xf32>
    %swap3A_196 = vector.shape_cast %broadcast_in_dim3A_192 : vector<16xf32> to vector<16xf32>
    tpu.vector_store %arg10[%swap3A_193], %swap3A_196 {strides = array<i32>} : memref<1024xf32, #tpu.memory_space<vmem>>, vector<16xf32>,
    %broadcast_in_dim3A_197 = arith.constant 0.000000e+00 : f32
    %broadcast_in_dim3A_198 = vector.broadcast %broadcast_in_dim3A_197 : f32 to vector<16xf32>
    %swap3A_199 = arith.constant 448 : index
    %swap3A_200 = tpu.vector_load %arg10[%swap3A_199] {strides = array<i32>} : memref<1024xf32, #tpu.memory_space<vmem>>, vector<16xf32>,
    %swap3A_201 = vector.shape_cast %swap3A_200 : vector<16xf32> to vector<16xf32>
    %swap3A_202 = vector.shape_cast %broadcast_in_dim3A_198 : vector<16xf32> to vector<16xf32>
    tpu.vector_store %arg10[%swap3A_199], %swap3A_202 {strides = array<i32>} : memref<1024xf32, #tpu.memory_space<vmem>>, vector<16xf32>,
    %broadcast_in_dim3A_203 = arith.constant 0.000000e+00 : f32
    %broadcast_in_dim3A_204 = vector.broadcast %broadcast_in_dim3A_203 : f32 to vector<16xf32>
    %swap3A_205 = arith.constant 464 : index
    %swap3A_206 = tpu.vector_load %arg10[%swap3A_205] {strides = array<i32>} : memref<1024xf32, #tpu.memory_space<vmem>>, vector<16xf32>,
    %swap3A_207 = vector.shape_cast %swap3A_206 : vector<16xf32> to vector<16xf32>
    %swap3A_208 = vector.shape_cast %broadcast_in_dim3A_204 : vector<16xf32> to vector<16xf32>
    tpu.vector_store %arg10[%swap3A_205], %swap3A_208 {strides = array<i32>} : memref<1024xf32, #tpu.memory_space<vmem>>, vector<16xf32>,
    %broadcast_in_dim3A_209 = arith.constant 0.000000e+00 : f32
    %broadcast_in_dim3A_210 = vector.broadcast %broadcast_in_dim3A_209 : f32 to vector<16xf32>
    %swap3A_211 = arith.constant 480 : index
    %swap3A_212 = tpu.vector_load %arg10[%swap3A_211] {strides = array<i32>} : memref<1024xf32, #tpu.memory_space<vmem>>, vector<16xf32>,
    %swap3A_213 = vector.shape_cast %swap3A_212 : vector<16xf32> to vector<16xf32>
    %swap3A_214 = vector.shape_cast %broadcast_in_dim3A_210 : vector<16xf32> to vector<16xf32>
    tpu.vector_store %arg10[%swap3A_211], %swap3A_214 {strides = array<i32>} : memref<1024xf32, #tpu.memory_space<vmem>>, vector<16xf32>,
    %broadcast_in_dim3A_215 = arith.constant 0.000000e+00 : f32
    %broadcast_in_dim3A_216 = vector.broadcast %broadcast_in_dim3A_215 : f32 to vector<16xf32>
    %swap3A_217 = arith.constant 496 : index
    %swap3A_218 = tpu.vector_load %arg10[%swap3A_217] {strides = array<i32>} : memref<1024xf32, #tpu.memory_space<vmem>>, vector<16xf32>,
    %swap3A_219 = vector.shape_cast %swap3A_218 : vector<16xf32> to vector<16xf32>
    %swap3A_220 = vector.shape_cast %broadcast_in_dim3A_216 : vector<16xf32> to vector<16xf32>
    tpu.vector_store %arg10[%swap3A_217], %swap3A_220 {strides = array<i32>} : memref<1024xf32, #tpu.memory_space<vmem>>, vector<16xf32>,
    %broadcast_in_dim3A_221 = arith.constant 0.000000e+00 : f32
    %broadcast_in_dim3A_222 = vector.broadcast %broadcast_in_dim3A_221 : f32 to vector<16xf32>
    %swap3A_223 = arith.constant 512 : index
    %swap3A_224 = tpu.vector_load %arg10[%swap3A_223] {strides = array<i32>} : memref<1024xf32, #tpu.memory_space<vmem>>, vector<16xf32>,
    %swap3A_225 = vector.shape_cast %swap3A_224 : vector<16xf32> to vector<16xf32>
    %swap3A_226 = vector.shape_cast %broadcast_in_dim3A_222 : vector<16xf32> to vector<16xf32>
    tpu.vector_store %arg10[%swap3A_223], %swap3A_226 {strides = array<i32>} : memref<1024xf32, #tpu.memory_space<vmem>>, vector<16xf32>,
    %broadcast_in_dim3A_227 = arith.constant 0.000000e+00 : f32
    %broadcast_in_dim3A_228 = vector.broadcast %broadcast_in_dim3A_227 : f32 to vector<16xf32>
    %swap3A_229 = arith.constant 528 : index
    %swap3A_230 = tpu.vector_load %arg10[%swap3A_229] {strides = array<i32>} : memref<1024xf32, #tpu.memory_space<vmem>>, vector<16xf32>,
    %swap3A_231 = vector.shape_cast %swap3A_230 : vector<16xf32> to vector<16xf32>
    %swap3A_232 = vector.shape_cast %broadcast_in_dim3A_228 : vector<16xf32> to vector<16xf32>
    tpu.vector_store %arg10[%swap3A_229], %swap3A_232 {strides = array<i32>} : memref<1024xf32, #tpu.memory_space<vmem>>, vector<16xf32>,
    %broadcast_in_dim3A_233 = arith.constant 0.000000e+00 : f32
    %broadcast_in_dim3A_234 = vector.broadcast %broadcast_in_dim3A_233 : f32 to vector<16xf32>
    %swap3A_235 = arith.constant 544 : index
    %swap3A_236 = tpu.vector_load %arg10[%swap3A_235] {strides = array<i32>} : memref<1024xf32, #tpu.memory_space<vmem>>, vector<16xf32>,
    %swap3A_237 = vector.shape_cast %swap3A_236 : vector<16xf32> to vector<16xf32>
    %swap3A_238 = vector.shape_cast %broadcast_in_dim3A_234 : vector<16xf32> to vector<16xf32>
    tpu.vector_store %arg10[%swap3A_235], %swap3A_238 {strides = array<i32>} : memref<1024xf32, #tpu.memory_space<vmem>>, vector<16xf32>,
    %broadcast_in_dim3A_239 = arith.constant 0.000000e+00 : f32
    %broadcast_in_dim3A_240 = vector.broadcast %broadcast_in_dim3A_239 : f32 to vector<16xf32>
    %swap3A_241 = arith.constant 560 : index
    %swap3A_242 = tpu.vector_load %arg10[%swap3A_241] {strides = array<i32>} : memref<1024xf32, #tpu.memory_space<vmem>>, vector<16xf32>,
    %swap3A_243 = vector.shape_cast %swap3A_242 : vector<16xf32> to vector<16xf32>
    %swap3A_244 = vector.shape_cast %broadcast_in_dim3A_240 : vector<16xf32> to vector<16xf32>
    tpu.vector_store %arg10[%swap3A_241], %swap3A_244 {strides = array<i32>} : memref<1024xf32, #tpu.memory_space<vmem>>, vector<16xf32>,
    %broadcast_in_dim3A_245 = arith.constant 0.000000e+00 : f32
    %broadcast_in_dim3A_246 = vector.broadcast %broadcast_in_dim3A_245 : f32 to vector<16xf32>
    %swap3A_247 = arith.constant 576 : index
    %swap3A_248 = tpu.vector_load %arg10[%swap3A_247] {strides = array<i32>} : memref<1024xf32, #tpu.memory_space<vmem>>, vector<16xf32>,
    %swap3A_249 = vector.shape_cast %swap3A_248 : vector<16xf32> to vector<16xf32>
    %swap3A_250 = vector.shape_cast %broadcast_in_dim3A_246 : vector<16xf32> to vector<16xf32>
    tpu.vector_store %arg10[%swap3A_247], %swap3A_250 {strides = array<i32>} : memref<1024xf32, #tpu.memory_space<vmem>>, vector<16xf32>,
    %broadcast_in_dim3A_251 = arith.constant 0.000000e+00 : f32
    %broadcast_in_dim3A_252 = vector.broadcast %broadcast_in_dim3A_251 : f32 to vector<16xf32>
    %swap3A_253 = arith.constant 592 : index
    %swap3A_254 = tpu.vector_load %arg10[%swap3A_253] {strides = array<i32>} : memref<1024xf32, #tpu.memory_space<vmem>>, vector<16xf32>,
    %swap3A_255 = vector.shape_cast %swap3A_254 : vector<16xf32> to vector<16xf32>
    %swap3A_256 = vector.shape_cast %broadcast_in_dim3A_252 : vector<16xf32> to vector<16xf32>
    tpu.vector_store %arg10[%swap3A_253], %swap3A_256 {strides = array<i32>} : memref<1024xf32, #tpu.memory_space<vmem>>, vector<16xf32>,
    %broadcast_in_dim3A_257 = arith.constant 0.000000e+00 : f32
    %broadcast_in_dim3A_258 = vector.broadcast %broadcast_in_dim3A_257 : f32 to vector<16xf32>
    %swap3A_259 = arith.constant 608 : index
    %swap3A_260 = tpu.vector_load %arg10[%swap3A_259] {strides = array<i32>} : memref<1024xf32, #tpu.memory_space<vmem>>, vector<16xf32>,
    %swap3A_261 = vector.shape_cast %swap3A_260 : vector<16xf32> to vector<16xf32>
    %swap3A_262 = vector.shape_cast %broadcast_in_dim3A_258 : vector<16xf32> to vector<16xf32>
    tpu.vector_store %arg10[%swap3A_259], %swap3A_262 {strides = array<i32>} : memref<1024xf32, #tpu.memory_space<vmem>>, vector<16xf32>,
    %broadcast_in_dim3A_263 = arith.constant 0.000000e+00 : f32
    %broadcast_in_dim3A_264 = vector.broadcast %broadcast_in_dim3A_263 : f32 to vector<16xf32>
    %swap3A_265 = arith.constant 624 : index
    %swap3A_266 = tpu.vector_load %arg10[%swap3A_265] {strides = array<i32>} : memref<1024xf32, #tpu.memory_space<vmem>>, vector<16xf32>,
    %swap3A_267 = vector.shape_cast %swap3A_266 : vector<16xf32> to vector<16xf32>
    %swap3A_268 = vector.shape_cast %broadcast_in_dim3A_264 : vector<16xf32> to vector<16xf32>
    tpu.vector_store %arg10[%swap3A_265], %swap3A_268 {strides = array<i32>} : memref<1024xf32, #tpu.memory_space<vmem>>, vector<16xf32>,
    %broadcast_in_dim3A_269 = arith.constant 0.000000e+00 : f32
    %broadcast_in_dim3A_270 = vector.broadcast %broadcast_in_dim3A_269 : f32 to vector<16xf32>
    %swap3A_271 = arith.constant 640 : index
    %swap3A_272 = tpu.vector_load %arg10[%swap3A_271] {strides = array<i32>} : memref<1024xf32, #tpu.memory_space<vmem>>, vector<16xf32>,
    %swap3A_273 = vector.shape_cast %swap3A_272 : vector<16xf32> to vector<16xf32>
    %swap3A_274 = vector.shape_cast %broadcast_in_dim3A_270 : vector<16xf32> to vector<16xf32>
    tpu.vector_store %arg10[%swap3A_271], %swap3A_274 {strides = array<i32>} : memref<1024xf32, #tpu.memory_space<vmem>>, vector<16xf32>,
    %broadcast_in_dim3A_275 = arith.constant 0.000000e+00 : f32
    %broadcast_in_dim3A_276 = vector.broadcast %broadcast_in_dim3A_275 : f32 to vector<16xf32>
    %swap3A_277 = arith.constant 656 : index
    %swap3A_278 = tpu.vector_load %arg10[%swap3A_277] {strides = array<i32>} : memref<1024xf32, #tpu.memory_space<vmem>>, vector<16xf32>,
    %swap3A_279 = vector.shape_cast %swap3A_278 : vector<16xf32> to vector<16xf32>
    %swap3A_280 = vector.shape_cast %broadcast_in_dim3A_276 : vector<16xf32> to vector<16xf32>
    tpu.vector_store %arg10[%swap3A_277], %swap3A_280 {strides = array<i32>} : memref<1024xf32, #tpu.memory_space<vmem>>, vector<16xf32>,
    %broadcast_in_dim3A_281 = arith.constant 0.000000e+00 : f32
    %broadcast_in_dim3A_282 = vector.broadcast %broadcast_in_dim3A_281 : f32 to vector<16xf32>
    %swap3A_283 = arith.constant 672 : index
    %swap3A_284 = tpu.vector_load %arg10[%swap3A_283] {strides = array<i32>} : memref<1024xf32, #tpu.memory_space<vmem>>, vector<16xf32>,
    %swap3A_285 = vector.shape_cast %swap3A_284 : vector<16xf32> to vector<16xf32>
    %swap3A_286 = vector.shape_cast %broadcast_in_dim3A_282 : vector<16xf32> to vector<16xf32>
    tpu.vector_store %arg10[%swap3A_283], %swap3A_286 {strides = array<i32>} : memref<1024xf32, #tpu.memory_space<vmem>>, vector<16xf32>,
    %broadcast_in_dim3A_287 = arith.constant 0.000000e+00 : f32
    %broadcast_in_dim3A_288 = vector.broadcast %broadcast_in_dim3A_287 : f32 to vector<16xf32>
    %swap3A_289 = arith.constant 688 : index
    %swap3A_290 = tpu.vector_load %arg10[%swap3A_289] {strides = array<i32>} : memref<1024xf32, #tpu.memory_space<vmem>>, vector<16xf32>,
    %swap3A_291 = vector.shape_cast %swap3A_290 : vector<16xf32> to vector<16xf32>
    %swap3A_292 = vector.shape_cast %broadcast_in_dim3A_288 : vector<16xf32> to vector<16xf32>
    tpu.vector_store %arg10[%swap3A_289], %swap3A_292 {strides = array<i32>} : memref<1024xf32, #tpu.memory_space<vmem>>, vector<16xf32>,
    %broadcast_in_dim3A_293 = arith.constant 0.000000e+00 : f32
    %broadcast_in_dim3A_294 = vector.broadcast %broadcast_in_dim3A_293 : f32 to vector<16xf32>
    %swap3A_295 = arith.constant 704 : index
    %swap3A_296 = tpu.vector_load %arg10[%swap3A_295] {strides = array<i32>} : memref<1024xf32, #tpu.memory_space<vmem>>, vector<16xf32>,
    %swap3A_297 = vector.shape_cast %swap3A_296 : vector<16xf32> to vector<16xf32>
    %swap3A_298 = vector.shape_cast %broadcast_in_dim3A_294 : vector<16xf32> to vector<16xf32>
    tpu.vector_store %arg10[%swap3A_295], %swap3A_298 {strides = array<i32>} : memref<1024xf32, #tpu.memory_space<vmem>>, vector<16xf32>,
    %broadcast_in_dim3A_299 = arith.constant 0.000000e+00 : f32
    %broadcast_in_dim3A_300 = vector.broadcast %broadcast_in_dim3A_299 : f32 to vector<16xf32>
    %swap3A_301 = arith.constant 720 : index
    %swap3A_302 = tpu.vector_load %arg10[%swap3A_301] {strides = array<i32>} : memref<1024xf32, #tpu.memory_space<vmem>>, vector<16xf32>,
    %swap3A_303 = vector.shape_cast %swap3A_302 : vector<16xf32> to vector<16xf32>
    %swap3A_304 = vector.shape_cast %broadcast_in_dim3A_300 : vector<16xf32> to vector<16xf32>
    tpu.vector_store %arg10[%swap3A_301], %swap3A_304 {strides = array<i32>} : memref<1024xf32, #tpu.memory_space<vmem>>, vector<16xf32>,
    %broadcast_in_dim3A_305 = arith.constant 0.000000e+00 : f32
    %broadcast_in_dim3A_306 = vector.broadcast %broadcast_in_dim3A_305 : f32 to vector<16xf32>
    %swap3A_307 = arith.constant 736 : index
    %swap3A_308 = tpu.vector_load %arg10[%swap3A_307] {strides = array<i32>} : memref<1024xf32, #tpu.memory_space<vmem>>, vector<16xf32>,
    %swap3A_309 = vector.shape_cast %swap3A_308 : vector<16xf32> to vector<16xf32>
    %swap3A_310 = vector.shape_cast %broadcast_in_dim3A_306 : vector<16xf32> to vector<16xf32>
    tpu.vector_store %arg10[%swap3A_307], %swap3A_310 {strides = array<i32>} : memref<1024xf32, #tpu.memory_space<vmem>>, vector<16xf32>,
    %broadcast_in_dim3A_311 = arith.constant 0.000000e+00 : f32
    %broadcast_in_dim3A_312 = vector.broadcast %broadcast_in_dim3A_311 : f32 to vector<16xf32>
    %swap3A_313 = arith.constant 752 : index
    %swap3A_314 = tpu.vector_load %arg10[%swap3A_313] {strides = array<i32>} : memref<1024xf32, #tpu.memory_space<vmem>>, vector<16xf32>,
    %swap3A_315 = vector.shape_cast %swap3A_314 : vector<16xf32> to vector<16xf32>
    %swap3A_316 = vector.shape_cast %broadcast_in_dim3A_312 : vector<16xf32> to vector<16xf32>
    tpu.vector_store %arg10[%swap3A_313], %swap3A_316 {strides = array<i32>} : memref<1024xf32, #tpu.memory_space<vmem>>, vector<16xf32>,
    %broadcast_in_dim3A_317 = arith.constant 0.000000e+00 : f32
    %broadcast_in_dim3A_318 = vector.broadcast %broadcast_in_dim3A_317 : f32 to vector<16xf32>
    %swap3A_319 = arith.constant 768 : index
    %swap3A_320 = tpu.vector_load %arg10[%swap3A_319] {strides = array<i32>} : memref<1024xf32, #tpu.memory_space<vmem>>, vector<16xf32>,
    %swap3A_321 = vector.shape_cast %swap3A_320 : vector<16xf32> to vector<16xf32>
    %swap3A_322 = vector.shape_cast %broadcast_in_dim3A_318 : vector<16xf32> to vector<16xf32>
    tpu.vector_store %arg10[%swap3A_319], %swap3A_322 {strides = array<i32>} : memref<1024xf32, #tpu.memory_space<vmem>>, vector<16xf32>,
    %broadcast_in_dim3A_323 = arith.constant 0.000000e+00 : f32
    %broadcast_in_dim3A_324 = vector.broadcast %broadcast_in_dim3A_323 : f32 to vector<16xf32>
    %swap3A_325 = arith.constant 784 : index
    %swap3A_326 = tpu.vector_load %arg10[%swap3A_325] {strides = array<i32>} : memref<1024xf32, #tpu.memory_space<vmem>>, vector<16xf32>,
    %swap3A_327 = vector.shape_cast %swap3A_326 : vector<16xf32> to vector<16xf32>
    %swap3A_328 = vector.shape_cast %broadcast_in_dim3A_324 : vector<16xf32> to vector<16xf32>
    tpu.vector_store %arg10[%swap3A_325], %swap3A_328 {strides = array<i32>} : memref<1024xf32, #tpu.memory_space<vmem>>, vector<16xf32>,
    %broadcast_in_dim3A_329 = arith.constant 0.000000e+00 : f32
    %broadcast_in_dim3A_330 = vector.broadcast %broadcast_in_dim3A_329 : f32 to vector<16xf32>
    %swap3A_331 = arith.constant 800 : index
    %swap3A_332 = tpu.vector_load %arg10[%swap3A_331] {strides = array<i32>} : memref<1024xf32, #tpu.memory_space<vmem>>, vector<16xf32>,
    %swap3A_333 = vector.shape_cast %swap3A_332 : vector<16xf32> to vector<16xf32>
    %swap3A_334 = vector.shape_cast %broadcast_in_dim3A_330 : vector<16xf32> to vector<16xf32>
    tpu.vector_store %arg10[%swap3A_331], %swap3A_334 {strides = array<i32>} : memref<1024xf32, #tpu.memory_space<vmem>>, vector<16xf32>,
    %broadcast_in_dim3A_335 = arith.constant 0.000000e+00 : f32
    %broadcast_in_dim3A_336 = vector.broadcast %broadcast_in_dim3A_335 : f32 to vector<16xf32>
    %swap3A_337 = arith.constant 816 : index
    %swap3A_338 = tpu.vector_load %arg10[%swap3A_337] {strides = array<i32>} : memref<1024xf32, #tpu.memory_space<vmem>>, vector<16xf32>,
    %swap3A_339 = vector.shape_cast %swap3A_338 : vector<16xf32> to vector<16xf32>
    %swap3A_340 = vector.shape_cast %broadcast_in_dim3A_336 : vector<16xf32> to vector<16xf32>
    tpu.vector_store %arg10[%swap3A_337], %swap3A_340 {strides = array<i32>} : memref<1024xf32, #tpu.memory_space<vmem>>, vector<16xf32>,
    %broadcast_in_dim3A_341 = arith.constant 0.000000e+00 : f32
    %broadcast_in_dim3A_342 = vector.broadcast %broadcast_in_dim3A_341 : f32 to vector<16xf32>
    %swap3A_343 = arith.constant 832 : index
    %swap3A_344 = tpu.vector_load %arg10[%swap3A_343] {strides = array<i32>} : memref<1024xf32, #tpu.memory_space<vmem>>, vector<16xf32>,
    %swap3A_345 = vector.shape_cast %swap3A_344 : vector<16xf32> to vector<16xf32>
    %swap3A_346 = vector.shape_cast %broadcast_in_dim3A_342 : vector<16xf32> to vector<16xf32>
    tpu.vector_store %arg10[%swap3A_343], %swap3A_346 {strides = array<i32>} : memref<1024xf32, #tpu.memory_space<vmem>>, vector<16xf32>,
    %broadcast_in_dim3A_347 = arith.constant 0.000000e+00 : f32
    %broadcast_in_dim3A_348 = vector.broadcast %broadcast_in_dim3A_347 : f32 to vector<16xf32>
    %swap3A_349 = arith.constant 848 : index
    %swap3A_350 = tpu.vector_load %arg10[%swap3A_349] {strides = array<i32>} : memref<1024xf32, #tpu.memory_space<vmem>>, vector<16xf32>,
    %swap3A_351 = vector.shape_cast %swap3A_350 : vector<16xf32> to vector<16xf32>
    %swap3A_352 = vector.shape_cast %broadcast_in_dim3A_348 : vector<16xf32> to vector<16xf32>
    tpu.vector_store %arg10[%swap3A_349], %swap3A_352 {strides = array<i32>} : memref<1024xf32, #tpu.memory_space<vmem>>, vector<16xf32>,
    %broadcast_in_dim3A_353 = arith.constant 0.000000e+00 : f32
    %broadcast_in_dim3A_354 = vector.broadcast %broadcast_in_dim3A_353 : f32 to vector<16xf32>
    %swap3A_355 = arith.constant 864 : index
    %swap3A_356 = tpu.vector_load %arg10[%swap3A_355] {strides = array<i32>} : memref<1024xf32, #tpu.memory_space<vmem>>, vector<16xf32>,
    %swap3A_357 = vector.shape_cast %swap3A_356 : vector<16xf32> to vector<16xf32>
    %swap3A_358 = vector.shape_cast %broadcast_in_dim3A_354 : vector<16xf32> to vector<16xf32>
    tpu.vector_store %arg10[%swap3A_355], %swap3A_358 {strides = array<i32>} : memref<1024xf32, #tpu.memory_space<vmem>>, vector<16xf32>,
    %broadcast_in_dim3A_359 = arith.constant 0.000000e+00 : f32
    %broadcast_in_dim3A_360 = vector.broadcast %broadcast_in_dim3A_359 : f32 to vector<16xf32>
    %swap3A_361 = arith.constant 880 : index
    %swap3A_362 = tpu.vector_load %arg10[%swap3A_361] {strides = array<i32>} : memref<1024xf32, #tpu.memory_space<vmem>>, vector<16xf32>,
    %swap3A_363 = vector.shape_cast %swap3A_362 : vector<16xf32> to vector<16xf32>
    %swap3A_364 = vector.shape_cast %broadcast_in_dim3A_360 : vector<16xf32> to vector<16xf32>
    tpu.vector_store %arg10[%swap3A_361], %swap3A_364 {strides = array<i32>} : memref<1024xf32, #tpu.memory_space<vmem>>, vector<16xf32>,
    %broadcast_in_dim3A_365 = arith.constant 0.000000e+00 : f32
    %broadcast_in_dim3A_366 = vector.broadcast %broadcast_in_dim3A_365 : f32 to vector<16xf32>
    %swap3A_367 = arith.constant 896 : index
    %swap3A_368 = tpu.vector_load %arg10[%swap3A_367] {strides = array<i32>} : memref<1024xf32, #tpu.memory_space<vmem>>, vector<16xf32>,
    %swap3A_369 = vector.shape_cast %swap3A_368 : vector<16xf32> to vector<16xf32>
    %swap3A_370 = vector.shape_cast %broadcast_in_dim3A_366 : vector<16xf32> to vector<16xf32>
    tpu.vector_store %arg10[%swap3A_367], %swap3A_370 {strides = array<i32>} : memref<1024xf32, #tpu.memory_space<vmem>>, vector<16xf32>,
    %broadcast_in_dim3A_371 = arith.constant 0.000000e+00 : f32
    %broadcast_in_dim3A_372 = vector.broadcast %broadcast_in_dim3A_371 : f32 to vector<16xf32>
    %swap3A_373 = arith.constant 912 : index
    %swap3A_374 = tpu.vector_load %arg10[%swap3A_373] {strides = array<i32>} : memref<1024xf32, #tpu.memory_space<vmem>>, vector<16xf32>,
    %swap3A_375 = vector.shape_cast %swap3A_374 : vector<16xf32> to vector<16xf32>
    %swap3A_376 = vector.shape_cast %broadcast_in_dim3A_372 : vector<16xf32> to vector<16xf32>
    tpu.vector_store %arg10[%swap3A_373], %swap3A_376 {strides = array<i32>} : memref<1024xf32, #tpu.memory_space<vmem>>, vector<16xf32>,
    %broadcast_in_dim3A_377 = arith.constant 0.000000e+00 : f32
    %broadcast_in_dim3A_378 = vector.broadcast %broadcast_in_dim3A_377 : f32 to vector<16xf32>
    %swap3A_379 = arith.constant 928 : index
    %swap3A_380 = tpu.vector_load %arg10[%swap3A_379] {strides = array<i32>} : memref<1024xf32, #tpu.memory_space<vmem>>, vector<16xf32>,
    %swap3A_381 = vector.shape_cast %swap3A_380 : vector<16xf32> to vector<16xf32>
    %swap3A_382 = vector.shape_cast %broadcast_in_dim3A_378 : vector<16xf32> to vector<16xf32>
    tpu.vector_store %arg10[%swap3A_379], %swap3A_382 {strides = array<i32>} : memref<1024xf32, #tpu.memory_space<vmem>>, vector<16xf32>,
    %broadcast_in_dim3A_383 = arith.constant 0.000000e+00 : f32
    %broadcast_in_dim3A_384 = vector.broadcast %broadcast_in_dim3A_383 : f32 to vector<16xf32>
    %swap3A_385 = arith.constant 944 : index
    %swap3A_386 = tpu.vector_load %arg10[%swap3A_385] {strides = array<i32>} : memref<1024xf32, #tpu.memory_space<vmem>>, vector<16xf32>,
    %swap3A_387 = vector.shape_cast %swap3A_386 : vector<16xf32> to vector<16xf32>
    %swap3A_388 = vector.shape_cast %broadcast_in_dim3A_384 : vector<16xf32> to vector<16xf32>
    tpu.vector_store %arg10[%swap3A_385], %swap3A_388 {strides = array<i32>} : memref<1024xf32, #tpu.memory_space<vmem>>, vector<16xf32>,
    %broadcast_in_dim3A_389 = arith.constant 0.000000e+00 : f32
    %broadcast_in_dim3A_390 = vector.broadcast %broadcast_in_dim3A_389 : f32 to vector<16xf32>
    %swap3A_391 = arith.constant 960 : index
    %swap3A_392 = tpu.vector_load %arg10[%swap3A_391] {strides = array<i32>} : memref<1024xf32, #tpu.memory_space<vmem>>, vector<16xf32>,
    %swap3A_393 = vector.shape_cast %swap3A_392 : vector<16xf32> to vector<16xf32>
    %swap3A_394 = vector.shape_cast %broadcast_in_dim3A_390 : vector<16xf32> to vector<16xf32>
    tpu.vector_store %arg10[%swap3A_391], %swap3A_394 {strides = array<i32>} : memref<1024xf32, #tpu.memory_space<vmem>>, vector<16xf32>,
    %broadcast_in_dim3A_395 = arith.constant 0.000000e+00 : f32
    %broadcast_in_dim3A_396 = vector.broadcast %broadcast_in_dim3A_395 : f32 to vector<16xf32>
    %swap3A_397 = arith.constant 976 : index
    %swap3A_398 = tpu.vector_load %arg10[%swap3A_397] {strides = array<i32>} : memref<1024xf32, #tpu.memory_space<vmem>>, vector<16xf32>,
    %swap3A_399 = vector.shape_cast %swap3A_398 : vector<16xf32> to vector<16xf32>
    %swap3A_400 = vector.shape_cast %broadcast_in_dim3A_396 : vector<16xf32> to vector<16xf32>
    tpu.vector_store %arg10[%swap3A_397], %swap3A_400 {strides = array<i32>} : memref<1024xf32, #tpu.memory_space<vmem>>, vector<16xf32>,
    %broadcast_in_dim3A_401 = arith.constant 0.000000e+00 : f32
    %broadcast_in_dim3A_402 = vector.broadcast %broadcast_in_dim3A_401 : f32 to vector<16xf32>
    %swap3A_403 = arith.constant 992 : index
    %swap3A_404 = tpu.vector_load %arg10[%swap3A_403] {strides = array<i32>} : memref<1024xf32, #tpu.memory_space<vmem>>, vector<16xf32>,
    %swap3A_405 = vector.shape_cast %swap3A_404 : vector<16xf32> to vector<16xf32>
    %swap3A_406 = vector.shape_cast %broadcast_in_dim3A_402 : vector<16xf32> to vector<16xf32>
    tpu.vector_store %arg10[%swap3A_403], %swap3A_406 {strides = array<i32>} : memref<1024xf32, #tpu.memory_space<vmem>>, vector<16xf32>,
    %broadcast_in_dim3A_407 = arith.constant 0.000000e+00 : f32
    %broadcast_in_dim3A_408 = vector.broadcast %broadcast_in_dim3A_407 : f32 to vector<16xf32>
    %swap3A_409 = arith.constant 1008 : index
    %swap3A_410 = tpu.vector_load %arg10[%swap3A_409] {strides = array<i32>} : memref<1024xf32, #tpu.memory_space<vmem>>, vector<16xf32>,
    %swap3A_411 = vector.shape_cast %swap3A_410 : vector<16xf32> to vector<16xf32>
    %swap3A_412 = vector.shape_cast %broadcast_in_dim3A_408 : vector<16xf32> to vector<16xf32>
    tpu.vector_store %arg10[%swap3A_409], %swap3A_412 {strides = array<i32>} : memref<1024xf32, #tpu.memory_space<vmem>>, vector<16xf32>,
    %broadcast_in_dim3A_413 = arith.constant 1.000000e+00 : f32
    %broadcast_in_dim3A_414 = vector.broadcast %broadcast_in_dim3A_413 : f32 to vector<16xf32>
    %swap3A_415 = arith.constant 0 : index
    %swap3A_416 = tpu.vector_load %arg9[%swap3A_415] {strides = array<i32>} : memref<256xf32, #tpu.memory_space<vmem>>, vector<16xf32>,
    %swap3A_417 = vector.shape_cast %swap3A_416 : vector<16xf32> to vector<16xf32>
    %swap3A_418 = vector.shape_cast %broadcast_in_dim3A_414 : vector<16xf32> to vector<16xf32>
    tpu.vector_store %arg9[%swap3A_415], %swap3A_418 {strides = array<i32>} : memref<256xf32, #tpu.memory_space<vmem>>, vector<16xf32>,
    %broadcast_in_dim3A_419 = arith.constant 1.000000e+00 : f32
    %broadcast_in_dim3A_420 = vector.broadcast %broadcast_in_dim3A_419 : f32 to vector<16xf32>
    %swap3A_421 = arith.constant 16 : index
    %swap3A_422 = tpu.vector_load %arg9[%swap3A_421] {strides = array<i32>} : memref<256xf32, #tpu.memory_space<vmem>>, vector<16xf32>,
    %swap3A_423 = vector.shape_cast %swap3A_422 : vector<16xf32> to vector<16xf32>
    %swap3A_424 = vector.shape_cast %broadcast_in_dim3A_420 : vector<16xf32> to vector<16xf32>
    tpu.vector_store %arg9[%swap3A_421], %swap3A_424 {strides = array<i32>} : memref<256xf32, #tpu.memory_space<vmem>>, vector<16xf32>,
    %broadcast_in_dim3A_425 = arith.constant 1.000000e+00 : f32
    %broadcast_in_dim3A_426 = vector.broadcast %broadcast_in_dim3A_425 : f32 to vector<16xf32>
    %swap3A_427 = arith.constant 32 : index
    %swap3A_428 = tpu.vector_load %arg9[%swap3A_427] {strides = array<i32>} : memref<256xf32, #tpu.memory_space<vmem>>, vector<16xf32>,
    %swap3A_429 = vector.shape_cast %swap3A_428 : vector<16xf32> to vector<16xf32>
    %swap3A_430 = vector.shape_cast %broadcast_in_dim3A_426 : vector<16xf32> to vector<16xf32>
    tpu.vector_store %arg9[%swap3A_427], %swap3A_430 {strides = array<i32>} : memref<256xf32, #tpu.memory_space<vmem>>, vector<16xf32>,
    %broadcast_in_dim3A_431 = arith.constant 1.000000e+00 : f32
    %broadcast_in_dim3A_432 = vector.broadcast %broadcast_in_dim3A_431 : f32 to vector<16xf32>
    %swap3A_433 = arith.constant 48 : index
    %swap3A_434 = tpu.vector_load %arg9[%swap3A_433] {strides = array<i32>} : memref<256xf32, #tpu.memory_space<vmem>>, vector<16xf32>,
    %swap3A_435 = vector.shape_cast %swap3A_434 : vector<16xf32> to vector<16xf32>
    %swap3A_436 = vector.shape_cast %broadcast_in_dim3A_432 : vector<16xf32> to vector<16xf32>
    tpu.vector_store %arg9[%swap3A_433], %swap3A_436 {strides = array<i32>} : memref<256xf32, #tpu.memory_space<vmem>>, vector<16xf32>,
    %broadcast_in_dim3A_437 = arith.constant 1.000000e+00 : f32
    %broadcast_in_dim3A_438 = vector.broadcast %broadcast_in_dim3A_437 : f32 to vector<16xf32>
    %swap3A_439 = arith.constant 64 : index
    %swap3A_440 = tpu.vector_load %arg9[%swap3A_439] {strides = array<i32>} : memref<256xf32, #tpu.memory_space<vmem>>, vector<16xf32>,
    %swap3A_441 = vector.shape_cast %swap3A_440 : vector<16xf32> to vector<16xf32>
    %swap3A_442 = vector.shape_cast %broadcast_in_dim3A_438 : vector<16xf32> to vector<16xf32>
    tpu.vector_store %arg9[%swap3A_439], %swap3A_442 {strides = array<i32>} : memref<256xf32, #tpu.memory_space<vmem>>, vector<16xf32>,
    %broadcast_in_dim3A_443 = arith.constant 1.000000e+00 : f32
    %broadcast_in_dim3A_444 = vector.broadcast %broadcast_in_dim3A_443 : f32 to vector<16xf32>
    %swap3A_445 = arith.constant 80 : index
    %swap3A_446 = tpu.vector_load %arg9[%swap3A_445] {strides = array<i32>} : memref<256xf32, #tpu.memory_space<vmem>>, vector<16xf32>,
    %swap3A_447 = vector.shape_cast %swap3A_446 : vector<16xf32> to vector<16xf32>
    %swap3A_448 = vector.shape_cast %broadcast_in_dim3A_444 : vector<16xf32> to vector<16xf32>
    tpu.vector_store %arg9[%swap3A_445], %swap3A_448 {strides = array<i32>} : memref<256xf32, #tpu.memory_space<vmem>>, vector<16xf32>,
    %broadcast_in_dim3A_449 = arith.constant 1.000000e+00 : f32
    %broadcast_in_dim3A_450 = vector.broadcast %broadcast_in_dim3A_449 : f32 to vector<16xf32>
    %swap3A_451 = arith.constant 96 : index
    %swap3A_452 = tpu.vector_load %arg9[%swap3A_451] {strides = array<i32>} : memref<256xf32, #tpu.memory_space<vmem>>, vector<16xf32>,
    %swap3A_453 = vector.shape_cast %swap3A_452 : vector<16xf32> to vector<16xf32>
    %swap3A_454 = vector.shape_cast %broadcast_in_dim3A_450 : vector<16xf32> to vector<16xf32>
    tpu.vector_store %arg9[%swap3A_451], %swap3A_454 {strides = array<i32>} : memref<256xf32, #tpu.memory_space<vmem>>, vector<16xf32>,
    %broadcast_in_dim3A_455 = arith.constant 1.000000e+00 : f32
    %broadcast_in_dim3A_456 = vector.broadcast %broadcast_in_dim3A_455 : f32 to vector<16xf32>
    %swap3A_457 = arith.constant 112 : index
    %swap3A_458 = tpu.vector_load %arg9[%swap3A_457] {strides = array<i32>} : memref<256xf32, #tpu.memory_space<vmem>>, vector<16xf32>,
    %swap3A_459 = vector.shape_cast %swap3A_458 : vector<16xf32> to vector<16xf32>
    %swap3A_460 = vector.shape_cast %broadcast_in_dim3A_456 : vector<16xf32> to vector<16xf32>
    tpu.vector_store %arg9[%swap3A_457], %swap3A_460 {strides = array<i32>} : memref<256xf32, #tpu.memory_space<vmem>>, vector<16xf32>,
    %broadcast_in_dim3A_461 = arith.constant 1.000000e+00 : f32
    %broadcast_in_dim3A_462 = vector.broadcast %broadcast_in_dim3A_461 : f32 to vector<16xf32>
    %swap3A_463 = arith.constant 128 : index
    %swap3A_464 = tpu.vector_load %arg9[%swap3A_463] {strides = array<i32>} : memref<256xf32, #tpu.memory_space<vmem>>, vector<16xf32>,
    %swap3A_465 = vector.shape_cast %swap3A_464 : vector<16xf32> to vector<16xf32>
    %swap3A_466 = vector.shape_cast %broadcast_in_dim3A_462 : vector<16xf32> to vector<16xf32>
    tpu.vector_store %arg9[%swap3A_463], %swap3A_466 {strides = array<i32>} : memref<256xf32, #tpu.memory_space<vmem>>, vector<16xf32>,
    %broadcast_in_dim3A_467 = arith.constant 1.000000e+00 : f32
    %broadcast_in_dim3A_468 = vector.broadcast %broadcast_in_dim3A_467 : f32 to vector<16xf32>
    %swap3A_469 = arith.constant 144 : index
    %swap3A_470 = tpu.vector_load %arg9[%swap3A_469] {strides = array<i32>} : memref<256xf32, #tpu.memory_space<vmem>>, vector<16xf32>,
    %swap3A_471 = vector.shape_cast %swap3A_470 : vector<16xf32> to vector<16xf32>
    %swap3A_472 = vector.shape_cast %broadcast_in_dim3A_468 : vector<16xf32> to vector<16xf32>
    tpu.vector_store %arg9[%swap3A_469], %swap3A_472 {strides = array<i32>} : memref<256xf32, #tpu.memory_space<vmem>>, vector<16xf32>,
    %broadcast_in_dim3A_473 = arith.constant 1.000000e+00 : f32
    %broadcast_in_dim3A_474 = vector.broadcast %broadcast_in_dim3A_473 : f32 to vector<16xf32>
    %swap3A_475 = arith.constant 160 : index
    %swap3A_476 = tpu.vector_load %arg9[%swap3A_475] {strides = array<i32>} : memref<256xf32, #tpu.memory_space<vmem>>, vector<16xf32>,
    %swap3A_477 = vector.shape_cast %swap3A_476 : vector<16xf32> to vector<16xf32>
    %swap3A_478 = vector.shape_cast %broadcast_in_dim3A_474 : vector<16xf32> to vector<16xf32>
    tpu.vector_store %arg9[%swap3A_475], %swap3A_478 {strides = array<i32>} : memref<256xf32, #tpu.memory_space<vmem>>, vector<16xf32>,
    %broadcast_in_dim3A_479 = arith.constant 1.000000e+00 : f32
    %broadcast_in_dim3A_480 = vector.broadcast %broadcast_in_dim3A_479 : f32 to vector<16xf32>
    %swap3A_481 = arith.constant 176 : index
    %swap3A_482 = tpu.vector_load %arg9[%swap3A_481] {strides = array<i32>} : memref<256xf32, #tpu.memory_space<vmem>>, vector<16xf32>,
    %swap3A_483 = vector.shape_cast %swap3A_482 : vector<16xf32> to vector<16xf32>
    %swap3A_484 = vector.shape_cast %broadcast_in_dim3A_480 : vector<16xf32> to vector<16xf32>
    tpu.vector_store %arg9[%swap3A_481], %swap3A_484 {strides = array<i32>} : memref<256xf32, #tpu.memory_space<vmem>>, vector<16xf32>,
    %broadcast_in_dim3A_485 = arith.constant 1.000000e+00 : f32
    %broadcast_in_dim3A_486 = vector.broadcast %broadcast_in_dim3A_485 : f32 to vector<16xf32>
    %swap3A_487 = arith.constant 192 : index
    %swap3A_488 = tpu.vector_load %arg9[%swap3A_487] {strides = array<i32>} : memref<256xf32, #tpu.memory_space<vmem>>, vector<16xf32>,
    %swap3A_489 = vector.shape_cast %swap3A_488 : vector<16xf32> to vector<16xf32>
    %swap3A_490 = vector.shape_cast %broadcast_in_dim3A_486 : vector<16xf32> to vector<16xf32>
    tpu.vector_store %arg9[%swap3A_487], %swap3A_490 {strides = array<i32>} : memref<256xf32, #tpu.memory_space<vmem>>, vector<16xf32>,
    %broadcast_in_dim3A_491 = arith.constant 1.000000e+00 : f32
    %broadcast_in_dim3A_492 = vector.broadcast %broadcast_in_dim3A_491 : f32 to vector<16xf32>
    %swap3A_493 = arith.constant 208 : index
    %swap3A_494 = tpu.vector_load %arg9[%swap3A_493] {strides = array<i32>} : memref<256xf32, #tpu.memory_space<vmem>>, vector<16xf32>,
    %swap3A_495 = vector.shape_cast %swap3A_494 : vector<16xf32> to vector<16xf32>
    %swap3A_496 = vector.shape_cast %broadcast_in_dim3A_492 : vector<16xf32> to vector<16xf32>
    tpu.vector_store %arg9[%swap3A_493], %swap3A_496 {strides = array<i32>} : memref<256xf32, #tpu.memory_space<vmem>>, vector<16xf32>,
    %broadcast_in_dim3A_497 = arith.constant 1.000000e+00 : f32
    %broadcast_in_dim3A_498 = vector.broadcast %broadcast_in_dim3A_497 : f32 to vector<16xf32>
    %swap3A_499 = arith.constant 224 : index
    %swap3A_500 = tpu.vector_load %arg9[%swap3A_499] {strides = array<i32>} : memref<256xf32, #tpu.memory_space<vmem>>, vector<16xf32>,
    %swap3A_501 = vector.shape_cast %swap3A_500 : vector<16xf32> to vector<16xf32>
    %swap3A_502 = vector.shape_cast %broadcast_in_dim3A_498 : vector<16xf32> to vector<16xf32>
    tpu.vector_store %arg9[%swap3A_499], %swap3A_502 {strides = array<i32>} : memref<256xf32, #tpu.memory_space<vmem>>, vector<16xf32>,
    %broadcast_in_dim3A_503 = arith.constant 1.000000e+00 : f32
    %broadcast_in_dim3A_504 = vector.broadcast %broadcast_in_dim3A_503 : f32 to vector<16xf32>
    %swap3A_505 = arith.constant 240 : index
    %swap3A_506 = tpu.vector_load %arg9[%swap3A_505] {strides = array<i32>} : memref<256xf32, #tpu.memory_space<vmem>>, vector<16xf32>,
    %swap3A_507 = vector.shape_cast %swap3A_506 : vector<16xf32> to vector<16xf32>
    %swap3A_508 = vector.shape_cast %broadcast_in_dim3A_504 : vector<16xf32> to vector<16xf32>
    tpu.vector_store %arg9[%swap3A_505], %swap3A_508 {strides = array<i32>} : memref<256xf32, #tpu.memory_space<vmem>>, vector<16xf32>,
    %eq3A = arith.constant 0 : i32
    %eq3A_509 = arith.cmpi eq, %arg1, %eq3A : i32
    %convert_element_type3A = arith.extui %eq3A_509 : i1 to i32
    %cond3A = arith.constant 0 : i32
    %cond3A_510 = arith.cmpi ne, %convert_element_type3A, %cond3A : i32
    scf.if %cond3A_510 {
      "tpu.region"() ({
        %run_scoped3A_546 = tpu.sem_alloc : memref<!tpu.dma_semaphore, #tpu.memory_space<semaphore_mem>>
        tpu.enqueue_dma source(%arg10 : memref<1024xf32, #tpu.memory_space<vmem>>) target(%arg11 : memref<1024xf32, #tpu.memory_space<vmem_shared>>) target_semaphore(%run_scoped3A_546 : memref<!tpu.dma_semaphore, #tpu.memory_space<semaphore_mem>>)
        tpu.wait_dma2 semaphore(%run_scoped3A_546 : memref<!tpu.dma_semaphore, #tpu.memory_space<semaphore_mem>>) src(%arg10 : memref<1024xf32, #tpu.memory_space<vmem>>) dst(%arg11 : memref<1024xf32, #tpu.memory_space<vmem_shared>>)
        tpu.yield
      }) : () -> ()
    } else {
    }
    %barrier3A = arith.constant 0 : index
    tpu.barrier barrier_id(%barrier3A)
    "tpu.region"() ({
      %run_scoped3A_546 = tpu.sem_alloc : memref<!tpu.dma_semaphore, #tpu.memory_space<semaphore_mem>>
      %dma_start3A_547 = arith.constant 0 : i32
      %dma_start3A_548 = tpu.memref_slice %arg11[%dma_start3A_547] : memref<1024xf32, #tpu.memory_space<vmem_shared>> -> memref<1024xf32, #tpu.memory_space<vmem_shared>>
      tpu.enqueue_indirect_dma source(%arg9 : memref<256xf32, #tpu.memory_space<vmem>>) target(%dma_start3A_548 : memref<1024xf32, #tpu.memory_space<vmem_shared>>) offsets(%arg7 : memref<256xi32, #tpu.memory_space<vmem>>) semaphore(%run_scoped3A_546 : memref<!tpu.dma_semaphore, #tpu.memory_space<semaphore_mem>>) {add = true}
      %dma_wait3A_549 = arith.constant 0 : i32
      %dma_wait3A_550 = tpu.memref_slice %arg11[%dma_wait3A_549] : memref<1024xf32, #tpu.memory_space<vmem_shared>> -> memref<1024xf32, #tpu.memory_space<vmem_shared>>
      tpu.wait_indirect_dma semaphore(%run_scoped3A_546 : memref<!tpu.dma_semaphore, #tpu.memory_space<semaphore_mem>>) src(%arg9 : memref<256xf32, #tpu.memory_space<vmem>>) dst(%dma_wait3A_550 : memref<1024xf32, #tpu.memory_space<vmem_shared>>)
      tpu.yield
    }) : () -> ()
    %barrier3A_511 = arith.constant 0 : index
    tpu.barrier barrier_id(%barrier3A_511)
    %eq3A_512 = arith.constant 0 : i32
    %eq3A_513 = arith.cmpi eq, %arg1, %eq3A_512 : i32
    %convert_element_type3A_514 = arith.extui %eq3A_513 : i1 to i32
    %cond3A_515 = arith.constant 0 : i32
    %cond3A_516 = arith.cmpi ne, %convert_element_type3A_514, %cond3A_515 : i32
    scf.if %cond3A_516 {
      "tpu.region"() ({
        %run_scoped3A_546 = tpu.sem_alloc : memref<!tpu.dma_semaphore, #tpu.memory_space<semaphore_mem>>
        %dma_start3A_547 = arith.constant 0 : i32
        %dma_start3A_548 = tpu.memref_slice %arg5[%arg0, %dma_start3A_547] : memref<2x1024xf32, #tpu.memory_space<hbm>> -> memref<1x1024xf32, #tpu.memory_space<hbm>>
        %dma_start3A_549 = tpu.memref_squeeze %dma_start3A_548 : memref<1x1024xf32, #tpu.memory_space<hbm>> -> memref<1024xf32, #tpu.memory_space<hbm>>
        tpu.enqueue_dma source(%arg11 : memref<1024xf32, #tpu.memory_space<vmem_shared>>) target(%dma_start3A_549 : memref<1024xf32, #tpu.memory_space<hbm>>) target_semaphore(%run_scoped3A_546 : memref<!tpu.dma_semaphore, #tpu.memory_space<semaphore_mem>>)
        %dma_wait3A_550 = arith.constant 0 : i32
        %dma_wait3A_551 = tpu.memref_slice %arg5[%arg0, %dma_wait3A_550] : memref<2x1024xf32, #tpu.memory_space<hbm>> -> memref<1x1024xf32, #tpu.memory_space<hbm>>
        %dma_wait3A_552 = tpu.memref_squeeze %dma_wait3A_551 : memref<1x1024xf32, #tpu.memory_space<hbm>> -> memref<1024xf32, #tpu.memory_space<hbm>>
        tpu.wait_dma2 semaphore(%run_scoped3A_546 : memref<!tpu.dma_semaphore, #tpu.memory_space<semaphore_mem>>) src(%arg11 : memref<1024xf32, #tpu.memory_space<vmem_shared>>) dst(%dma_wait3A_552 : memref<1024xf32, #tpu.memory_space<hbm>>)
        tpu.yield
      }) : () -> ()
    } else {
    }
    %dma_wait3A = arith.constant 0 : i32
    %dma_wait3A_517 = arith.constant 0 : i32
    %dma_wait3A_518 = arith.constant 0 : i32
    %dma_wait3A_519 = arith.constant 0 : i32
    %dma_wait3A_520 = tpu.memref_slice %arg8[%dma_wait3A_517, %dma_wait3A_518, %dma_wait3A_519] : memref<2x128x64xf32, #tpu.memory_space<vmem>> -> memref<1x128x64xf32, #tpu.memory_space<vmem>>
    %dma_wait3A_521 = tpu.memref_squeeze %dma_wait3A_520 : memref<1x128x64xf32, #tpu.memory_space<vmem>> -> memref<128x64xf32, #tpu.memory_space<vmem>>
    %dma_wait3A_522 = arith.constant 0 : i32
    %dma_wait3A_523 = tpu.memref_slice %arg6[%dma_wait3A, %dma_wait3A_522] : memref<2x128xi32, #tpu.memory_space<vmem>> -> memref<1x128xi32, #tpu.memory_space<vmem>>
    %dma_wait3A_524 = tpu.memref_squeeze %dma_wait3A_523 : memref<1x128xi32, #tpu.memory_space<vmem>> -> memref<128xi32, #tpu.memory_space<vmem>>
    %dma_wait3A_525 = arith.constant 0 : i32
    %dma_wait3A_526 = arith.constant 0 : i32
    %dma_wait3A_527 = tpu.memref_slice %arg2[%dma_wait3A_525, %dma_wait3A_526] : memref<1024x64xf32, #tpu.memory_space<hbm>> -> memref<1024x64xf32, #tpu.memory_space<hbm>>
    tpu.wait_indirect_dma semaphore(%arg12 : memref<!tpu.dma_semaphore, #tpu.memory_space<semaphore_mem>>) src(%dma_wait3A_527 : memref<1024x64xf32, #tpu.memory_space<hbm>>) dst(%dma_wait3A_521 : memref<128x64xf32, #tpu.memory_space<vmem>>)
    %add3A_528 = arith.constant 0 : i32
    %add3A_529 = arith.addi %mul3A_2, %add3A_528 : i32
    %run_scoped3A_530 = arith.constant 0 : i32
    "tpu.region"() ({
      %run_scoped3A_546 = tpu.sem_alloc : memref<!tpu.dma_semaphore, #tpu.memory_space<semaphore_mem>>
      %dma_start3A_547 = arith.constant 0 : i32
      %dma_start3A_548 = arith.constant 0 : i32
      %dma_start3A_549 = tpu.memref_slice %arg8[%run_scoped3A_530, %dma_start3A_547, %dma_start3A_548] : memref<2x128x64xf32, #tpu.memory_space<vmem>> -> memref<1x128x64xf32, #tpu.memory_space<vmem>>
      %dma_start3A_550 = tpu.memref_squeeze %dma_start3A_549 : memref<1x128x64xf32, #tpu.memory_space<vmem>> -> memref<128x64xf32, #tpu.memory_space<vmem>>
      %dma_start3A_551 = arith.constant 0 : i32
      %dma_start3A_552 = tpu.memref_slice %arg4[%add3A_529, %dma_start3A_551] : memref<8192x64xf32, #tpu.memory_space<hbm>> -> memref<128x64xf32, #tpu.memory_space<hbm>>
      %dma_start3A_553 = arith.constant 0 : i32
      %dma_start3A_554 = tpu.memref_slice %arg4[%add3A_529, %dma_start3A_553] : memref<8192x64xf32, #tpu.memory_space<hbm>> -> memref<128x64xf32, #tpu.memory_space<hbm>>
      %dma_start3A_555 = arith.constant 0 : i32
      %dma_start3A_556 = arith.constant 0 : i32
      %dma_start3A_557 = tpu.memref_slice %arg8[%run_scoped3A_530, %dma_start3A_555, %dma_start3A_556] : memref<2x128x64xf32, #tpu.memory_space<vmem>> -> memref<1x128x64xf32, #tpu.memory_space<vmem>>
      %dma_start3A_558 = tpu.memref_squeeze %dma_start3A_557 : memref<1x128x64xf32, #tpu.memory_space<vmem>> -> memref<128x64xf32, #tpu.memory_space<vmem>>
      tpu.enqueue_dma source(%dma_start3A_558 : memref<128x64xf32, #tpu.memory_space<vmem>>) target(%dma_start3A_554 : memref<128x64xf32, #tpu.memory_space<hbm>>) target_semaphore(%run_scoped3A_546 : memref<!tpu.dma_semaphore, #tpu.memory_space<semaphore_mem>>)
      %dma_wait3A_559 = arith.constant 0 : i32
      %dma_wait3A_560 = arith.constant 0 : i32
      %dma_wait3A_561 = tpu.memref_slice %arg8[%run_scoped3A_530, %dma_wait3A_559, %dma_wait3A_560] : memref<2x128x64xf32, #tpu.memory_space<vmem>> -> memref<1x128x64xf32, #tpu.memory_space<vmem>>
      %dma_wait3A_562 = tpu.memref_squeeze %dma_wait3A_561 : memref<1x128x64xf32, #tpu.memory_space<vmem>> -> memref<128x64xf32, #tpu.memory_space<vmem>>
      %dma_wait3A_563 = arith.constant 0 : i32
      %dma_wait3A_564 = tpu.memref_slice %arg4[%add3A_529, %dma_wait3A_563] : memref<8192x64xf32, #tpu.memory_space<hbm>> -> memref<128x64xf32, #tpu.memory_space<hbm>>
      %dma_wait3A_565 = arith.constant 0 : i32
      %dma_wait3A_566 = tpu.memref_slice %arg4[%add3A_529, %dma_wait3A_565] : memref<8192x64xf32, #tpu.memory_space<hbm>> -> memref<128x64xf32, #tpu.memory_space<hbm>>
      %dma_wait3A_567 = arith.constant 0 : i32
      %dma_wait3A_568 = arith.constant 0 : i32
      %dma_wait3A_569 = tpu.memref_slice %arg8[%run_scoped3A_530, %dma_wait3A_567, %dma_wait3A_568] : memref<2x128x64xf32, #tpu.memory_space<vmem>> -> memref<1x128x64xf32, #tpu.memory_space<vmem>>
      %dma_wait3A_570 = tpu.memref_squeeze %dma_wait3A_569 : memref<1x128x64xf32, #tpu.memory_space<vmem>> -> memref<128x64xf32, #tpu.memory_space<vmem>>
      tpu.wait_dma2 semaphore(%run_scoped3A_546 : memref<!tpu.dma_semaphore, #tpu.memory_space<semaphore_mem>>) src(%dma_wait3A_570 : memref<128x64xf32, #tpu.memory_space<vmem>>) dst(%dma_wait3A_566 : memref<128x64xf32, #tpu.memory_space<hbm>>)
      tpu.yield
    }) : () -> ()
    %dma_wait3A_531 = arith.constant 1 : i32
    %dma_wait3A_532 = arith.constant 1 : i32
    %dma_wait3A_533 = arith.constant 0 : i32
    %dma_wait3A_534 = arith.constant 0 : i32
    %dma_wait3A_535 = tpu.memref_slice %arg8[%dma_wait3A_532, %dma_wait3A_533, %dma_wait3A_534] : memref<2x128x64xf32, #tpu.memory_space<vmem>> -> memref<1x128x64xf32, #tpu.memory_space<vmem>>
    %dma_wait3A_536 = tpu.memref_squeeze %dma_wait3A_535 : memref<1x128x64xf32, #tpu.memory_space<vmem>> -> memref<128x64xf32, #tpu.memory_space<vmem>>
    %dma_wait3A_537 = arith.constant 0 : i32
    %dma_wait3A_538 = tpu.memref_slice %arg6[%dma_wait3A_531, %dma_wait3A_537] : memref<2x128xi32, #tpu.memory_space<vmem>> -> memref<1x128xi32, #tpu.memory_space<vmem>>
    %dma_wait3A_539 = tpu.memref_squeeze %dma_wait3A_538 : memref<1x128xi32, #tpu.memory_space<vmem>> -> memref<128xi32, #tpu.memory_space<vmem>>
    %dma_wait3A_540 = arith.constant 0 : i32
    %dma_wait3A_541 = arith.constant 0 : i32
    %dma_wait3A_542 = tpu.memref_slice %arg2[%dma_wait3A_540, %dma_wait3A_541] : memref<1024x64xf32, #tpu.memory_space<hbm>> -> memref<1024x64xf32, #tpu.memory_space<hbm>>
    tpu.wait_indirect_dma semaphore(%arg12 : memref<!tpu.dma_semaphore, #tpu.memory_space<semaphore_mem>>) src(%dma_wait3A_542 : memref<1024x64xf32, #tpu.memory_space<hbm>>) dst(%dma_wait3A_536 : memref<128x64xf32, #tpu.memory_space<vmem>>)
    %add3A_543 = arith.constant 128 : i32
    %add3A_544 = arith.addi %mul3A_2, %add3A_543 : i32
    %run_scoped3A_545 = arith.constant 1 : i32
    "tpu.region"() ({
      %run_scoped3A_546 = tpu.sem_alloc : memref<!tpu.dma_semaphore, #tpu.memory_space<semaphore_mem>>
      %dma_start3A_547 = arith.constant 0 : i32
      %dma_start3A_548 = arith.constant 0 : i32
      %dma_start3A_549 = tpu.memref_slice %arg8[%run_scoped3A_545, %dma_start3A_547, %dma_start3A_548] : memref<2x128x64xf32, #tpu.memory_space<vmem>> -> memref<1x128x64xf32, #tpu.memory_space<vmem>>
      %dma_start3A_550 = tpu.memref_squeeze %dma_start3A_549 : memref<1x128x64xf32, #tpu.memory_space<vmem>> -> memref<128x64xf32, #tpu.memory_space<vmem>>
      %dma_start3A_551 = arith.constant 0 : i32
      %dma_start3A_552 = tpu.memref_slice %arg4[%add3A_544, %dma_start3A_551] : memref<8192x64xf32, #tpu.memory_space<hbm>> -> memref<128x64xf32, #tpu.memory_space<hbm>>
      %dma_start3A_553 = arith.constant 0 : i32
      %dma_start3A_554 = tpu.memref_slice %arg4[%add3A_544, %dma_start3A_553] : memref<8192x64xf32, #tpu.memory_space<hbm>> -> memref<128x64xf32, #tpu.memory_space<hbm>>
      %dma_start3A_555 = arith.constant 0 : i32
      %dma_start3A_556 = arith.constant 0 : i32
      %dma_start3A_557 = tpu.memref_slice %arg8[%run_scoped3A_545, %dma_start3A_555, %dma_start3A_556] : memref<2x128x64xf32, #tpu.memory_space<vmem>> -> memref<1x128x64xf32, #tpu.memory_space<vmem>>
      %dma_start3A_558 = tpu.memref_squeeze %dma_start3A_557 : memref<1x128x64xf32, #tpu.memory_space<vmem>> -> memref<128x64xf32, #tpu.memory_space<vmem>>
      tpu.enqueue_dma source(%dma_start3A_558 : memref<128x64xf32, #tpu.memory_space<vmem>>) target(%dma_start3A_554 : memref<128x64xf32, #tpu.memory_space<hbm>>) target_semaphore(%run_scoped3A_546 : memref<!tpu.dma_semaphore, #tpu.memory_space<semaphore_mem>>)
      %dma_wait3A_559 = arith.constant 0 : i32
      %dma_wait3A_560 = arith.constant 0 : i32
      %dma_wait3A_561 = tpu.memref_slice %arg8[%run_scoped3A_545, %dma_wait3A_559, %dma_wait3A_560] : memref<2x128x64xf32, #tpu.memory_space<vmem>> -> memref<1x128x64xf32, #tpu.memory_space<vmem>>
      %dma_wait3A_562 = tpu.memref_squeeze %dma_wait3A_561 : memref<1x128x64xf32, #tpu.memory_space<vmem>> -> memref<128x64xf32, #tpu.memory_space<vmem>>
      %dma_wait3A_563 = arith.constant 0 : i32
      %dma_wait3A_564 = tpu.memref_slice %arg4[%add3A_544, %dma_wait3A_563] : memref<8192x64xf32, #tpu.memory_space<hbm>> -> memref<128x64xf32, #tpu.memory_space<hbm>>
      %dma_wait3A_565 = arith.constant 0 : i32
      %dma_wait3A_566 = tpu.memref_slice %arg4[%add3A_544, %dma_wait3A_565] : memref<8192x64xf32, #tpu.memory_space<hbm>> -> memref<128x64xf32, #tpu.memory_space<hbm>>
      %dma_wait3A_567 = arith.constant 0 : i32
      %dma_wait3A_568 = arith.constant 0 : i32
      %dma_wait3A_569 = tpu.memref_slice %arg8[%run_scoped3A_545, %dma_wait3A_567, %dma_wait3A_568] : memref<2x128x64xf32, #tpu.memory_space<vmem>> -> memref<1x128x64xf32, #tpu.memory_space<vmem>>
      %dma_wait3A_570 = tpu.memref_squeeze %dma_wait3A_569 : memref<1x128x64xf32, #tpu.memory_space<vmem>> -> memref<128x64xf32, #tpu.memory_space<vmem>>
      tpu.wait_dma2 semaphore(%run_scoped3A_546 : memref<!tpu.dma_semaphore, #tpu.memory_space<semaphore_mem>>) src(%dma_wait3A_570 : memref<128x64xf32, #tpu.memory_space<vmem>>) dst(%dma_wait3A_566 : memref<128x64xf32, #tpu.memory_space<hbm>>)
      tpu.yield
    }) : () -> ()
    return
  }
}

module attributes {stable_mosaic.version = 14 : i64} {
  func.func @_argmin_body(%arg0: i32, %arg1: memref<1024x64xf32, #tpu.memory_space<vmem>>, %arg2: memref<1024x64xf32, #tpu.memory_space<vmem>>, %arg3: memref<1024x1xi32, #tpu.memory_space<vmem>>, %arg4: memref<1x1xf32, #tpu.memory_space<smem>>, %arg5: memref<1024x1024xi32, #tpu.memory_space<vmem>>, %arg6: memref<1xf32, #tpu.memory_space<smem>>) attributes {dimension_semantics = [#tpu.dimension_semantics<arbitrary>], iteration_bounds = array<i64: 8>, scalar_prefetch = 0 : i64, scratch_operands = 2 : i64, tpu.core_type = #tpu.core_type<tc>, window_params = [{transform_indices = @transform_0, window_bounds = array<i64: 1024, 64>}, {pipeline_mode = #tpu.pipeline_mode<synchronous>, transform_indices = @transform_1, window_bounds = array<i64: 1024, 64>}, {transform_indices = @transform_2, window_bounds = array<i64: 1024, 1>}, {transform_indices = @transform_3, window_bounds = array<i64: 1, 1>}]} {
    %get3A = arith.constant 0 : index
    %get3A_0 = arith.constant 0 : index
    %get3A_1 = vector.load %arg1[%get3A, %get3A_0] : memref<1024x64xf32, #tpu.memory_space<vmem>>, vector<1024x64xf32>
    %get3A_2 = arith.constant 0 : index
    %get3A_3 = arith.constant 0 : index
    %get3A_4 = vector.load %arg2[%get3A_2, %get3A_3] : memref<1024x64xf32, #tpu.memory_space<vmem>>, vector<1024x64xf32>
    %eq3A = arith.constant 0 : i32
    %eq3A_5 = arith.cmpi eq, %arg0, %eq3A : i32
    %convert_element_type3A = arith.extui %eq3A_5 : i1 to i32
    %cond3A = arith.constant 0 : i32
    %cond3A_6 = arith.cmpi ne, %convert_element_type3A, %cond3A : i32
    scf.if %cond3A_6 {
      %iota3A = tpu.iota {dimensions = array<i32: 1>} : vector<1024x1024xi32>
      %swap3A_47 = arith.constant 0 : index
      %swap3A_48 = arith.constant 0 : index
      %swap3A_49 = vector.load %arg5[%swap3A_47, %swap3A_48] : memref<1024x1024xi32, #tpu.memory_space<vmem>>, vector<1024x1024xi32>
      tpu.vector_store %arg5[%swap3A_47, %swap3A_48], %iota3A {strides = array<i32>} : memref<1024x1024xi32, #tpu.memory_space<vmem>>, vector<1024x1024xi32>,
      %swap3A_50 = arith.constant 0.000000e+00 : f32
      %swap3A_51 = arith.constant 0 : index
      %swap3A_52 = memref.load %arg6[%swap3A_51] : memref<1xf32, #tpu.memory_space<smem>>
      memref.store %swap3A_50, %arg6[%swap3A_51] : memref<1xf32, #tpu.memory_space<smem>>
    } else {
    }
    %mul3A = arith.mulf %get3A_1, %get3A_1 : vector<1024x64xf32>
    %reduce_sum3A = arith.constant dense<0.000000e+00> : vector<1024xf32>
    %reduce_sum3A_7 = vector.multi_reduction <add>, %mul3A, %reduce_sum3A [1] : vector<1024x64xf32> to vector<1024xf32>
    %broadcast_in_dim3A = vector.shape_cast %reduce_sum3A_7 : vector<1024xf32> to vector<1024x1xf32>
    %mul3A_8 = arith.mulf %get3A_4, %get3A_4 : vector<1024x64xf32>
    %reduce_sum3A_9 = arith.constant dense<0.000000e+00> : vector<1024xf32>
    %reduce_sum3A_10 = vector.multi_reduction <add>, %mul3A_8, %reduce_sum3A_9 [1] : vector<1024x64xf32> to vector<1024xf32>
    %broadcast_in_dim3A_11 = vector.shape_cast %reduce_sum3A_10 : vector<1024xf32> to vector<1024x1xf32>
    %mul3A_12 = arith.constant -2.000000e+00 : f32
    %mul3A_13 = vector.broadcast %mul3A_12 : f32 to vector<1024x64xf32>
    %mul3A_14 = arith.mulf %get3A_1, %mul3A_13 : vector<1024x64xf32>
    %dot_general3A = arith.constant dense<0.000000e+00> : vector<1024x1024xf32>
    %dot_general3A_15 = tpu.matmul %mul3A_14, %get3A_4, %dot_general3A {dimension_numbers = #tpu.dot_dimension_numbers<[1], [1], [0], [0], [0, 0, 1, 0], [], []>, transpose_lhs_hint = false} : vector<1024x64xf32>, vector<1024x64xf32>, vector<1024x1024xf32> -> vector<1024x1024xf32>
    %reshape3A = vector.shape_cast %broadcast_in_dim3A_11 : vector<1024x1xf32> to vector<1x1024xf32>
    %add3A = vector.broadcast %broadcast_in_dim3A : vector<1024x1xf32> to vector<1024x1024xf32>
    %add3A_16 = vector.broadcast %reshape3A : vector<1x1024xf32> to vector<1024x1024xf32>
    %add3A_17 = arith.addf %add3A, %add3A_16 : vector<1024x1024xf32>
    %add3A_18 = arith.addf %add3A_17, %dot_general3A_15 : vector<1024x1024xf32>
    %reduce_min3A = arith.constant dense<0x7F800000> : vector<1024xf32>
    %reduce_min3A_19 = vector.multi_reduction <minimumf>, %add3A_18, %reduce_min3A [1] : vector<1024x1024xf32> to vector<1024xf32>
    %broadcast_in_dim3A_20 = vector.shape_cast %reduce_min3A_19 : vector<1024xf32> to vector<1024x1xf32>
    %eq3A_21 = vector.broadcast %broadcast_in_dim3A_20 : vector<1024x1xf32> to vector<1024x1024xf32>
    %eq3A_22 = arith.cmpf oeq, %add3A_18, %eq3A_21 : vector<1024x1024xf32>
    %get3A_23 = arith.constant 0 : index
    %get3A_24 = arith.constant 0 : index
    %get3A_25 = vector.load %arg5[%get3A_23, %get3A_24] : memref<1024x1024xi32, #tpu.memory_space<vmem>>, vector<1024x1024xi32>
    %jit3A = arith.constant 1024 : i32
    %broadcast_in_dim3A_26 = vector.broadcast %jit3A : i32 to vector<1024x1024xi32>
    %select_n3A = arith.select %eq3A_22, %get3A_25, %broadcast_in_dim3A_26 : vector<1024x1024xi1>, vector<1024x1024xi32>
    %reduce_min3A_27 = arith.constant dense<2147483647> : vector<1024xi32>
    %reduce_min3A_28 = vector.multi_reduction <minsi>, %select_n3A, %reduce_min3A_27 [1] : vector<1024x1024xi32> to vector<1024xi32>
    %broadcast_in_dim3A_29 = vector.shape_cast %reduce_min3A_28 : vector<1024xi32> to vector<1024x1xi32>
    %swap3A = arith.constant 0 : index
    %swap3A_30 = arith.constant 0 : index
    %swap3A_31 = vector.load %arg3[%swap3A, %swap3A_30] : memref<1024x1xi32, #tpu.memory_space<vmem>>, vector<1024x1xi32>
    tpu.vector_store %arg3[%swap3A, %swap3A_30], %broadcast_in_dim3A_29 {strides = array<i32>} : memref<1024x1xi32, #tpu.memory_space<vmem>>, vector<1024x1xi32>,
    %get3A_32 = arith.constant 0 : index
    %get3A_33 = memref.load %arg6[%get3A_32] : memref<1xf32, #tpu.memory_space<smem>>
    %reduce_sum3A_34 = vector.shape_cast %broadcast_in_dim3A_20 : vector<1024x1xf32> to vector<1x1024x1xf32>
    %reduce_sum3A_35 = arith.constant dense<0.000000e+00> : vector<1xf32>
    %reduce_sum3A_36 = vector.multi_reduction <add>, %reduce_sum3A_34, %reduce_sum3A_35 [1, 2] : vector<1x1024x1xf32> to vector<1xf32>
    %reduce_sum3A_37 = vector.shape_cast %reduce_sum3A_36 : vector<1xf32> to vector<1x1x1xf32>
    %reduce_sum3A_38 = vector.extract %reduce_sum3A_37[0, 0, 0] : f32 from vector<1x1x1xf32>
    %add3A_39 = arith.addf %get3A_33, %reduce_sum3A_38 : f32
    %swap3A_40 = arith.constant 0 : index
    %swap3A_41 = memref.load %arg6[%swap3A_40] : memref<1xf32, #tpu.memory_space<smem>>
    memref.store %add3A_39, %arg6[%swap3A_40] : memref<1xf32, #tpu.memory_space<smem>>
    %eq3A_42 = arith.constant 7 : i32
    %eq3A_43 = arith.cmpi eq, %arg0, %eq3A_42 : i32
    %convert_element_type3A_44 = arith.extui %eq3A_43 : i1 to i32
    %cond3A_45 = arith.constant 0 : i32
    %cond3A_46 = arith.cmpi ne, %convert_element_type3A_44, %cond3A_45 : i32
    scf.if %cond3A_46 {
      %get3A_47 = arith.constant 0 : index
      %get3A_48 = memref.load %arg6[%get3A_47] : memref<1xf32, #tpu.memory_space<smem>>
      %swap3A_49 = arith.constant 0 : index
      %swap3A_50 = arith.constant 0 : index
      %swap3A_51 = memref.load %arg4[%swap3A_49, %swap3A_50] : memref<1x1xf32, #tpu.memory_space<smem>>
      memref.store %get3A_48, %arg4[%swap3A_49, %swap3A_50] : memref<1x1xf32, #tpu.memory_space<smem>>
    } else {
    }
    return
  }
  func.func @transform_0(%arg0: i32) -> (i32, i32) {
    %add3A = arith.constant 0 : i32
    %add3A_0 = arith.addi %add3A, %arg0 : i32
    %c0_i32 = arith.constant 0 : i32
    %c0_i32_1 = arith.constant 0 : i32
    return %add3A_0, %c0_i32 : i32, i32
  }
  func.func @transform_1(%arg0: i32) -> (i32, i32) {
    %c0_i32 = arith.constant 0 : i32
    %c0_i32_0 = arith.constant 0 : i32
    %c0_i32_1 = arith.constant 0 : i32
    return %c0_i32, %c0_i32_0 : i32, i32
  }
  func.func @transform_2(%arg0: i32) -> (i32, i32) {
    %c0_i32 = arith.constant 0 : i32
    %c0_i32_0 = arith.constant 0 : i32
    return %arg0, %c0_i32 : i32, i32
  }
  func.func @transform_3(%arg0: i32) -> (i32, i32) {
    %c0_i32 = arith.constant 0 : i32
    %c0_i32_0 = arith.constant 0 : i32
    %c0_i32_1 = arith.constant 0 : i32
    return %c0_i32, %c0_i32_0 : i32, i32
  }
}

module attributes {stable_mosaic.version = 14 : i64} {
  func.func @_argmin_body(%arg0: i32, %arg1: memref<1024x64xf32, #tpu.memory_space<vmem>>, %arg2: memref<1024x64xf32, #tpu.memory_space<vmem>>, %arg3: memref<1024x1xi32, #tpu.memory_space<vmem>>, %arg4: memref<1x1xf32, #tpu.memory_space<smem>>, %arg5: memref<1024x1024xi32, #tpu.memory_space<vmem>>, %arg6: memref<1xf32, #tpu.memory_space<smem>>) attributes {dimension_semantics = [#tpu.dimension_semantics<arbitrary>], iteration_bounds = array<i64: 8>, scalar_prefetch = 0 : i64, scratch_operands = 2 : i64, tpu.core_type = #tpu.core_type<tc>, window_params = [{transform_indices = @transform_0, window_bounds = array<i64: 1024, 64>}, {pipeline_mode = #tpu.pipeline_mode<synchronous>, transform_indices = @transform_1, window_bounds = array<i64: 1024, 64>}, {transform_indices = @transform_2, window_bounds = array<i64: 1024, 1>}, {transform_indices = @transform_3, window_bounds = array<i64: 1, 1>}]} {
    %get3A = arith.constant 0 : index
    %get3A_0 = arith.constant 0 : index
    %get3A_1 = vector.load %arg1[%get3A, %get3A_0] : memref<1024x64xf32, #tpu.memory_space<vmem>>, vector<1024x64xf32>
    %get3A_2 = arith.constant 0 : index
    %get3A_3 = arith.constant 0 : index
    %get3A_4 = vector.load %arg2[%get3A_2, %get3A_3] : memref<1024x64xf32, #tpu.memory_space<vmem>>, vector<1024x64xf32>
    %eq3A = arith.constant 0 : i32
    %eq3A_5 = arith.cmpi eq, %arg0, %eq3A : i32
    %convert_element_type3A = arith.extui %eq3A_5 : i1 to i32
    %cond3A = arith.constant 0 : i32
    %cond3A_6 = arith.cmpi ne, %convert_element_type3A, %cond3A : i32
    scf.if %cond3A_6 {
      %iota3A = tpu.iota {dimensions = array<i32: 1>} : vector<1024x1024xi32>
      %swap3A_47 = arith.constant 0 : index
      %swap3A_48 = arith.constant 0 : index
      %swap3A_49 = vector.load %arg5[%swap3A_47, %swap3A_48] : memref<1024x1024xi32, #tpu.memory_space<vmem>>, vector<1024x1024xi32>
      tpu.vector_store %arg5[%swap3A_47, %swap3A_48], %iota3A {strides = array<i32>} : memref<1024x1024xi32, #tpu.memory_space<vmem>>, vector<1024x1024xi32>,
      %swap3A_50 = arith.constant 0.000000e+00 : f32
      %swap3A_51 = arith.constant 0 : index
      %swap3A_52 = memref.load %arg6[%swap3A_51] : memref<1xf32, #tpu.memory_space<smem>>
      memref.store %swap3A_50, %arg6[%swap3A_51] : memref<1xf32, #tpu.memory_space<smem>>
    } else {
    }
    %mul3A = arith.mulf %get3A_1, %get3A_1 : vector<1024x64xf32>
    %reduce_sum3A = arith.constant dense<0.000000e+00> : vector<1024xf32>
    %reduce_sum3A_7 = vector.multi_reduction <add>, %mul3A, %reduce_sum3A [1] : vector<1024x64xf32> to vector<1024xf32>
    %broadcast_in_dim3A = vector.shape_cast %reduce_sum3A_7 : vector<1024xf32> to vector<1024x1xf32>
    %mul3A_8 = arith.mulf %get3A_4, %get3A_4 : vector<1024x64xf32>
    %reduce_sum3A_9 = arith.constant dense<0.000000e+00> : vector<1024xf32>
    %reduce_sum3A_10 = vector.multi_reduction <add>, %mul3A_8, %reduce_sum3A_9 [1] : vector<1024x64xf32> to vector<1024xf32>
    %broadcast_in_dim3A_11 = vector.shape_cast %reduce_sum3A_10 : vector<1024xf32> to vector<1024x1xf32>
    %mul3A_12 = arith.constant -2.000000e+00 : f32
    %mul3A_13 = vector.broadcast %mul3A_12 : f32 to vector<1024x64xf32>
    %mul3A_14 = arith.mulf %get3A_1, %mul3A_13 : vector<1024x64xf32>
    %dot_general3A = arith.constant dense<0.000000e+00> : vector<1024x1024xf32>
    %dot_general3A_15 = tpu.matmul %mul3A_14, %get3A_4, %dot_general3A {dimension_numbers = #tpu.dot_dimension_numbers<[1], [1], [0], [0], [0, 0, 1, 0], [], []>, transpose_lhs_hint = false} : vector<1024x64xf32>, vector<1024x64xf32>, vector<1024x1024xf32> -> vector<1024x1024xf32>
    %reshape3A = vector.shape_cast %broadcast_in_dim3A_11 : vector<1024x1xf32> to vector<1x1024xf32>
    %add3A = vector.broadcast %broadcast_in_dim3A : vector<1024x1xf32> to vector<1024x1024xf32>
    %add3A_16 = vector.broadcast %reshape3A : vector<1x1024xf32> to vector<1024x1024xf32>
    %add3A_17 = arith.addf %add3A, %add3A_16 : vector<1024x1024xf32>
    %add3A_18 = arith.addf %add3A_17, %dot_general3A_15 : vector<1024x1024xf32>
    %reduce_min3A = arith.constant dense<0x7F800000> : vector<1024xf32>
    %reduce_min3A_19 = vector.multi_reduction <minimumf>, %add3A_18, %reduce_min3A [1] : vector<1024x1024xf32> to vector<1024xf32>
    %broadcast_in_dim3A_20 = vector.shape_cast %reduce_min3A_19 : vector<1024xf32> to vector<1024x1xf32>
    %eq3A_21 = vector.broadcast %broadcast_in_dim3A_20 : vector<1024x1xf32> to vector<1024x1024xf32>
    %eq3A_22 = arith.cmpf oeq, %add3A_18, %eq3A_21 : vector<1024x1024xf32>
    %get3A_23 = arith.constant 0 : index
    %get3A_24 = arith.constant 0 : index
    %get3A_25 = vector.load %arg5[%get3A_23, %get3A_24] : memref<1024x1024xi32, #tpu.memory_space<vmem>>, vector<1024x1024xi32>
    %jit3A = arith.constant 1024 : i32
    %broadcast_in_dim3A_26 = vector.broadcast %jit3A : i32 to vector<1024x1024xi32>
    %select_n3A = arith.select %eq3A_22, %get3A_25, %broadcast_in_dim3A_26 : vector<1024x1024xi1>, vector<1024x1024xi32>
    %reduce_min3A_27 = arith.constant dense<2147483647> : vector<1024xi32>
    %reduce_min3A_28 = vector.multi_reduction <minsi>, %select_n3A, %reduce_min3A_27 [1] : vector<1024x1024xi32> to vector<1024xi32>
    %broadcast_in_dim3A_29 = vector.shape_cast %reduce_min3A_28 : vector<1024xi32> to vector<1024x1xi32>
    %swap3A = arith.constant 0 : index
    %swap3A_30 = arith.constant 0 : index
    %swap3A_31 = vector.load %arg3[%swap3A, %swap3A_30] : memref<1024x1xi32, #tpu.memory_space<vmem>>, vector<1024x1xi32>
    tpu.vector_store %arg3[%swap3A, %swap3A_30], %broadcast_in_dim3A_29 {strides = array<i32>} : memref<1024x1xi32, #tpu.memory_space<vmem>>, vector<1024x1xi32>,
    %get3A_32 = arith.constant 0 : index
    %get3A_33 = memref.load %arg6[%get3A_32] : memref<1xf32, #tpu.memory_space<smem>>
    %reduce_sum3A_34 = vector.shape_cast %broadcast_in_dim3A_20 : vector<1024x1xf32> to vector<1x1024x1xf32>
    %reduce_sum3A_35 = arith.constant dense<0.000000e+00> : vector<1xf32>
    %reduce_sum3A_36 = vector.multi_reduction <add>, %reduce_sum3A_34, %reduce_sum3A_35 [1, 2] : vector<1x1024x1xf32> to vector<1xf32>
    %reduce_sum3A_37 = vector.shape_cast %reduce_sum3A_36 : vector<1xf32> to vector<1x1x1xf32>
    %reduce_sum3A_38 = vector.extract %reduce_sum3A_37[0, 0, 0] : f32 from vector<1x1x1xf32>
    %add3A_39 = arith.addf %get3A_33, %reduce_sum3A_38 : f32
    %swap3A_40 = arith.constant 0 : index
    %swap3A_41 = memref.load %arg6[%swap3A_40] : memref<1xf32, #tpu.memory_space<smem>>
    memref.store %add3A_39, %arg6[%swap3A_40] : memref<1xf32, #tpu.memory_space<smem>>
    %eq3A_42 = arith.constant 7 : i32
    %eq3A_43 = arith.cmpi eq, %arg0, %eq3A_42 : i32
    %convert_element_type3A_44 = arith.extui %eq3A_43 : i1 to i32
    %cond3A_45 = arith.constant 0 : i32
    %cond3A_46 = arith.cmpi ne, %convert_element_type3A_44, %cond3A_45 : i32
    scf.if %cond3A_46 {
      %get3A_47 = arith.constant 0 : index
      %get3A_48 = memref.load %arg6[%get3A_47] : memref<1xf32, #tpu.memory_space<smem>>
      %swap3A_49 = arith.constant 0 : index
      %swap3A_50 = arith.constant 0 : index
      %swap3A_51 = memref.load %arg4[%swap3A_49, %swap3A_50] : memref<1x1xf32, #tpu.memory_space<smem>>
      memref.store %get3A_48, %arg4[%swap3A_49, %swap3A_50] : memref<1x1xf32, #tpu.memory_space<smem>>
    } else {
    }
    return
  }
  func.func @transform_0(%arg0: i32) -> (i32, i32) {
    %add3A = arith.constant 8 : i32
    %add3A_0 = arith.addi %add3A, %arg0 : i32
    %c0_i32 = arith.constant 0 : i32
    %c0_i32_1 = arith.constant 0 : i32
    return %add3A_0, %c0_i32 : i32, i32
  }
  func.func @transform_1(%arg0: i32) -> (i32, i32) {
    %c0_i32 = arith.constant 0 : i32
    %c0_i32_0 = arith.constant 0 : i32
    %c0_i32_1 = arith.constant 0 : i32
    return %c0_i32, %c0_i32_0 : i32, i32
  }
  func.func @transform_2(%arg0: i32) -> (i32, i32) {
    %c0_i32 = arith.constant 0 : i32
    %c0_i32_0 = arith.constant 0 : i32
    return %arg0, %c0_i32 : i32, i32
  }
  func.func @transform_3(%arg0: i32) -> (i32, i32) {
    %c0_i32 = arith.constant 0 : i32
    %c0_i32_0 = arith.constant 0 : i32
    %c0_i32_1 = arith.constant 0 : i32
    return %c0_i32, %c0_i32_0 : i32, i32
  }
}

module attributes {stable_mosaic.version = 14 : i64} {
  func.func @_kl_body(%arg0: memref<4x1024xf32, #tpu.memory_space<vmem>>, %arg1: memref<1x1024xf32, #tpu.memory_space<vmem>>, %arg2: memref<1x1xf32, #tpu.memory_space<smem>>, %arg3: memref<1x1xf32, #tpu.memory_space<smem>>) attributes {dimension_semantics = [], scalar_prefetch = 0 : i64, scratch_operands = 0 : i64, tpu.core_type = #tpu.core_type<tc>} {
    %get3A = arith.constant 0 : index
    %get3A_0 = arith.constant 0 : index
    %get3A_1 = vector.load %arg0[%get3A, %get3A_0] : memref<4x1024xf32, #tpu.memory_space<vmem>>, vector<4x1024xf32>
    %reduce_sum3A = arith.constant dense<0.000000e+00> : vector<1024xf32>
    %reduce_sum3A_2 = vector.multi_reduction <add>, %get3A_1, %reduce_sum3A [0] : vector<4x1024xf32> to vector<1024xf32>
    %broadcast_in_dim3A = vector.shape_cast %reduce_sum3A_2 : vector<1024xf32> to vector<1x1024xf32>
    %div3A = arith.constant 1.638400e+04 : f32
    %div3A_3 = vector.broadcast %div3A : f32 to vector<1x1024xf32>
    %div3A_4 = arith.divf %broadcast_in_dim3A, %div3A_3 : vector<1x1024xf32>
    %get3A_5 = arith.constant 0 : index
    %get3A_6 = arith.constant 0 : index
    %get3A_7 = vector.load %arg1[%get3A_5, %get3A_6] : memref<1x1024xf32, #tpu.memory_space<vmem>>, vector<1x1024xf32>
    %add3A = arith.constant 1.000000e-10 : f32
    %add3A_8 = vector.broadcast %add3A : f32 to vector<1x1024xf32>
    %add3A_9 = arith.addf %div3A_4, %add3A_8 : vector<1x1024xf32>
    %log3A = math.log %add3A_9 : vector<1x1024xf32>
    %add3A_10 = arith.constant 1.000000e-10 : f32
    %add3A_11 = vector.broadcast %add3A_10 : f32 to vector<1x1024xf32>
    %add3A_12 = arith.addf %get3A_7, %add3A_11 : vector<1x1024xf32>
    %log3A_13 = math.log %add3A_12 : vector<1x1024xf32>
    %sub3A = arith.subf %log3A, %log3A_13 : vector<1x1024xf32>
    %mul3A = arith.mulf %div3A_4, %sub3A : vector<1x1024xf32>
    %reduce_sum3A_14 = vector.shape_cast %mul3A : vector<1x1024xf32> to vector<1x1x1024xf32>
    %reduce_sum3A_15 = arith.constant dense<0.000000e+00> : vector<1xf32>
    %reduce_sum3A_16 = vector.multi_reduction <add>, %reduce_sum3A_14, %reduce_sum3A_15 [1, 2] : vector<1x1x1024xf32> to vector<1xf32>
    %reduce_sum3A_17 = vector.shape_cast %reduce_sum3A_16 : vector<1xf32> to vector<1x1x1xf32>
    %reduce_sum3A_18 = vector.extract %reduce_sum3A_17[0, 0, 0] : f32 from vector<1x1x1xf32>
    %get3A_19 = arith.constant 0 : index
    %get3A_20 = arith.constant 0 : index
    %get3A_21 = memref.load %arg2[%get3A_19, %get3A_20] : memref<1x1xf32, #tpu.memory_space<smem>>
    %div3A_22 = arith.constant 0x49800000 : f32
    %div3A_23 = arith.divf %get3A_21, %div3A_22 : f32
    %mul3A_24 = arith.constant 1.250000e+00 : f32
    %mul3A_25 = arith.mulf %mul3A_24, %div3A_23 : f32
    %mul3A_26 = arith.constant 1.000000e+00 : f32
    %mul3A_27 = arith.mulf %mul3A_26, %reduce_sum3A_18 : f32
    %add3A_28 = arith.addf %mul3A_25, %mul3A_27 : f32
    %swap3A = arith.constant 0 : index
    %swap3A_29 = arith.constant 0 : index
    %swap3A_30 = memref.load %arg3[%swap3A, %swap3A_29] : memref<1x1xf32, #tpu.memory_space<smem>>
    memref.store %add3A_28, %arg3[%swap3A, %swap3A_29] : memref<1x1xf32, #tpu.memory_space<smem>>
    return
  }
}

</mosaic_0001>

<sc_bundles>
// kernel: kernel.10.cloned.1.call-start
scs
__scs_entry_jumppad:
0x0: {  	(pc) =	sbr.rel $0x88, $3  }
0x1: {  	(tag) =	ssettag $0x0;
	lr =	simm.s32 $0x1  }
0x2: {  	[smem:$0x3F9E] =	sst lr;
	_ =	strace $0xD0000000  }
0x3: {  	_ = 	snop  }
0x4: {  	_ = 	snop  }
0x5: {  	_ = 	snop  }
0x6: {  	_ = 	snop  }
0x7: {  	_ = 	snop  }
__scs_overlays_trampoline_lowered:
0x8: {  	[smem:$0x3FAD] =	sst s0  }
0x9: {  	[smem:$0x3FAE] =	sst s1  }
0xa: {  	[smem:$0x3FAF] =	sst s2  }
0xb: {  	[smem:$0x3FB0] =	sst s3  }
0xc: {  	[smem:$0x3FB1] =	sst s4  }
0xd: {  	[smem:$0x3FB2] =	sst s5  }
0xe: {  	[smem:$0x3FB3] =	sst s6  }
0xf: {  	[smem:$0x3FB4] =	sst s7  }
0x10: {  	[smem:$0x3FB5] =	sst s8  }
0x11: {  	[smem:$0x3FB6] =	sst s9;
	s0 =	simm.s32 @!p0 $0x0  }
0x12: {  	s1 =	sld [smem:$0x3F9C];
	s0 =	simm.s32 @p0 $0x1  }
0x13: {  	[smem:$0x3FB7] =	sst s0;
	s0 =	simm.s32 @!p1 $0x0  }
0x14: {  	s2 =	sld [smem:$0x3F9B];
	s0 =	simm.s32 @p1 $0x1  }
0x15: {  	[smem:$0x3FB8] =	sst s0;
	s0 =	simm.s32 @!p2 $0x0  }
0x16: {  	s3 =	sld [smem:$0x3FDB];
	s0 =	simm.s32 @p2 $0x1  }
0x17: {  	s4 =	simm.s32 $0x1BF5;
	[smem:$0x3FBA] =	sst s0  }
0x18: {  	s0 =	sld [smem:$0x3F9D];
	_ =	swait.ge [sflag:s4], $0x0  }
0x19: {  	s7 =	sld [smem:$0x3F9E]  }
0x1a: {  	s8 =	sadd.s32 $0xFFFFE003, lr  }
0x1b: {  	s9 =	sadd.s32 $0xFFFFFEF7, lr;
	s5 =	simm.s32 $0xFFFFFFFF;
	p2 =	slt.u32 s8, $0xFFFFF086  }
0x1c: {  	p1 =	slt.u32 s9, $0xF7A;
	s5 =	simm.s32 @!p2 $0x0  }
0x1d: {  	s5 =	simm.s32 @p1 $0x1;
	p0 =	seq.s32 s7, s2  }
0x1e: {  	s7 =	smul.u32 @!p0 $0xF7A, s2;
	p2 =	seq.s32 @!p0 s5, $0x0  }
0x1f: {  	s9 =	smul.u32 $0xF7A, s1;
	s8 =	simm.s32 @!p0 $0x1BF5;
	p2 =	por !p2, p0  }
0x20: {  	[sflag:s8] =	ssyncset.s32 @!p0 $0xFFFFF086;
	s6 =	sadd.s32 @!p0 s3, s7;
	s7 =	simm.s32 @!p0 $0x108  }
0x21: {  	s3 =	sadd.s32 s3, s9;
	s6 =	sadd.s32 @!p0 $0x88, s6;
	s7 =	simm.s32 @p2 $0x1082  }
0x22: {  	[simem:s7], [sflag:s8] =	dma.local @!p0 [hbm:s6], $0xF7A  }
0x23: {  	s9 =	sor.u32 $0xD0000000, s2;
	s6 =	simm.s32 $0x108;
	_ =	swait.ge @!p0 [sflag:s8], $0x0  }
0x24: {  	s3 =	sadd.s32 $0x88, s3;
	s6 =	simm.s32 @!p1 $0x1082;
	[sflag:s4] =	ssyncset.s32 $0xFFFFF086  }
0x25: {  	[simem:s6], [sflag:s4] =	dma.local [hbm:s3], $0xF7A  }
0x26: {  	[smem:$0x3F9E] =	sst s1;
	(tag) =	ssettag s2;
	_ =	strace s9  }
0x27: {  	s1 =	sld [smem:$0x3FAE]  }
0x28: {  	s2 =	sld [smem:$0x3FAF]  }
0x29: {  	s4 =	sld [smem:$0x3FB1]  }
0x2a: {  	p0 =	seq.s32 s5, $0x0;
	s5 =	sld [smem:$0x3FB2]  }
0x2b: {  	s6 =	sld [smem:$0x3FB3]  }
0x2c: {  	s7 =	sld [smem:$0x3FB4]  }
0x2d: {  	s3 =	simm.s32 $0x108;
	s8 =	sld [smem:$0x3FB5]  }
0x2e: {  	s3 =	simm.s32 @!p0 $0x1082;
	s9 =	sld [smem:$0x3FB6]  }
0x2f: {  	lr =	sadd.s32 s0, s3;
	s0 =	sld [smem:$0x3FAD]  }
0x30: {  	s3 =	sld [smem:$0x3FB0]  }
0x31: {  	[smem:$0x3FB9] =	sst s10  }
0x32: {  	s10 =	sld [smem:$0x3FB7];
	_ =	sdelay $0x3  }
0x33: {  	p0 =	seq.s32 s10, $0x1;
	s10 =	sld [smem:$0x3FB9];
	_ =	sdelay $0x3  }
0x34: {  	[smem:$0x3FB9] =	sst s10  }
0x35: {  	s10 =	sld [smem:$0x3FB8];
	_ =	sdelay $0x3  }
0x36: {  	p1 =	seq.s32 s10, $0x1;
	s10 =	sld [smem:$0x3FB9];
	_ =	sdelay $0x3  }
0x37: {  	[smem:$0x3FB9] =	sst s10  }
0x38: {  	s10 =	sld [smem:$0x3FBA]  }
0x39: {  	_ = 	snop;
	(pc) =	sbr.ind lr, $3  }
0x3a: {  	_ = 	snop  }
0x3b: {  	_ = 	snop  }
0x3c: {  	p2 =	seq.s32 s10, $0x1;
	s10 =	sld [smem:$0x3FB9]  }
0x3d: {  	_ =	shalt  }
0x3e: {  	_ =	shalt  }
0x3f: {  	_ =	shalt  }
0x40: {  	_ =	shalt  }
0x41: {  	_ =	shalt  }
0x42: {  	_ =	shalt  }
0x43: {  	_ =	shalt  }
0x44: {  	_ =	shalt  }
0x45: {  	_ =	shalt  }
0x46: {  	_ =	shalt  }
0x47: {  	_ =	shalt  }
0x48: {  	_ =	shalt  }
0x49: {  	_ =	shalt  }
0x4a: {  	_ =	shalt  }
0x4b: {  	_ =	shalt  }
0x4c: {  	_ =	shalt  }
0x4d: {  	_ =	shalt  }
0x4e: {  	_ =	shalt  }
0x4f: {  	_ =	shalt  }
0x50: {  	_ =	shalt  }
0x51: {  	_ =	shalt  }
0x52: {  	_ =	shalt  }
0x53: {  	_ =	shalt  }
0x54: {  	_ =	shalt  }
0x55: {  	_ =	shalt  }
0x56: {  	_ =	shalt  }
0x57: {  	_ =	shalt  }
0x58: {  	_ =	shalt  }
0x59: {  	_ =	shalt  }
0x5a: {  	_ =	shalt  }
0x5b: {  	_ =	shalt  }
0x5c: {  	_ =	shalt  }
0x5d: {  	_ =	shalt  }
0x5e: {  	_ =	shalt  }
0x5f: {  	_ =	shalt  }
0x60: {  	_ =	shalt  }
0x61: {  	_ =	shalt  }
0x62: {  	_ =	shalt  }
0x63: {  	_ =	shalt  }
0x64: {  	_ =	shalt  }
0x65: {  	_ =	shalt  }
0x66: {  	_ =	shalt  }
0x67: {  	_ =	shalt  }
0x68: {  	_ =	shalt  }
0x69: {  	_ =	shalt  }
0x6a: {  	_ =	shalt  }
0x6b: {  	_ =	shalt  }
0x6c: {  	_ =	shalt  }
0x6d: {  	_ =	shalt  }
0x6e: {  	_ =	shalt  }
0x6f: {  	_ =	shalt  }
0x70: {  	_ =	shalt  }
0x71: {  	_ =	shalt  }
0x72: {  	_ =	shalt  }
0x73: {  	_ =	shalt  }
0x74: {  	_ =	shalt  }
0x75: {  	_ =	shalt  }
0x76: {  	_ =	shalt  }
0x77: {  	_ =	shalt  }
0x78: {  	_ =	shalt  }
0x79: {  	_ =	shalt  }
0x7a: {  	_ =	shalt  }
0x7b: {  	_ =	shalt  }
0x7c: {  	_ =	shalt  }
0x7d: {  	_ =	shalt  }
0x7e: {  	_ =	shalt  }
0x7f: {  	_ =	shalt  }
0x80: {  	_ =	shalt  }
0x81: {  	_ =	shalt  }
0x82: {  	_ =	shalt  }
0x83: {  	_ =	shalt  }
0x84: {  	_ =	shalt  }
0x85: {  	_ =	shalt  }
0x86: {  	_ =	shalt  }
0x87: {  	_ =	shalt  }
.Lfunc_end0:
.L_simem_size_0:
called_computation.1_lowered:
.L_overlay_start_0:
0x88: {  	s2 =	sld [smem:$0x3FD9]  }
0x89: {  	s3 =	sld [smem:$0x3FFE];
	_ =	sdelay $0x1  }
0x8a: {  	s1 =	srdreg.scid  }
0x8b: {  	s0 =	sand.u32 $0x1, s1  }
0x8c: {  	s15 =	sshll.u32 s0, $0xA;
	s2 =	sadd.s32 s3, s2  }
0x8d: {  	s2 =	sadd.s32 s2, s15  }
0x8e: {  	[smem:$0x3FC5] =	sst s2  }
0x8f: {  	_ = 	snop  }
0x90: {  	s2 =	sld [smem:$0x3FD0];
	_ =	sdelay $0x2  }
0x91: {  	s16 =	simm.s32 $0xB;
	s4 =	simm.s32 $0x10  }
0x92: {  	[smem:s4], [sflag:s16] =	dma.local [hbm:s2], $0x1  }
0x93: {  	_ =	swait.eq [sflag:s16], $0x1  }
0x94: {  	[sflag:s16] =	ssyncset.done $0x0  }
0x95: {  	[sflag:s16] =	ssyncadd.s32 $0xFFFFFFFF  }
0x96: {  	s17 =	sld [smem:$0x10];
	(tm) =	ssettm $0x1  }
0x97: {  	s18 =	sld [smem:$0x3FFB];
	_ =	sdelay $0x3  }
0x98: {  	_ =	strace s18  }
0x99: {  	s2 =	sld [smem:$0x3FFC];
	_ =	sdelay $0x3  }
0x9a: {  	_ =	strace s2  }
0x9b: {  	s2 =	sld [smem:$0x3FFD];
	_ =	sdelay $0x3  }
0x9c: {  	_ =	strace s2  }
0x9d: {  	_ =	strace $0x8FFFFFFF  }
0x9e: {  	s19 =	sld [smem:$0x3FDB];
	_ =	sdelay $0x1  }
0x9f: {  	s20 =	simm.s32 $_scs_section_size  }
0xa0: {  	s5 =	simm.s32 $_size__tile_overlayer_lowered;
	s6 =	simm.s32 $_tile_overlayer_lowered  }
0xa1: {  	s7 =	simm.s32 $0x1BFF;
	s21 =	sshll.u32 s6, $0x1;
	s4 =	sadd.s32 s20, s19  }
0xa2: {  	s22 =	simm.s32 $0x0;
	s5 =	sshll.u32 s5, $0x1;
	s6 =	sadd.s32 s21, s4  }
0xa3: {  	[timem:s22], [sflag:s7] =	dma.local [hbm:s6], s5  }
0xa4: {  	_ =	swait.ge [sflag:s7], s5  }
0xa5: {  	s5 =	ssub.s32 $0x0, s5;
	[sflag:s7] =	ssyncset.done $0x0  }
0xa6: {  	[sflag:s7] =	ssyncadd.s32 s5;
	_ =	sdelay $0x1  }
0xa7: {  	s23 =	simm.s32 $0x1B8B  }
0xa8: {  	_ =	swait.ge [sflag:s23], $0x1  }
0xa9: {  	[sflag:s23] =	ssyncset.done $0x0  }
0xaa: {  	[sflag:s23] =	ssyncadd.s32 $0xFFFFFFFF  }
0xab: {  	s5 =	sld [smem:$0x0]  }
0xac: {  	s6 =	sand.u32 $0xFFFFFFFE, s1  }
0xad: {  	p0 =	sne.s32 s1, s6  }
0xae: {  	s6 =	sshll.u32 @p0 s6, $0xE  }
0xaf: {  	s6 =	sadd.s32 @p0 $0x11B8D, s6;
	s7 =	sshll.u32 @p0 s5, $0x11  }
0xb0: {  	s6 =	sor.u32 @p0 s7, s6  }
0xb1: {  	[sflag:s6] =	ssyncadd.remote.s32 @p0 $0x1;
	_ =	sdelay $0x1  }
0xb2: {  	s6 =	simm.s32 @p0 $0x1B8D  }
0xb3: {  	_ =	swait.eq @p0 [sflag:s6], $0x1  }
0xb4: {  	[sflag:s6] =	ssyncadd.s32 @p0 $0xFFFFFFFF  }
0xb5: {  	s7 =	sshll.u32 @!p0 s1, $0xE  }
0xb6: {  	s7 =	sor.u32 @!p0 $0x4000, s7;
	s6 =	simm.s32 @!p0 $0x1B8D  }
0xb7: {  	s5 =	sshll.u32 @!p0 s5, $0x11;
	s7 =	sadd.s32 @!p0 $0x11B8D, s7;
	_ =	swait.eq @!p0 [sflag:s6], $0x1  }
0xb8: {  	s5 =	sor.u32 @!p0 s5, s7;
	[sflag:s6] =	ssyncadd.s32 @!p0 $0xFFFFFFFF  }
0xb9: {  	s25 =	simm.s32 $0x1B8E;
	s24 =	sld [smem:$0x3FFE];
	[sflag:s5] =	ssyncadd.remote.s32 @!p0 $0x1  }
0xba: {  	s26 =	simm.s32 $execute0_lowered;
	[smem:$0x3FD2] =	sst s25  }
0xbb: {  	s6 =	sshll.u32 s26, $0x1;
	_ =	strace $0x80000049;
	[dreg:$0x1] =	wrdreg $0xFFFFFFFF  }
0xbc: {  	s28 =	simm.s32 $_size_execute0_lowered;
	s4 =	sadd.s32 s4, s6;
	[dreg:$0x0] =	wrdreg $0x0  }
0xbd: {  	s6 =	sshll.u32 s28, $0x1;
	[dreg:$0x2] =	wrdreg s4  }
0xbe: {  	[dreg:$0x3] =	wrdreg s6  }
0xbf: {  	[dreg:$0x4] =	wrdreg $0xC0  }
0xc0: {  	_ =	task [dreg:s22], $0x5FFFF  }
0xc1: {  	[dreg:$0x1] =	wrdreg $0xFFFFFFFF  }
0xc2: {  	[dreg:$0x0] =	wrdreg $0x60  }
0xc3: {  	[dreg:$0x2] =	wrdreg s24  }
0xc4: {  	[dreg:$0x3] =	wrdreg s17  }
0xc5: {  	[dreg:$0x4] =	wrdreg $0x47000  }
0xc6: {  	[dreg:$0x5] =	wrdreg $0xA  }
0xc7: {  	_ =	task.clear_ibuf [dreg:s22], $0x6FFFF;
	_ =	strace $0x90000049  }
0xc8: {  	s29 =	simm.s32 $0xA;
	_ =	strace $0x8000004B  }
0xc9: {  	_ =	swait.ge [sflag:s29], $0x1  }
0xca: {  	[sflag:s29] =	ssyncadd.s32 $0xFFFFFFFF  }
0xcb: {  	_ =	strace $0x9000004B  }
0xcc: {  	_ =	sfence  }
0xcd: {  	s30 =	sld [smem:$0x0];
	_ =	sdelay $0x2  }
0xce: {  	s31 =	sshll.u32 s1, $0xD;
	s1 =	sshrl.u32 s1, $0x2  }
0xcf: {  	s4 =	sand.u32 $0x4000, s31;
	s1 =	sadd.s32 s1, s30  }
0xd0: {  	s0 =	sor.u32 s4, s0;
	s1 =	sshll.u32 s1, $0x11  }
0xd1: {  	s0 =	sor.u32 s1, s0  }
0xd2: {  	s0 =	sadd.s32 $0x8F2B, s0  }
0xd3: {  	[sflag:s0] =	ssyncadd.remote.s32 $0x1  }
0xd4: {  	_ =	sfence.sel $0xFFFF  }
0xd5: {  	[dreg:$0x0] =	wrdreg $0xFFFFFFFF;
	(pc) =	sbr.abs _section_cstart, $3  }
0xd6: {  	[dreg:$0x1] =	wrdreg $0xFFFFFFFF  }
0xd7: {  	_ =	task.clear_ibuf [dreg:s22], $0x2FFFF;
	_ =	strace $0x9FFFFFFF  }
0xd8: {  	(tm) =	ssettm $0x7FFFFFFF  }
0xd9: {  	_ =	shalt  }
tec
execute0_lowered:
.L_overlay_start_1:
0x0: {  	(tag) =	ssettag $0x1  }
0x1: {  	s4 =	rddreg [dreg:$0x0]  }
0x2: {  	s8 =	rddreg [dreg:$0x1]  }
0x3: {  	s1 =	rddreg [dreg:$0x2]  }
0x4: {  	s0 =	rddreg [dreg:$0x3];
	s2 =	simm.s32 $0x0;
	s5 =	srdreg.scid  }
0x5: {  	s10 =	stileid.u32;
	s14 =	simm.s32 $0x2200;
	s16 =	simm.s32 $0x1  }
0x6: {  	[smem:$0x7FF] =	sst s2;
	s3 =	sadd.s32 $0xE00, s4;
	s6 =	sadd.s32 $0x13600, s4  }
0x7: {  	s5 =	sand.u32 $0x1, s5;
	s9 =	sshll.u32 s10, $0x9;
	p0 =	sne.s32 s10, $0x0  }
0x8: {  	s10 =	simm.s32 $0x2;
	_ =	strace $0x8000004A;
	s7 =	sshll.u32 s5, $0x7  }
0x9: {  	s11 =	sshll.u32 s5, $0x8;
	s29 =	ssub.s32 $0x2, s5;
	s15 =	sshrl.u32 @!p0 s1, $0x3  }
0xa: {  	s7 =	sadd.s32 s7, s4;
	s9 =	sor.u32 s11, s9;
	s5 =	sshrl.u32 s29, $0x1  }
0xb: {  	s11 =	sshrl.u32 s9, $0x3;
	s12 =	sor.u32 $0x80, s9;
	s13 =	ssub.s32 s29, s5  }
0xc: {  	s9 =	sshll.u32 s9, $0x3;
	s4 =	sadd.s32 s6, s11;
	s30 =	sshrl.u32 s12, $0x3  }
0xd: {  	s31 =	sshll.u32 s12, $0x3;
	s11 =	simm.s32 $0x80;
	s12 =	simm.s32 $0x100  }
0xe: {  	s5 =	sadd.s32 s6, s30;
	s6 =	sadd.s32 $0x13A00, s7;
	s7 =	sadd.s32 s8, s9  }
0xf: {  	v0 =	vimm.f32 $0.0e+00;
	v1 =	vimm.f32 $1.000000000e+00;
	s8 =	sadd.s32 s8, s31;
	s9 =	smax.u32 s13, $0x1;
	s13 =	simm.s32 $0x200  }
.LBB2_1:
0x10: {  	[tilespmem:s2], [sflag:$0x2] =	stream.linear.gather [hbm4b:s4+s2], $0x80, $0x38;
	[tilespmem:$0x4740] =	vst v63  }
0x11: {  	_ =	swait.ge [sflag:s10], $0x80  }
0x12: {  	[sflag:s10] =	ssyncset.done $0x0  }
0x13: {  	[sflag:s10] =	ssyncadd.s32 $0xFFFFFF80  }
0x14: {  	[tilespmem:s11], [sflag:$0x2] =	stream.linear.gather [hbm4b:s5+s2], $0x80, $0x38;
	[tilespmem:$0x4740] =	vst v63  }
0x15: {  	_ =	swait.ge [sflag:s10], $0x80  }
0x16: {  	[sflag:s10] =	ssyncset.done $0x0  }
0x17: {  	[sflag:s10] =	ssyncadd.s32 $0xFFFFFF80  }
0x18: {  	[tilespmem:s12], [sflag:$0x2] =	stream.linear.gather [hbm4b:s4+s2], $0x100, $0x38;
	[tilespmem:$0x4740] =	vst v63  }
0x19: {  	_ =	swait.ge [sflag:s10], $0x100  }
0x1a: {  	[sflag:s10] =	ssyncset.done $0x0  }
0x1b: {  	[sflag:s10] =	ssyncadd.s32 $0xFFFFFF00  }
0x1c: {  	[tilespmem:s13], [sflag:$0x1] =	stream.indirect.gather [hbm4b:s3+s11], $0x40, s2, s11, $0xb8;
	[tilespmem:$0x4740] =	vst v63  }
0x1d: {  	_ = 	snop  }
0x1e: {  	[tilespmem:s14], [sflag:$0x1] =	stream.indirect.gather [hbm4b:s3+s11], $0x40, s11, s11, $0xb8;
	[tilespmem:$0x4740] =	vst v63  }
0x1f: {  	[tilespmem:$0x4300] =	vst v0  }
0x20: {  	[tilespmem:$0x4310] =	vst v0  }
0x21: {  	[tilespmem:$0x4320] =	vst v0  }
0x22: {  	[tilespmem:$0x4330] =	vst v0  }
0x23: {  	[tilespmem:$0x4340] =	vst v0  }
0x24: {  	[tilespmem:$0x4350] =	vst v0  }
0x25: {  	[tilespmem:$0x4360] =	vst v0  }
0x26: {  	[tilespmem:$0x4370] =	vst v0  }
0x27: {  	[tilespmem:$0x4380] =	vst v0  }
0x28: {  	[tilespmem:$0x4390] =	vst v0  }
0x29: {  	[tilespmem:$0x43A0] =	vst v0  }
0x2a: {  	[tilespmem:$0x43B0] =	vst v0  }
0x2b: {  	[tilespmem:$0x43C0] =	vst v0  }
0x2c: {  	[tilespmem:$0x43D0] =	vst v0  }
0x2d: {  	[tilespmem:$0x43E0] =	vst v0  }
0x2e: {  	[tilespmem:$0x43F0] =	vst v0  }
0x2f: {  	[tilespmem:$0x4400] =	vst v0  }
0x30: {  	[tilespmem:$0x4410] =	vst v0  }
0x31: {  	[tilespmem:$0x4420] =	vst v0  }
0x32: {  	[tilespmem:$0x4430] =	vst v0  }
0x33: {  	[tilespmem:$0x4440] =	vst v0  }
0x34: {  	[tilespmem:$0x4450] =	vst v0  }
0x35: {  	[tilespmem:$0x4460] =	vst v0  }
0x36: {  	[tilespmem:$0x4470] =	vst v0  }
0x37: {  	[tilespmem:$0x4480] =	vst v0  }
0x38: {  	[tilespmem:$0x4490] =	vst v0  }
0x39: {  	[tilespmem:$0x44A0] =	vst v0  }
0x3a: {  	[tilespmem:$0x44B0] =	vst v0  }
0x3b: {  	[tilespmem:$0x44C0] =	vst v0  }
0x3c: {  	[tilespmem:$0x44D0] =	vst v0  }
0x3d: {  	[tilespmem:$0x44E0] =	vst v0  }
0x3e: {  	[tilespmem:$0x44F0] =	vst v0  }
0x3f: {  	[tilespmem:$0x4500] =	vst v0  }
0x40: {  	[tilespmem:$0x4510] =	vst v0  }
0x41: {  	[tilespmem:$0x4520] =	vst v0  }
0x42: {  	[tilespmem:$0x4530] =	vst v0  }
0x43: {  	[tilespmem:$0x4540] =	vst v0  }
0x44: {  	[tilespmem:$0x4550] =	vst v0  }
0x45: {  	[tilespmem:$0x4560] =	vst v0  }
0x46: {  	[tilespmem:$0x4570] =	vst v0  }
0x47: {  	[tilespmem:$0x4580] =	vst v0  }
0x48: {  	[tilespmem:$0x4590] =	vst v0  }
0x49: {  	[tilespmem:$0x45A0] =	vst v0  }
0x4a: {  	[tilespmem:$0x45B0] =	vst v0  }
0x4b: {  	[tilespmem:$0x45C0] =	vst v0  }
0x4c: {  	[tilespmem:$0x45D0] =	vst v0  }
0x4d: {  	[tilespmem:$0x45E0] =	vst v0  }
0x4e: {  	[tilespmem:$0x45F0] =	vst v0  }
0x4f: {  	[tilespmem:$0x4600] =	vst v0  }
0x50: {  	[tilespmem:$0x4610] =	vst v0  }
0x51: {  	[tilespmem:$0x4620] =	vst v0  }
0x52: {  	[tilespmem:$0x4630] =	vst v0  }
0x53: {  	[tilespmem:$0x4640] =	vst v0  }
0x54: {  	[tilespmem:$0x4650] =	vst v0  }
0x55: {  	[tilespmem:$0x4660] =	vst v0  }
0x56: {  	[tilespmem:$0x4670] =	vst v0  }
0x57: {  	[tilespmem:$0x4680] =	vst v0  }
0x58: {  	[tilespmem:$0x4690] =	vst v0  }
0x59: {  	[tilespmem:$0x46A0] =	vst v0  }
0x5a: {  	[tilespmem:$0x46B0] =	vst v0  }
0x5b: {  	[tilespmem:$0x46C0] =	vst v0  }
0x5c: {  	[tilespmem:$0x46D0] =	vst v0  }
0x5d: {  	[tilespmem:$0x46E0] =	vst v0  }
0x5e: {  	[tilespmem:$0x46F0] =	vst v0  }
0x5f: {  	[tilespmem:$0x4200] =	vst v1  }
0x60: {  	[tilespmem:$0x4210] =	vst v1  }
0x61: {  	[tilespmem:$0x4220] =	vst v1  }
0x62: {  	[tilespmem:$0x4230] =	vst v1  }
0x63: {  	[tilespmem:$0x4240] =	vst v1  }
0x64: {  	[tilespmem:$0x4250] =	vst v1  }
0x65: {  	[tilespmem:$0x4260] =	vst v1  }
0x66: {  	[tilespmem:$0x4270] =	vst v1  }
0x67: {  	[tilespmem:$0x4280] =	vst v1  }
0x68: {  	[tilespmem:$0x4290] =	vst v1  }
0x69: {  	[tilespmem:$0x42A0] =	vst v1  }
0x6a: {  	[tilespmem:$0x42B0] =	vst v1  }
0x6b: {  	[tilespmem:$0x42C0] =	vst v1  }
0x6c: {  	[tilespmem:$0x42D0] =	vst v1  }
0x6d: {  	[tilespmem:$0x42E0] =	vst v1  }
0x6e: {  	[tilespmem:$0x42F0] =	vst v1  }
0x6f: {  	s17 =	simm.s32 @p0 $0x100;
	s18 =	simm.s32 @p0 $0x4200;
	[bflag:$0x0] =	sbarrier.arrive @p0 $0xFFFF  }
0x70: {  	[spmem:s1] =	stream.indirect.scatter.add.f32 @p0 [tilespmem:s18], [sflag:$0x2], $0x1, s17, s17, $0xb8;
	[tilespmem:$0x4740] =	vst v63  }
0x71: {  	s17 =	simm.s32 @p0 $0x2  }
0x72: {  	_ =	swait.ge @p0 [sflag:s17], $0x100  }
0x73: {  	[sflag:s17] =	ssyncset.done @p0 $0x0  }
0x74: {  	[sflag:s17] =	ssyncadd.s32 @p0 $0xFFFFFF00  }
0x75: {  	s17 =	simm.s32 @!p0 $0x4300;
	[bflag:$0x0] =	sbarrier.arrive @p0 $0xFFFF  }
0x76: {  	[spmem:s1] =	stream.linear.scatter @!p0 [tilespmem:s17], [sflag:$0x2], $0x400, $0x38;
	[tilespmem:$0x4740] =	vst v63  }
0x77: {  	s17 =	simm.s32 @!p0 $0x2  }
0x78: {  	_ =	swait.ge @!p0 [sflag:s17], $0x400  }
0x79: {  	[sflag:s17] =	ssyncset.done @!p0 $0x0  }
0x7a: {  	[sflag:s17] =	ssyncadd.s32 @!p0 $0xFFFFFC00  }
0x7b: {  	s19 =	simm.s32 @!p0 $0x4200;
	s18 =	simm.s32 @!p0 $0x100;
	[bflag:$0x0] =	sbarrier.arrive @!p0 $0xFFFF  }
0x7c: {  	[spmem:s1] =	stream.indirect.scatter.add.f32 @!p0 [tilespmem:s19], [sflag:$0x2], $0x1, s18, s18, $0xb8;
	[tilespmem:$0x4740] =	vst v63  }
0x7d: {  	_ =	swait.ge @!p0 [sflag:s17], $0x100  }
0x7e: {  	[sflag:s17] =	ssyncset.done @!p0 $0x0  }
0x7f: {  	[sflag:s17] =	ssyncadd.s32 @!p0 $0xFFFFFF00  }
0x80: {  	s18 =	simm.s32 @!p0 $0x1C02;
	[bflag:$0x0] =	sbarrier.arrive @!p0 $0xFFFF  }
0x81: {  	[hbm:s6], [sflag:s18] =	dma.local @!p0 [spmem:s15], $0x80  }
0x82: {  	_ =	swait.ge @!p0 [sflag:s17], $0x80  }
0x83: {  	[sflag:s17] =	ssyncset.done @!p0 $0x0  }
0x84: {  	[sflag:s17] =	ssyncadd.s32 @!p0 $0xFFFFFF80  }
0x85: {  	_ =	swait.ge [sflag:s16], $0x2000  }
0x86: {  	[sflag:s16] =	ssyncset.done $0x0  }
0x87: {  	[sflag:s16] =	ssyncadd.s32 $0xFFFFE000  }
0x88: {  	[hbm4b:s7+s2] =	stream.linear.scatter [tilespmem:s13], [sflag:$0x2], $0x2000, $0x38;
	[tilespmem:$0x4740] =	vst v63  }
0x89: {  	_ =	swait.ge [sflag:s10], $0x2000  }
0x8a: {  	[sflag:s10] =	ssyncset.done $0x0  }
0x8b: {  	[sflag:s10] =	ssyncadd.s32 $0xFFFFE000  }
0x8c: {  	s9 =	sadd.s32 $0xFFFFFFFF, s9;
	_ =	swait.ge [sflag:s16], $0x2000  }
0x8d: {  	p1 =	sne.s32 s9, $0x0;
	[sflag:s16] =	ssyncset.done $0x0  }
.Ltmp0:
0x8e: {  	[sflag:s16] =	ssyncadd.s32 $0xFFFFE000;
	(pc) =	sbr.rel @p1 .LBB2_1-.Ltmp0, $4  }
0x8f: {  	[hbm4b:s8+s2] =	stream.linear.scatter [tilespmem:s14], [sflag:$0x2], $0x2000, $0x38;
	[tilespmem:$0x4740] =	vst v63  }
0x90: {  	_ =	swait.ge [sflag:s10], $0x2000  }
0x91: {  	[sflag:s10] =	ssyncset.done $0x0  }
0x92: {  	[sflag:s10] =	ssyncadd.s32 $0xFFFFE000  }
0x93: {  	_ =	sfence.sel $0x180000  }
0x94: {  	[bflag:$0x0] =	sbarrier.arrive $0xFFFF  }
0x95: {  	_ =	strace $0x9000004A  }
0x96: {  	s0 =	sadd.s32 @!p0 $0x100000, s0;
	[bflag:$0x2] =	sbarrier.arrive $0xFFFF  }
0x97: {  	[sflag:s0] =	ssyncadd.tile.s32 @!p0 $0x1;
	_ =	shalt  }
.Lfunc_end2:
_tile_overlayer_lowered:
.L_overlay_start_2:
0x98: {  	(tag) =	ssettag $0x2  }
0x99: {  	s0 =	rddreg [dreg:$0x0];
	s2 =	stileid.u32  }
0x9a: {  	s1 =	rddreg [dreg:$0x1];
	p0 =	sne.s32 s2, $0x0  }
0x9b: {  	s3 =	rddreg [dreg:$0x2];
	[bflag:$0x3] =	sbarrier.arrive $0xFFFF;
	s2 =	simm.s32 @!p0 $0x1C02  }
0x9c: {  	[timem:s3], [sflag:s2] =	dma.local @!p0 [hbm:s0], s1  }
0x9d: {  	s0 =	simm.s32 @!p0 $0x2  }
0x9e: {  	_ =	swait.ge @!p0 [sflag:s0], s1  }
0x9f: {  	s1 =	ssub.s32 @!p0 $0x0, s1;
	[sflag:s0] =	ssyncset.done @!p0 $0x0  }
0xa0: {  	[sflag:s0] =	ssyncadd.s32 @!p0 s1  }
0xa1: {  	[bflag:$0x3] =	sbarrier.arrive $0xFFFF  }
0xa2: {  	_ =	shalt  }

// kernel: kernel.7.cloned.1.call-start
scs
__scs_entry_jumppad:
0x0: {  	(pc) =	sbr.rel $0x88, $3  }
0x1: {  	(tag) =	ssettag $0x0;
	lr =	simm.s32 $0x1  }
0x2: {  	[smem:$0x3F9E] =	sst lr;
	_ =	strace $0xD0000000  }
0x3: {  	_ = 	snop  }
0x4: {  	_ = 	snop  }
0x5: {  	_ = 	snop  }
0x6: {  	_ = 	snop  }
0x7: {  	_ = 	snop  }
__scs_overlays_trampoline_lowered:
0x8: {  	[smem:$0x3FAD] =	sst s0  }
0x9: {  	[smem:$0x3FAE] =	sst s1  }
0xa: {  	[smem:$0x3FAF] =	sst s2  }
0xb: {  	[smem:$0x3FB0] =	sst s3  }
0xc: {  	[smem:$0x3FB1] =	sst s4  }
0xd: {  	[smem:$0x3FB2] =	sst s5  }
0xe: {  	[smem:$0x3FB3] =	sst s6  }
0xf: {  	[smem:$0x3FB4] =	sst s7  }
0x10: {  	[smem:$0x3FB5] =	sst s8  }
0x11: {  	[smem:$0x3FB6] =	sst s9;
	s0 =	simm.s32 @!p0 $0x0  }
0x12: {  	s1 =	sld [smem:$0x3F9C];
	s0 =	simm.s32 @p0 $0x1  }
0x13: {  	[smem:$0x3FB7] =	sst s0;
	s0 =	simm.s32 @!p1 $0x0  }
0x14: {  	s2 =	sld [smem:$0x3F9B];
	s0 =	simm.s32 @p1 $0x1  }
0x15: {  	[smem:$0x3FB8] =	sst s0;
	s0 =	simm.s32 @!p2 $0x0  }
0x16: {  	s3 =	sld [smem:$0x3FDB];
	s0 =	simm.s32 @p2 $0x1  }
0x17: {  	s4 =	simm.s32 $0x1BF5;
	[smem:$0x3FBA] =	sst s0  }
0x18: {  	s0 =	sld [smem:$0x3F9D];
	_ =	swait.ge [sflag:s4], $0x0  }
0x19: {  	s7 =	sld [smem:$0x3F9E]  }
0x1a: {  	s8 =	sadd.s32 $0xFFFFE003, lr  }
0x1b: {  	s9 =	sadd.s32 $0xFFFFFEF7, lr;
	s5 =	simm.s32 $0xFFFFFFFF;
	p2 =	slt.u32 s8, $0xFFFFF086  }
0x1c: {  	p1 =	slt.u32 s9, $0xF7A;
	s5 =	simm.s32 @!p2 $0x0  }
0x1d: {  	s5 =	simm.s32 @p1 $0x1;
	p0 =	seq.s32 s7, s2  }
0x1e: {  	s7 =	smul.u32 @!p0 $0xF7A, s2;
	p2 =	seq.s32 @!p0 s5, $0x0  }
0x1f: {  	s9 =	smul.u32 $0xF7A, s1;
	s8 =	simm.s32 @!p0 $0x1BF5;
	p2 =	por !p2, p0  }
0x20: {  	[sflag:s8] =	ssyncset.s32 @!p0 $0xFFFFF086;
	s6 =	sadd.s32 @!p0 s3, s7;
	s7 =	simm.s32 @!p0 $0x108  }
0x21: {  	s3 =	sadd.s32 s3, s9;
	s6 =	sadd.s32 @!p0 $0x88, s6;
	s7 =	simm.s32 @p2 $0x1082  }
0x22: {  	[simem:s7], [sflag:s8] =	dma.local @!p0 [hbm:s6], $0xF7A  }
0x23: {  	s9 =	sor.u32 $0xD0000000, s2;
	s6 =	simm.s32 $0x108;
	_ =	swait.ge @!p0 [sflag:s8], $0x0  }
0x24: {  	s3 =	sadd.s32 $0x88, s3;
	s6 =	simm.s32 @!p1 $0x1082;
	[sflag:s4] =	ssyncset.s32 $0xFFFFF086  }
0x25: {  	[simem:s6], [sflag:s4] =	dma.local [hbm:s3], $0xF7A  }
0x26: {  	[smem:$0x3F9E] =	sst s1;
	(tag) =	ssettag s2;
	_ =	strace s9  }
0x27: {  	s1 =	sld [smem:$0x3FAE]  }
0x28: {  	s2 =	sld [smem:$0x3FAF]  }
0x29: {  	s4 =	sld [smem:$0x3FB1]  }
0x2a: {  	p0 =	seq.s32 s5, $0x0;
	s5 =	sld [smem:$0x3FB2]  }
0x2b: {  	s6 =	sld [smem:$0x3FB3]  }
0x2c: {  	s7 =	sld [smem:$0x3FB4]  }
0x2d: {  	s3 =	simm.s32 $0x108;
	s8 =	sld [smem:$0x3FB5]  }
0x2e: {  	s3 =	simm.s32 @!p0 $0x1082;
	s9 =	sld [smem:$0x3FB6]  }
0x2f: {  	lr =	sadd.s32 s0, s3;
	s0 =	sld [smem:$0x3FAD]  }
0x30: {  	s3 =	sld [smem:$0x3FB0]  }
0x31: {  	[smem:$0x3FB9] =	sst s10  }
0x32: {  	s10 =	sld [smem:$0x3FB7];
	_ =	sdelay $0x3  }
0x33: {  	p0 =	seq.s32 s10, $0x1;
	s10 =	sld [smem:$0x3FB9];
	_ =	sdelay $0x3  }
0x34: {  	[smem:$0x3FB9] =	sst s10  }
0x35: {  	s10 =	sld [smem:$0x3FB8];
	_ =	sdelay $0x3  }
0x36: {  	p1 =	seq.s32 s10, $0x1;
	s10 =	sld [smem:$0x3FB9];
	_ =	sdelay $0x3  }
0x37: {  	[smem:$0x3FB9] =	sst s10  }
0x38: {  	s10 =	sld [smem:$0x3FBA]  }
0x39: {  	_ = 	snop;
	(pc) =	sbr.ind lr, $3  }
0x3a: {  	_ = 	snop  }
0x3b: {  	_ = 	snop  }
0x3c: {  	p2 =	seq.s32 s10, $0x1;
	s10 =	sld [smem:$0x3FB9]  }
0x3d: {  	_ =	shalt  }
0x3e: {  	_ =	shalt  }
0x3f: {  	_ =	shalt  }
0x40: {  	_ =	shalt  }
0x41: {  	_ =	shalt  }
0x42: {  	_ =	shalt  }
0x43: {  	_ =	shalt  }
0x44: {  	_ =	shalt  }
0x45: {  	_ =	shalt  }
0x46: {  	_ =	shalt  }
0x47: {  	_ =	shalt  }
0x48: {  	_ =	shalt  }
0x49: {  	_ =	shalt  }
0x4a: {  	_ =	shalt  }
0x4b: {  	_ =	shalt  }
0x4c: {  	_ =	shalt  }
0x4d: {  	_ =	shalt  }
0x4e: {  	_ =	shalt  }
0x4f: {  	_ =	shalt  }
0x50: {  	_ =	shalt  }
0x51: {  	_ =	shalt  }
0x52: {  	_ =	shalt  }
0x53: {  	_ =	shalt  }
0x54: {  	_ =	shalt  }
0x55: {  	_ =	shalt  }
0x56: {  	_ =	shalt  }
0x57: {  	_ =	shalt  }
0x58: {  	_ =	shalt  }
0x59: {  	_ =	shalt  }
0x5a: {  	_ =	shalt  }
0x5b: {  	_ =	shalt  }
0x5c: {  	_ =	shalt  }
0x5d: {  	_ =	shalt  }
0x5e: {  	_ =	shalt  }
0x5f: {  	_ =	shalt  }
0x60: {  	_ =	shalt  }
0x61: {  	_ =	shalt  }
0x62: {  	_ =	shalt  }
0x63: {  	_ =	shalt  }
0x64: {  	_ =	shalt  }
0x65: {  	_ =	shalt  }
0x66: {  	_ =	shalt  }
0x67: {  	_ =	shalt  }
0x68: {  	_ =	shalt  }
0x69: {  	_ =	shalt  }
0x6a: {  	_ =	shalt  }
0x6b: {  	_ =	shalt  }
0x6c: {  	_ =	shalt  }
0x6d: {  	_ =	shalt  }
0x6e: {  	_ =	shalt  }
0x6f: {  	_ =	shalt  }
0x70: {  	_ =	shalt  }
0x71: {  	_ =	shalt  }
0x72: {  	_ =	shalt  }
0x73: {  	_ =	shalt  }
0x74: {  	_ =	shalt  }
0x75: {  	_ =	shalt  }
0x76: {  	_ =	shalt  }
0x77: {  	_ =	shalt  }
0x78: {  	_ =	shalt  }
0x79: {  	_ =	shalt  }
0x7a: {  	_ =	shalt  }
0x7b: {  	_ =	shalt  }
0x7c: {  	_ =	shalt  }
0x7d: {  	_ =	shalt  }
0x7e: {  	_ =	shalt  }
0x7f: {  	_ =	shalt  }
0x80: {  	_ =	shalt  }
0x81: {  	_ =	shalt  }
0x82: {  	_ =	shalt  }
0x83: {  	_ =	shalt  }
0x84: {  	_ =	shalt  }
0x85: {  	_ =	shalt  }
0x86: {  	_ =	shalt  }
0x87: {  	_ =	shalt  }
.Lfunc_end0:
.L_simem_size_0:
called_computation_lowered:
.L_overlay_start_0:
0x88: {  	s2 =	sld [smem:$0x3FD9]  }
0x89: {  	s3 =	sld [smem:$0x3FFE];
	_ =	sdelay $0x1  }
0x8a: {  	s1 =	srdreg.scid  }
0x8b: {  	s0 =	sand.u32 $0x1, s1  }
0x8c: {  	s16 =	sshll.u32 s0, $0xA;
	s2 =	sadd.s32 s3, s2  }
0x8d: {  	s2 =	sadd.s32 s2, s16  }
0x8e: {  	[smem:$0x3FC5] =	sst s2  }
0x8f: {  	_ = 	snop  }
0x90: {  	(tm) =	ssettm $0x1  }
0x91: {  	s17 =	sld [smem:$0x3FFB];
	_ =	sdelay $0x3  }
0x92: {  	_ =	strace s17  }
0x93: {  	s2 =	sld [smem:$0x3FFC];
	_ =	sdelay $0x3  }
0x94: {  	_ =	strace s2  }
0x95: {  	s2 =	sld [smem:$0x3FFD];
	_ =	sdelay $0x3  }
0x96: {  	_ =	strace s2  }
0x97: {  	_ =	strace $0x8FFFFFFF  }
0x98: {  	s18 =	sld [smem:$0x3FDB];
	_ =	sdelay $0x1  }
0x99: {  	s19 =	simm.s32 $_scs_section_size  }
0x9a: {  	s4 =	simm.s32 $_size__tile_overlayer_lowered;
	s5 =	simm.s32 $_tile_overlayer_lowered  }
0x9b: {  	s22 =	simm.s32 $0x1BFF;
	s21 =	sshll.u32 s5, $0x1;
	s2 =	sadd.s32 s19, s18  }
0x9c: {  	s6 =	simm.s32 $0x0;
	s20 =	sshll.u32 s4, $0x1;
	s4 =	sadd.s32 s21, s2  }
0x9d: {  	[timem:s6], [sflag:s22] =	dma.local [hbm:s4], s20  }
0x9e: {  	_ =	swait.ge [sflag:s22], s20  }
0x9f: {  	s3 =	ssub.s32 $0x0, s20;
	[sflag:s22] =	ssyncset.done $0x0  }
0xa0: {  	[sflag:s22] =	ssyncadd.s32 s3;
	_ =	sdelay $0x1  }
0xa1: {  	s23 =	simm.s32 $0x1B8B  }
0xa2: {  	_ =	swait.ge [sflag:s23], $0x1  }
0xa3: {  	[sflag:s23] =	ssyncset.done $0x0  }
0xa4: {  	s25 =	simm.s32 $0x1B8E;
	s24 =	sld [smem:$0x3FFE];
	[sflag:s23] =	ssyncadd.s32 $0xFFFFFFFF  }
0xa5: {  	s26 =	simm.s32 $execute0_lowered;
	[smem:$0x3FD2] =	sst s25  }
0xa6: {  	s4 =	sshll.u32 s26, $0x1;
	_ =	strace $0x80000046;
	[dreg:$0x1] =	wrdreg $0xFFFFFFFF  }
0xa7: {  	s28 =	simm.s32 $_size_execute0_lowered;
	s2 =	sadd.s32 s2, s4;
	[dreg:$0x0] =	wrdreg $0x0  }
0xa8: {  	s4 =	sshll.u32 s28, $0x1;
	[dreg:$0x2] =	wrdreg s2  }
0xa9: {  	[dreg:$0x3] =	wrdreg s4  }
0xaa: {  	[dreg:$0x4] =	wrdreg $0xC0  }
0xab: {  	_ =	task [dreg:s6], $0x5FFFF  }
0xac: {  	[dreg:$0x1] =	wrdreg $0xFFFFFFFF  }
0xad: {  	[dreg:$0x0] =	wrdreg $0x60  }
0xae: {  	[dreg:$0x2] =	wrdreg s24  }
0xaf: {  	[dreg:$0x3] =	wrdreg $0x47000  }
0xb0: {  	[dreg:$0x4] =	wrdreg $0x9  }
0xb1: {  	_ =	task.clear_ibuf [dreg:s6], $0x5FFFF;
	_ =	strace $0x90000046  }
0xb2: {  	s29 =	simm.s32 $0x9;
	_ =	strace $0x80000048  }
0xb3: {  	_ =	swait.ge [sflag:s29], $0x1  }
0xb4: {  	[sflag:s29] =	ssyncadd.s32 $0xFFFFFFFF  }
0xb5: {  	_ =	strace $0x90000048  }
0xb6: {  	_ =	sfence  }
0xb7: {  	s30 =	sld [smem:$0x0];
	_ =	sdelay $0x2  }
0xb8: {  	s31 =	sshll.u32 s1, $0xD;
	s1 =	sshrl.u32 s1, $0x2  }
0xb9: {  	s3 =	sand.u32 $0x4000, s31;
	s1 =	sadd.s32 s1, s30  }
0xba: {  	s0 =	sor.u32 s3, s0;
	s1 =	sshll.u32 s1, $0x11  }
0xbb: {  	s0 =	sor.u32 s1, s0  }
0xbc: {  	s0 =	sadd.s32 $0x8F2B, s0  }
0xbd: {  	[sflag:s0] =	ssyncadd.remote.s32 $0x1  }
0xbe: {  	_ =	sfence.sel $0xFFFF  }
0xbf: {  	[dreg:$0x0] =	wrdreg $0xFFFFFFFF;
	(pc) =	sbr.abs _section_cstart, $3  }
0xc0: {  	[dreg:$0x1] =	wrdreg $0xFFFFFFFF  }
0xc1: {  	_ =	task.clear_ibuf [dreg:s6], $0x2FFFF;
	_ =	strace $0x9FFFFFFF  }
0xc2: {  	(tm) =	ssettm $0x7FFFFFFF  }
0xc3: {  	_ =	shalt  }
tec
execute0_lowered:
.L_overlay_start_1:
0x0: {  	(tag) =	ssettag $0x1  }
0x1: {  	s4 =	rddreg [dreg:$0x0]  }
0x2: {  	s1 =	rddreg [dreg:$0x1]  }
0x3: {  	s0 =	rddreg [dreg:$0x2]  }
0x4: {  	s2 =	simm.s32 $0x0;
	s6 =	srdreg.scid;
	s10 =	stileid.u32  }
0x5: {  	s13 =	simm.s32 $0x200;
	s14 =	simm.s32 $0x2200;
	s16 =	simm.s32 $0x1  }
0x6: {  	[smem:$0x7FF] =	sst s2;
	s3 =	sadd.s32 $0xE00, s4;
	s5 =	sadd.s32 $0x3000, s4  }
0x7: {  	s8 =	sadd.s32 $0x3600, s4;
	s6 =	sand.u32 $0x1, s6;
	s9 =	sshll.u32 s10, $0x9  }
0x8: {  	p0 =	sne.s32 s10, $0x0;
	s10 =	simm.s32 $0x2;
	_ =	strace $0x80000047  }
0x9: {  	s7 =	sshll.u32 s6, $0x7;
	s11 =	sshll.u32 s6, $0x8;
	s26 =	ssub.s32 $0x2, s6  }
0xa: {  	s15 =	sshrl.u32 @!p0 s1, $0x3;
	s7 =	sadd.s32 s7, s4;
	s28 =	sor.u32 s11, s9  }
0xb: {  	s29 =	sshrl.u32 s26, $0x1;
	s11 =	sshrl.u32 s28, $0x3;
	s12 =	sor.u32 $0x80, s28  }
0xc: {  	s9 =	ssub.s32 s26, s29;
	s31 =	sshll.u32 s28, $0x3;
	s6 =	sadd.s32 $0x3400, s7  }
0xd: {  	s4 =	sadd.s32 s5, s11;
	s30 =	sshrl.u32 s12, $0x3;
	s12 =	sshll.u32 s12, $0x3  }
0xe: {  	s7 =	sadd.s32 s8, s31;
	s9 =	smax.u32 s9, $0x1;
	s11 =	simm.s32 $0x80  }
0xf: {  	v0 =	vimm.f32 $0.0e+00;
	v1 =	vimm.f32 $1.000000000e+00;
	s5 =	sadd.s32 s5, s30;
	s8 =	sadd.s32 s8, s12;
	s12 =	simm.s32 $0x100  }
.LBB2_1:
0x10: {  	[tilespmem:s2], [sflag:$0x2] =	stream.linear.gather [hbm4b:s4+s2], $0x80, $0x38;
	[tilespmem:$0x4740] =	vst v63  }
0x11: {  	_ =	swait.ge [sflag:s10], $0x80  }
0x12: {  	[sflag:s10] =	ssyncset.done $0x0  }
0x13: {  	[sflag:s10] =	ssyncadd.s32 $0xFFFFFF80  }
0x14: {  	[tilespmem:s11], [sflag:$0x2] =	stream.linear.gather [hbm4b:s5+s2], $0x80, $0x38;
	[tilespmem:$0x4740] =	vst v63  }
0x15: {  	_ =	swait.ge [sflag:s10], $0x80  }
0x16: {  	[sflag:s10] =	ssyncset.done $0x0  }
0x17: {  	[sflag:s10] =	ssyncadd.s32 $0xFFFFFF80  }
0x18: {  	[tilespmem:s12], [sflag:$0x2] =	stream.linear.gather [hbm4b:s4+s2], $0x100, $0x38;
	[tilespmem:$0x4740] =	vst v63  }
0x19: {  	_ =	swait.ge [sflag:s10], $0x100  }
0x1a: {  	[sflag:s10] =	ssyncset.done $0x0  }
0x1b: {  	[sflag:s10] =	ssyncadd.s32 $0xFFFFFF00  }
0x1c: {  	[tilespmem:s13], [sflag:$0x1] =	stream.indirect.gather [hbm4b:s3+s11], $0x40, s2, s11, $0xb8;
	[tilespmem:$0x4740] =	vst v63  }
0x1d: {  	_ = 	snop  }
0x1e: {  	[tilespmem:s14], [sflag:$0x1] =	stream.indirect.gather [hbm4b:s3+s11], $0x40, s11, s11, $0xb8;
	[tilespmem:$0x4740] =	vst v63  }
0x1f: {  	[tilespmem:$0x4300] =	vst v0  }
0x20: {  	[tilespmem:$0x4310] =	vst v0  }
0x21: {  	[tilespmem:$0x4320] =	vst v0  }
0x22: {  	[tilespmem:$0x4330] =	vst v0  }
0x23: {  	[tilespmem:$0x4340] =	vst v0  }
0x24: {  	[tilespmem:$0x4350] =	vst v0  }
0x25: {  	[tilespmem:$0x4360] =	vst v0  }
0x26: {  	[tilespmem:$0x4370] =	vst v0  }
0x27: {  	[tilespmem:$0x4380] =	vst v0  }
0x28: {  	[tilespmem:$0x4390] =	vst v0  }
0x29: {  	[tilespmem:$0x43A0] =	vst v0  }
0x2a: {  	[tilespmem:$0x43B0] =	vst v0  }
0x2b: {  	[tilespmem:$0x43C0] =	vst v0  }
0x2c: {  	[tilespmem:$0x43D0] =	vst v0  }
0x2d: {  	[tilespmem:$0x43E0] =	vst v0  }
0x2e: {  	[tilespmem:$0x43F0] =	vst v0  }
0x2f: {  	[tilespmem:$0x4400] =	vst v0  }
0x30: {  	[tilespmem:$0x4410] =	vst v0  }
0x31: {  	[tilespmem:$0x4420] =	vst v0  }
0x32: {  	[tilespmem:$0x4430] =	vst v0  }
0x33: {  	[tilespmem:$0x4440] =	vst v0  }
0x34: {  	[tilespmem:$0x4450] =	vst v0  }
0x35: {  	[tilespmem:$0x4460] =	vst v0  }
0x36: {  	[tilespmem:$0x4470] =	vst v0  }
0x37: {  	[tilespmem:$0x4480] =	vst v0  }
0x38: {  	[tilespmem:$0x4490] =	vst v0  }
0x39: {  	[tilespmem:$0x44A0] =	vst v0  }
0x3a: {  	[tilespmem:$0x44B0] =	vst v0  }
0x3b: {  	[tilespmem:$0x44C0] =	vst v0  }
0x3c: {  	[tilespmem:$0x44D0] =	vst v0  }
0x3d: {  	[tilespmem:$0x44E0] =	vst v0  }
0x3e: {  	[tilespmem:$0x44F0] =	vst v0  }
0x3f: {  	[tilespmem:$0x4500] =	vst v0  }
0x40: {  	[tilespmem:$0x4510] =	vst v0  }
0x41: {  	[tilespmem:$0x4520] =	vst v0  }
0x42: {  	[tilespmem:$0x4530] =	vst v0  }
0x43: {  	[tilespmem:$0x4540] =	vst v0  }
0x44: {  	[tilespmem:$0x4550] =	vst v0  }
0x45: {  	[tilespmem:$0x4560] =	vst v0  }
0x46: {  	[tilespmem:$0x4570] =	vst v0  }
0x47: {  	[tilespmem:$0x4580] =	vst v0  }
0x48: {  	[tilespmem:$0x4590] =	vst v0  }
0x49: {  	[tilespmem:$0x45A0] =	vst v0  }
0x4a: {  	[tilespmem:$0x45B0] =	vst v0  }
0x4b: {  	[tilespmem:$0x45C0] =	vst v0  }
0x4c: {  	[tilespmem:$0x45D0] =	vst v0  }
0x4d: {  	[tilespmem:$0x45E0] =	vst v0  }
0x4e: {  	[tilespmem:$0x45F0] =	vst v0  }
0x4f: {  	[tilespmem:$0x4600] =	vst v0  }
0x50: {  	[tilespmem:$0x4610] =	vst v0  }
0x51: {  	[tilespmem:$0x4620] =	vst v0  }
0x52: {  	[tilespmem:$0x4630] =	vst v0  }
0x53: {  	[tilespmem:$0x4640] =	vst v0  }
0x54: {  	[tilespmem:$0x4650] =	vst v0  }
0x55: {  	[tilespmem:$0x4660] =	vst v0  }
0x56: {  	[tilespmem:$0x4670] =	vst v0  }
0x57: {  	[tilespmem:$0x4680] =	vst v0  }
0x58: {  	[tilespmem:$0x4690] =	vst v0  }
0x59: {  	[tilespmem:$0x46A0] =	vst v0  }
0x5a: {  	[tilespmem:$0x46B0] =	vst v0  }
0x5b: {  	[tilespmem:$0x46C0] =	vst v0  }
0x5c: {  	[tilespmem:$0x46D0] =	vst v0  }
0x5d: {  	[tilespmem:$0x46E0] =	vst v0  }
0x5e: {  	[tilespmem:$0x46F0] =	vst v0  }
0x5f: {  	[tilespmem:$0x4200] =	vst v1  }
0x60: {  	[tilespmem:$0x4210] =	vst v1  }
0x61: {  	[tilespmem:$0x4220] =	vst v1  }
0x62: {  	[tilespmem:$0x4230] =	vst v1  }
0x63: {  	[tilespmem:$0x4240] =	vst v1  }
0x64: {  	[tilespmem:$0x4250] =	vst v1  }
0x65: {  	[tilespmem:$0x4260] =	vst v1  }
0x66: {  	[tilespmem:$0x4270] =	vst v1  }
0x67: {  	[tilespmem:$0x4280] =	vst v1  }
0x68: {  	[tilespmem:$0x4290] =	vst v1  }
0x69: {  	[tilespmem:$0x42A0] =	vst v1  }
0x6a: {  	[tilespmem:$0x42B0] =	vst v1  }
0x6b: {  	[tilespmem:$0x42C0] =	vst v1  }
0x6c: {  	[tilespmem:$0x42D0] =	vst v1  }
0x6d: {  	[tilespmem:$0x42E0] =	vst v1  }
0x6e: {  	[tilespmem:$0x42F0] =	vst v1  }
0x6f: {  	s17 =	simm.s32 @p0 $0x100;
	s18 =	simm.s32 @p0 $0x4200;
	[bflag:$0x0] =	sbarrier.arrive @p0 $0xFFFF  }
0x70: {  	[spmem:s1] =	stream.indirect.scatter.add.f32 @p0 [tilespmem:s18], [sflag:$0x2], $0x1, s17, s17, $0xb8;
	[tilespmem:$0x4740] =	vst v63  }
0x71: {  	s17 =	simm.s32 @p0 $0x2  }
0x72: {  	_ =	swait.ge @p0 [sflag:s17], $0x100  }
0x73: {  	[sflag:s17] =	ssyncset.done @p0 $0x0  }
0x74: {  	[sflag:s17] =	ssyncadd.s32 @p0 $0xFFFFFF00  }
0x75: {  	s17 =	simm.s32 @!p0 $0x4300;
	[bflag:$0x0] =	sbarrier.arrive @p0 $0xFFFF  }
0x76: {  	[spmem:s1] =	stream.linear.scatter @!p0 [tilespmem:s17], [sflag:$0x2], $0x400, $0x38;
	[tilespmem:$0x4740] =	vst v63  }
0x77: {  	s17 =	simm.s32 @!p0 $0x2  }
0x78: {  	_ =	swait.ge @!p0 [sflag:s17], $0x400  }
0x79: {  	[sflag:s17] =	ssyncset.done @!p0 $0x0  }
0x7a: {  	[sflag:s17] =	ssyncadd.s32 @!p0 $0xFFFFFC00  }
0x7b: {  	s19 =	simm.s32 @!p0 $0x4200;
	s18 =	simm.s32 @!p0 $0x100;
	[bflag:$0x0] =	sbarrier.arrive @!p0 $0xFFFF  }
0x7c: {  	[spmem:s1] =	stream.indirect.scatter.add.f32 @!p0 [tilespmem:s19], [sflag:$0x2], $0x1, s18, s18, $0xb8;
	[tilespmem:$0x4740] =	vst v63  }
0x7d: {  	_ =	swait.ge @!p0 [sflag:s17], $0x100  }
0x7e: {  	[sflag:s17] =	ssyncset.done @!p0 $0x0  }
0x7f: {  	[sflag:s17] =	ssyncadd.s32 @!p0 $0xFFFFFF00  }
0x80: {  	s18 =	simm.s32 @!p0 $0x1C02;
	[bflag:$0x0] =	sbarrier.arrive @!p0 $0xFFFF  }
0x81: {  	[hbm:s6], [sflag:s18] =	dma.local @!p0 [spmem:s15], $0x80  }
0x82: {  	_ =	swait.ge @!p0 [sflag:s17], $0x80  }
0x83: {  	[sflag:s17] =	ssyncset.done @!p0 $0x0  }
0x84: {  	[sflag:s17] =	ssyncadd.s32 @!p0 $0xFFFFFF80  }
0x85: {  	_ =	swait.ge [sflag:s16], $0x2000  }
0x86: {  	[sflag:s16] =	ssyncset.done $0x0  }
0x87: {  	[sflag:s16] =	ssyncadd.s32 $0xFFFFE000  }
0x88: {  	[hbm4b:s7+s2] =	stream.linear.scatter [tilespmem:s13], [sflag:$0x2], $0x2000, $0x38;
	[tilespmem:$0x4740] =	vst v63  }
0x89: {  	_ =	swait.ge [sflag:s10], $0x2000  }
0x8a: {  	[sflag:s10] =	ssyncset.done $0x0  }
0x8b: {  	[sflag:s10] =	ssyncadd.s32 $0xFFFFE000  }
0x8c: {  	s9 =	sadd.s32 $0xFFFFFFFF, s9;
	_ =	swait.ge [sflag:s16], $0x2000  }
0x8d: {  	p1 =	sne.s32 s9, $0x0;
	[sflag:s16] =	ssyncset.done $0x0  }
.Ltmp0:
0x8e: {  	[sflag:s16] =	ssyncadd.s32 $0xFFFFE000;
	(pc) =	sbr.rel @p1 .LBB2_1-.Ltmp0, $4  }
0x8f: {  	[hbm4b:s8+s2] =	stream.linear.scatter [tilespmem:s14], [sflag:$0x2], $0x2000, $0x38;
	[tilespmem:$0x4740] =	vst v63  }
0x90: {  	_ =	swait.ge [sflag:s10], $0x2000  }
0x91: {  	[sflag:s10] =	ssyncset.done $0x0  }
0x92: {  	[sflag:s10] =	ssyncadd.s32 $0xFFFFE000  }
0x93: {  	_ =	sfence.sel $0x180000  }
0x94: {  	[bflag:$0x0] =	sbarrier.arrive $0xFFFF  }
0x95: {  	_ =	strace $0x90000047  }
0x96: {  	s0 =	sadd.s32 @!p0 $0x100000, s0;
	[bflag:$0x2] =	sbarrier.arrive $0xFFFF  }
0x97: {  	[sflag:s0] =	ssyncadd.tile.s32 @!p0 $0x1;
	_ =	shalt  }
.Lfunc_end2:
_tile_overlayer_lowered:
.L_overlay_start_2:
0x98: {  	(tag) =	ssettag $0x2  }
0x99: {  	s0 =	rddreg [dreg:$0x0];
	s2 =	stileid.u32  }
0x9a: {  	s1 =	rddreg [dreg:$0x1];
	p0 =	sne.s32 s2, $0x0  }
0x9b: {  	s3 =	rddreg [dreg:$0x2];
	[bflag:$0x3] =	sbarrier.arrive $0xFFFF;
	s2 =	simm.s32 @!p0 $0x1C02  }
0x9c: {  	[timem:s3], [sflag:s2] =	dma.local @!p0 [hbm:s0], s1  }
0x9d: {  	s0 =	simm.s32 @!p0 $0x2  }
0x9e: {  	_ =	swait.ge @!p0 [sflag:s0], s1  }
0x9f: {  	s1 =	ssub.s32 @!p0 $0x0, s1;
	[sflag:s0] =	ssyncset.done @!p0 $0x0  }
0xa0: {  	[sflag:s0] =	ssyncadd.s32 @!p0 s1  }
0xa1: {  	[bflag:$0x3] =	sbarrier.arrive $0xFFFF  }
0xa2: {  	_ =	shalt  }

</sc_bundles>
